<compile_context>
chip_gen: v7x
topology: tpu7x:2x2x1
jax: 0.10.2.dev20260603
libtpu: 0.0.44.dev20260713+nightly
codegen_flags: <defaults>
</compile_context>

<pallas_src>
import functools

import jax
import jax.numpy as jnp
from jax import lax
from jax.experimental import pallas as pl
from jax.experimental.pallas import tpu as pltpu
from jax.experimental.pallas import tpu_sc as plsc

K = 16
N = 2048
BZ = 4
D = 128
RA = 256
RC = 128

NC = 2
NS = 16
NW = NC * NS
TOT_ROWS = BZ * N * K
ROWS_PER_W = TOT_ROWS // NW
CHUNK = 128
NCHUNK = ROWS_PER_W // CHUNK


def _knn_body(pos_ref, post_ref, nn_ref):
    b = pl.program_id(0)
    pq = pos_ref[0]
    pk = post_ref[0]
    dist = None
    for d in range(3):
        dd = pq[:, d:d + 1] - pk[d:d + 1, :]
        sq = dd * dd
        dist = sq if dist is None else dist + sq
    iota = lax.broadcasted_iota(jnp.int32, (RA, N), 1).astype(jnp.float32)
    kio = lax.broadcasted_iota(jnp.int32, (RA, K), 1)
    out = jnp.zeros((RA, K), jnp.float32)
    inf = jnp.float32(jnp.inf)
    for k in range(K):
        m = jnp.min(dist, axis=1, keepdims=True)
        cand = jnp.where(dist == m, iota, float(N))
        idx = jnp.min(cand, axis=1, keepdims=True)
        out = jnp.where(kio == k, idx, out)
        dist = jnp.where(cand == idx, inf, dist)
    nn_ref[0] = out.astype(jnp.int32) + b * N


def _knn(pos, post):
    bz = pos.shape[0]
    return pl.pallas_call(
        _knn_body,
        grid=(bz, N // RA),
        in_specs=[
            pl.BlockSpec((1, RA, 3), lambda b, i: (b, i, 0)),
            pl.BlockSpec((1, 3, N), lambda b, i: (b, 0, 0)),
        ],
        out_specs=pl.BlockSpec((1, RA, K), lambda b, i: (b, i, 0)),
        out_shape=jax.ShapeDtypeStruct((bz, N, K), jnp.int32),
    )(pos, post)


def _gather_body(rows_pw, nchunk, table_hbm, idx_hbm, out_hbm, idx_v,
                 rows0, rows1, g0, g1, s0, s1):
    NCHUNK = nchunk
    wid = lax.axis_index("s") * NC + lax.axis_index("c")
    wbase = pl.multiple_of(wid * rows_pw, rows_pw)
    pltpu.sync_copy(idx_hbm.at[pl.ds(wbase, rows_pw)], idx_v)

    rows = (rows0, rows1)
    gsem = (g0, g1)
    ssem = (s0, s1)

    def gather_start(i):
        buf = i % 2
        return pltpu.async_copy(
            table_hbm.at[idx_v.at[pl.ds(i * CHUNK, CHUNK)]],
            rows[buf], gsem[buf])

    def scatter_start(i):
        buf = i % 2
        base = pl.multiple_of(wbase + i * CHUNK, CHUNK)
        return pltpu.async_copy(rows[buf], out_hbm.at[pl.ds(base, CHUNK)],
                                ssem[buf])

    pending = {0: gather_start(0)}
    scat = {}
    for i in range(NCHUNK):
        buf = i % 2
        if i + 1 < NCHUNK:
            if i >= 1:
                scat[i - 1].wait()
            pending[i + 1] = gather_start(i + 1)
        pending[i].wait()
        scat[i] = scatter_start(i)
    scat[NCHUNK - 2].wait()
    scat[NCHUNK - 1].wait()


def _sc_gather(feat_flat, idx_flat):
    rows = idx_flat.shape[0]
    rows_pw = rows // NW
    nchunk = rows_pw // CHUNK
    kfn = functools.partial(
        pl.kernel,
        mesh=plsc.VectorSubcoreMesh(core_axis_name="c", subcore_axis_name="s"),
        out_type=jax.ShapeDtypeStruct((rows, D), jnp.float32),
        scratch_types=[
            pltpu.VMEM((rows_pw,), jnp.int32),
            pltpu.VMEM((CHUNK, D), jnp.float32),
            pltpu.VMEM((CHUNK, D), jnp.float32),
            pltpu.SemaphoreType.DMA,
            pltpu.SemaphoreType.DMA,
            pltpu.SemaphoreType.DMA,
            pltpu.SemaphoreType.DMA,
        ],
    )(functools.partial(_gather_body, rows_pw, nchunk))
    return kfn(feat_flat, idx_flat)


def _dense_body(gf_ref, feat_ref, ww1_ref, bw1_ref, ww2_ref, bw2_ref,
                wm1_ref, bm1_ref, gm1_ref, em1_ref,
                wm2_ref, bm2_ref, gm2_ref, em2_ref, out_ref):
    fq = feat_ref[0]
    gf = gf_ref[0]
    fq_rep = jnp.broadcast_to(fq[:, None, :], (RC, K, D)).reshape(RC * K, D)
    rel = gf - fq_rep

    ww1 = ww1_ref[...]
    bw1 = bw1_ref[...]
    ww2 = ww2_ref[...]
    bw2 = bw2_ref[...]

    h1 = jnp.maximum(jnp.dot(rel, ww1, preferred_element_type=jnp.float32)
                     + bw1, 0.0)
    h2 = jnp.dot(h1, ww2, preferred_element_type=jnp.float32) + bw2
    w = 1.0 / (1.0 + jnp.exp(-h2))

    accum = jnp.sum((rel * w).reshape(RC, K, D), axis=1)

    h1s = jnp.maximum(jnp.dot(fq, ww1, preferred_element_type=jnp.float32)
                      + bw1, 0.0)
    h2s = jnp.dot(h1s, ww2, preferred_element_type=jnp.float32) + bw2
    ws = 1.0 / (1.0 + jnp.exp(-h2s))

    res = fq + ws * fq - accum

    h = jnp.maximum(gm1_ref[...] * (jnp.dot(res, wm1_ref[...],
                                            preferred_element_type=jnp.float32)
                                    + bm1_ref[...]) + em1_ref[...], 0.0)
    out = gm2_ref[...] * (jnp.dot(h, wm2_ref[...],
                                  preferred_element_type=jnp.float32)
                          + bm2_ref[...]) + em2_ref[...]
    out_ref[0] = out


def _dense(gf, feat, ww1, bw1, ww2, bw2, wm1, bm1, gm1, em1,
           wm2, bm2, gm2, em2):
    bz = gf.shape[0]
    full = lambda r, c: pl.BlockSpec((r, c), lambda b, i: (0, 0))
    return pl.pallas_call(
        _dense_body,
        grid=(bz, N // RC),
        in_specs=[
            pl.BlockSpec((1, RC * K, D), lambda b, i: (b, i, 0)),
            pl.BlockSpec((1, RC, D), lambda b, i: (b, i, 0)),
            full(D, D), full(1, D), full(D, D), full(1, D),
            full(D, D), full(1, D), full(1, D), full(1, D),
            full(D, D), full(1, D), full(1, D), full(1, D),
        ],
        out_specs=pl.BlockSpec((1, RC, D), lambda b, i: (b, i, 0)),
        out_shape=jax.ShapeDtypeStruct((bz, N, D), jnp.float32),
    )(gf, feat, ww1, bw1, ww2, bw2, wm1, bm1, gm1, em1, wm2, bm2, gm2, em2)


def kernel(x, pos, W_mlp1, b_mlp1, g_mlp1, be_mlp1, W_mlp2, b_mlp2, g_mlp2,
           be_mlp2, W_w1, b_w1, W_w2, b_w2):
    feat = jnp.concatenate([x, pos], axis=-1)
    post = jnp.transpose(pos, (0, 2, 1))

    row = lambda v: v.reshape(1, D)
    wargs = (W_w1, row(b_w1), W_w2, row(b_w2),
             W_mlp1, row(b_mlp1), row(g_mlp1), row(be_mlp1),
             W_mlp2, row(b_mlp2), row(g_mlp2), row(be_mlp2))

    G = 2
    outs = []
    for b in range(0, BZ, G):
        nn_b = _knn(pos[b:b + G], post[b:b + G])
        gf_b = _sc_gather(feat[b:b + G].reshape(G * N, D),
                          nn_b.reshape(G * N * K))
        outs.append(_dense(gf_b.reshape(G, N * K, D), feat[b:b + G], *wargs))
    return jnp.concatenate(outs, axis=0)

# --- scband reference (transcript-rebuilt; emitter-appended) ---
"""Pipeline reference for scband-pointweb-conv-90185723281817 (READ-ONLY COPY).

The authoritative reference and input builder live on the scoring server;
editing this copy changes nothing except your own understanding.
"""

import jax, jax.numpy as jnp
import numpy as np

K = 16
D_IN = 128
D_OUT = 128


def _bis(values, indices):
    # batched_index_select(values[b, N, d], indices[b, M, k]) -> [b, M, k, d]
    return jax.vmap(lambda v, i: v[i])(values, indices)


def setup_inputs(seed: int = 0) -> dict:
    key = jax.random.key(seed)
    ks = jax.random.split(key, 8)
    bz, N, fd, pd = 4, 2048, 125, 3
    s_in = 1.0 / np.sqrt(D_IN)
    s_out = 1.0 / np.sqrt(D_OUT)
    inp = {}
    inp['x'] = jax.random.normal(ks[0], (bz, N, fd), dtype=jnp.float32)
    inp['pos'] = jax.random.uniform(ks[1], (bz, N, pd), dtype=jnp.float32)
    # feat_mlp_net: two 1x1 conv layers with BN (eval-mode affine), relu after first, last_act=False
    inp['W_mlp1'] = jax.random.normal(ks[2], (D_IN, D_OUT), dtype=jnp.float32) * s_in
    inp['b_mlp1'] = jnp.zeros((D_OUT,), dtype=jnp.float32)
    inp['g_mlp1'] = jnp.ones((D_OUT,), dtype=jnp.float32)
    inp['be_mlp1'] = jnp.zeros((D_OUT,), dtype=jnp.float32)
    inp['W_mlp2'] = jax.random.normal(ks[3], (D_OUT, D_OUT), dtype=jnp.float32) * s_out
    inp['b_mlp2'] = jnp.zeros((D_OUT,), dtype=jnp.float32)
    inp['g_mlp2'] = jnp.ones((D_OUT,), dtype=jnp.float32)
    inp['be_mlp2'] = jnp.zeros((D_OUT,), dtype=jnp.float32)
    # feat_diff_to_weights_net: two 1x1 conv layers, relu after first, no act on last
    inp['W_w1'] = jax.random.normal(ks[4], (D_IN, D_OUT), dtype=jnp.float32) * s_in
    inp['b_w1'] = jnp.zeros((D_OUT,), dtype=jnp.float32)
    inp['W_w2'] = jax.random.normal(ks[5], (D_OUT, D_OUT), dtype=jnp.float32) * s_out
    inp['b_w2'] = jnp.zeros((D_OUT,), dtype=jnp.float32)
    return inp


def reference(x, pos, W_mlp1, b_mlp1, g_mlp1, be_mlp1, W_mlp2, b_mlp2, g_mlp2, be_mlp2, W_w1, b_w1, W_w2, b_w2):
    # sampled_idx is None -> all N points are query points
    sampled_pos = pos
    sampled_x = x
    # pairwise squared distances [bz, N, N]
    sampled_dist = jnp.sum((sampled_pos[:, :, None, :] - pos[:, None, :, :]) ** 2, axis=-1)
    # k smallest -> top_k of negated distances
    _, nn_idx = jax.lax.top_k(-sampled_dist, K)
    gathered_pos = _bis(pos, nn_idx)  # [bz, N, K, 3]
    gathered_x = _bis(x, nn_idx)      # [bz, N, K, fd]
    rel_pos = gathered_pos - sampled_pos[:, :, None, :]
    rel_x = gathered_x - sampled_x[:, :, None, :]
    rel_feat = jnp.concatenate([rel_x, rel_pos], axis=-1)  # [bz, N, K, D_IN]

    def wnet(t):
        h = jax.nn.relu(jnp.dot(t, W_w1) + b_w1)
        return jnp.dot(h, W_w2) + b_w2

    weights = jax.nn.sigmoid(wnet(rel_feat))  # [bz, N, K, D_OUT]
    # full per-point feature [x, pos] so channel dims are consistent (D_IN)
    sampled_full = jnp.concatenate([sampled_x, sampled_pos], axis=-1)[:, :, None, :]  # [bz, N, 1, D_IN]
    weights_self = jax.nn.sigmoid(wnet(sampled_full))
    res_x = sampled_full + weights_self * sampled_full - jnp.sum(rel_feat * weights, axis=2, keepdims=True)

    h = jax.nn.relu(g_mlp1 * (jnp.dot(res_x, W_mlp1) + b_mlp1) + be_mlp1)
    h = g_mlp2 * (jnp.dot(h, W_mlp2) + b_mlp2) + be_mlp2  # last_act=False
    out = jnp.max(h, axis=2)  # [bz, N, D_OUT]
    return out

if __name__ == "__main__":
    import jax
    _d = setup_inputs()
    print(jax.jit(kernel)(*tuple(_d.values())))

</pallas_src>

<mosaic_0001>
#map = affine_map<(d0, d1) -> (0, 0)>
#map1 = affine_map<(d0, d1) -> (0)>
module attributes {stable_mosaic.version = 14 : i64} {
  func.func @_gather_body(%arg0: i32, %arg1: i32, %arg2: memref<4096x128xf32, #tpu.memory_space<hbm>>, %arg3: memref<65536xi32, #tpu.memory_space<hbm>>, %arg4: memref<65536x128xf32, #tpu.memory_space<hbm>>, %arg5: memref<2048xi32, #tpu.memory_space<vmem>>, %arg6: memref<128x128xf32, #tpu.memory_space<vmem>>, %arg7: memref<128x128xf32, #tpu.memory_space<vmem>>, %arg8: memref<!tpu.dma_semaphore, #tpu.memory_space<semaphore_mem>>, %arg9: memref<!tpu.dma_semaphore, #tpu.memory_space<semaphore_mem>>, %arg10: memref<!tpu.dma_semaphore, #tpu.memory_space<semaphore_mem>>, %arg11: memref<!tpu.dma_semaphore, #tpu.memory_space<semaphore_mem>>) attributes {dimension_semantics = [#tpu.dimension_semantics<core_parallel>, #tpu.dimension_semantics<subcore_parallel>], iteration_bounds = array<i64: 2, 16>, scalar_prefetch = 0 : i64, scratch_operands = 7 : i64, tpu.core_type = #tpu.core_type<sc_vector_subcore>, window_params = [{transform_indices = #map}, {transform_indices = #map1}, {transform_indices = #map}]} {
    %mul3A = arith.constant 2 : i32
    %mul3A_0 = arith.muli %arg1, %mul3A : i32
    %add3A = arith.addi %mul3A_0, %arg0 : i32
    %mul3A_1 = arith.constant 2048 : i32
    %mul3A_2 = arith.muli %add3A, %mul3A_1 : i32
    %multiple_of3A = tpu.assume_multiple %mul3A_2, 2048 : i32
    "tpu.region"() ({
      %run_scoped3A = tpu.sem_alloc : memref<!tpu.dma_semaphore, #tpu.memory_space<semaphore_mem>>
      %dma_start3A_337 = tpu.memref_slice %arg3[%multiple_of3A] : memref<65536xi32, #tpu.memory_space<hbm>> -> memref<2048xi32, #tpu.memory_space<hbm>>
      %dma_start3A_338 = tpu.memref_slice %arg3[%multiple_of3A] : memref<65536xi32, #tpu.memory_space<hbm>> -> memref<2048xi32, #tpu.memory_space<hbm>>
      tpu.enqueue_dma source(%dma_start3A_338 : memref<2048xi32, #tpu.memory_space<hbm>>) target(%arg5 : memref<2048xi32, #tpu.memory_space<vmem>>) target_semaphore(%run_scoped3A : memref<!tpu.dma_semaphore, #tpu.memory_space<semaphore_mem>>)
      %dma_wait3A_339 = tpu.memref_slice %arg3[%multiple_of3A] : memref<65536xi32, #tpu.memory_space<hbm>> -> memref<2048xi32, #tpu.memory_space<hbm>>
      %dma_wait3A_340 = tpu.memref_slice %arg3[%multiple_of3A] : memref<65536xi32, #tpu.memory_space<hbm>> -> memref<2048xi32, #tpu.memory_space<hbm>>
      tpu.wait_dma2 semaphore(%run_scoped3A : memref<!tpu.dma_semaphore, #tpu.memory_space<semaphore_mem>>) src(%dma_wait3A_340 : memref<2048xi32, #tpu.memory_space<hbm>>) dst(%arg5 : memref<2048xi32, #tpu.memory_space<vmem>>)
      tpu.yield
    }) : () -> ()
    %dma_start3A = arith.constant 0 : i32
    %dma_start3A_3 = tpu.memref_slice %arg5[%dma_start3A] : memref<2048xi32, #tpu.memory_space<vmem>> -> memref<128xi32, #tpu.memory_space<vmem>>
    %dma_start3A_4 = arith.constant 0 : i32
    %dma_start3A_5 = arith.constant 0 : i32
    %dma_start3A_6 = tpu.memref_slice %arg2[%dma_start3A_4, %dma_start3A_5] : memref<4096x128xf32, #tpu.memory_space<hbm>> -> memref<4096x128xf32, #tpu.memory_space<hbm>>
    tpu.enqueue_indirect_dma source(%dma_start3A_6 : memref<4096x128xf32, #tpu.memory_space<hbm>>) target(%arg6 : memref<128x128xf32, #tpu.memory_space<vmem>>) offsets(%dma_start3A_3 : memref<128xi32, #tpu.memory_space<vmem>>) semaphore(%arg8 : memref<!tpu.dma_semaphore, #tpu.memory_space<semaphore_mem>>)
    %dma_start3A_7 = arith.constant 128 : i32
    %dma_start3A_8 = tpu.memref_slice %arg5[%dma_start3A_7] : memref<2048xi32, #tpu.memory_space<vmem>> -> memref<128xi32, #tpu.memory_space<vmem>>
    %dma_start3A_9 = arith.constant 0 : i32
    %dma_start3A_10 = arith.constant 0 : i32
    %dma_start3A_11 = tpu.memref_slice %arg2[%dma_start3A_9, %dma_start3A_10] : memref<4096x128xf32, #tpu.memory_space<hbm>> -> memref<4096x128xf32, #tpu.memory_space<hbm>>
    tpu.enqueue_indirect_dma source(%dma_start3A_11 : memref<4096x128xf32, #tpu.memory_space<hbm>>) target(%arg7 : memref<128x128xf32, #tpu.memory_space<vmem>>) offsets(%dma_start3A_8 : memref<128xi32, #tpu.memory_space<vmem>>) semaphore(%arg9 : memref<!tpu.dma_semaphore, #tpu.memory_space<semaphore_mem>>)
    %dma_wait3A = arith.constant 0 : i32
    %dma_wait3A_12 = tpu.memref_slice %arg5[%dma_wait3A] : memref<2048xi32, #tpu.memory_space<vmem>> -> memref<128xi32, #tpu.memory_space<vmem>>
    %dma_wait3A_13 = arith.constant 0 : i32
    %dma_wait3A_14 = arith.constant 0 : i32
    %dma_wait3A_15 = tpu.memref_slice %arg2[%dma_wait3A_13, %dma_wait3A_14] : memref<4096x128xf32, #tpu.memory_space<hbm>> -> memref<4096x128xf32, #tpu.memory_space<hbm>>
    tpu.wait_indirect_dma semaphore(%arg8 : memref<!tpu.dma_semaphore, #tpu.memory_space<semaphore_mem>>) src(%dma_wait3A_15 : memref<4096x128xf32, #tpu.memory_space<hbm>>) dst(%arg6 : memref<128x128xf32, #tpu.memory_space<vmem>>)
    %add3A_16 = arith.constant 0 : i32
    %add3A_17 = arith.addi %multiple_of3A, %add3A_16 : i32
    %multiple_of3A_18 = tpu.assume_multiple %add3A_17, 128 : i32
    %dma_start3A_19 = arith.constant 0 : i32
    %dma_start3A_20 = tpu.memref_slice %arg4[%multiple_of3A_18, %dma_start3A_19] : memref<65536x128xf32, #tpu.memory_space<hbm>> -> memref<128x128xf32, #tpu.memory_space<hbm>>
    %dma_start3A_21 = arith.constant 0 : i32
    %dma_start3A_22 = tpu.memref_slice %arg4[%multiple_of3A_18, %dma_start3A_21] : memref<65536x128xf32, #tpu.memory_space<hbm>> -> memref<128x128xf32, #tpu.memory_space<hbm>>
    tpu.enqueue_dma source(%arg6 : memref<128x128xf32, #tpu.memory_space<vmem>>) target(%dma_start3A_22 : memref<128x128xf32, #tpu.memory_space<hbm>>) target_semaphore(%arg10 : memref<!tpu.dma_semaphore, #tpu.memory_space<semaphore_mem>>)
    %dma_wait3A_23 = arith.constant 0 : i32
    %dma_wait3A_24 = tpu.memref_slice %arg4[%multiple_of3A_18, %dma_wait3A_23] : memref<65536x128xf32, #tpu.memory_space<hbm>> -> memref<128x128xf32, #tpu.memory_space<hbm>>
    %dma_wait3A_25 = arith.constant 0 : i32
    %dma_wait3A_26 = tpu.memref_slice %arg4[%multiple_of3A_18, %dma_wait3A_25] : memref<65536x128xf32, #tpu.memory_space<hbm>> -> memref<128x128xf32, #tpu.memory_space<hbm>>
    tpu.wait_dma2 semaphore(%arg10 : memref<!tpu.dma_semaphore, #tpu.memory_space<semaphore_mem>>) src(%arg6 : memref<128x128xf32, #tpu.memory_space<vmem>>) dst(%dma_wait3A_26 : memref<128x128xf32, #tpu.memory_space<hbm>>)
    %dma_start3A_27 = arith.constant 256 : i32
    %dma_start3A_28 = tpu.memref_slice %arg5[%dma_start3A_27] : memref<2048xi32, #tpu.memory_space<vmem>> -> memref<128xi32, #tpu.memory_space<vmem>>
    %dma_start3A_29 = arith.constant 0 : i32
    %dma_start3A_30 = arith.constant 0 : i32
    %dma_start3A_31 = tpu.memref_slice %arg2[%dma_start3A_29, %dma_start3A_30] : memref<4096x128xf32, #tpu.memory_space<hbm>> -> memref<4096x128xf32, #tpu.memory_space<hbm>>
    tpu.enqueue_indirect_dma source(%dma_start3A_31 : memref<4096x128xf32, #tpu.memory_space<hbm>>) target(%arg6 : memref<128x128xf32, #tpu.memory_space<vmem>>) offsets(%dma_start3A_28 : memref<128xi32, #tpu.memory_space<vmem>>) semaphore(%arg8 : memref<!tpu.dma_semaphore, #tpu.memory_space<semaphore_mem>>)
    %dma_wait3A_32 = arith.constant 128 : i32
    %dma_wait3A_33 = tpu.memref_slice %arg5[%dma_wait3A_32] : memref<2048xi32, #tpu.memory_space<vmem>> -> memref<128xi32, #tpu.memory_space<vmem>>
    %dma_wait3A_34 = arith.constant 0 : i32
    %dma_wait3A_35 = arith.constant 0 : i32
    %dma_wait3A_36 = tpu.memref_slice %arg2[%dma_wait3A_34, %dma_wait3A_35] : memref<4096x128xf32, #tpu.memory_space<hbm>> -> memref<4096x128xf32, #tpu.memory_space<hbm>>
    tpu.wait_indirect_dma semaphore(%arg9 : memref<!tpu.dma_semaphore, #tpu.memory_space<semaphore_mem>>) src(%dma_wait3A_36 : memref<4096x128xf32, #tpu.memory_space<hbm>>) dst(%arg7 : memref<128x128xf32, #tpu.memory_space<vmem>>)
    %add3A_37 = arith.constant 128 : i32
    %add3A_38 = arith.addi %multiple_of3A, %add3A_37 : i32
    %multiple_of3A_39 = tpu.assume_multiple %add3A_38, 128 : i32
    %dma_start3A_40 = arith.constant 0 : i32
    %dma_start3A_41 = tpu.memref_slice %arg4[%multiple_of3A_39, %dma_start3A_40] : memref<65536x128xf32, #tpu.memory_space<hbm>> -> memref<128x128xf32, #tpu.memory_space<hbm>>
    %dma_start3A_42 = arith.constant 0 : i32
    %dma_start3A_43 = tpu.memref_slice %arg4[%multiple_of3A_39, %dma_start3A_42] : memref<65536x128xf32, #tpu.memory_space<hbm>> -> memref<128x128xf32, #tpu.memory_space<hbm>>
    tpu.enqueue_dma source(%arg7 : memref<128x128xf32, #tpu.memory_space<vmem>>) target(%dma_start3A_43 : memref<128x128xf32, #tpu.memory_space<hbm>>) target_semaphore(%arg11 : memref<!tpu.dma_semaphore, #tpu.memory_space<semaphore_mem>>)
    %dma_wait3A_44 = arith.constant 0 : i32
    %dma_wait3A_45 = tpu.memref_slice %arg4[%multiple_of3A_39, %dma_wait3A_44] : memref<65536x128xf32, #tpu.memory_space<hbm>> -> memref<128x128xf32, #tpu.memory_space<hbm>>
    %dma_wait3A_46 = arith.constant 0 : i32
    %dma_wait3A_47 = tpu.memref_slice %arg4[%multiple_of3A_39, %dma_wait3A_46] : memref<65536x128xf32, #tpu.memory_space<hbm>> -> memref<128x128xf32, #tpu.memory_space<hbm>>
    tpu.wait_dma2 semaphore(%arg11 : memref<!tpu.dma_semaphore, #tpu.memory_space<semaphore_mem>>) src(%arg7 : memref<128x128xf32, #tpu.memory_space<vmem>>) dst(%dma_wait3A_47 : memref<128x128xf32, #tpu.memory_space<hbm>>)
    %dma_start3A_48 = arith.constant 384 : i32
    %dma_start3A_49 = tpu.memref_slice %arg5[%dma_start3A_48] : memref<2048xi32, #tpu.memory_space<vmem>> -> memref<128xi32, #tpu.memory_space<vmem>>
    %dma_start3A_50 = arith.constant 0 : i32
    %dma_start3A_51 = arith.constant 0 : i32
    %dma_start3A_52 = tpu.memref_slice %arg2[%dma_start3A_50, %dma_start3A_51] : memref<4096x128xf32, #tpu.memory_space<hbm>> -> memref<4096x128xf32, #tpu.memory_space<hbm>>
    tpu.enqueue_indirect_dma source(%dma_start3A_52 : memref<4096x128xf32, #tpu.memory_space<hbm>>) target(%arg7 : memref<128x128xf32, #tpu.memory_space<vmem>>) offsets(%dma_start3A_49 : memref<128xi32, #tpu.memory_space<vmem>>) semaphore(%arg9 : memref<!tpu.dma_semaphore, #tpu.memory_space<semaphore_mem>>)
    %dma_wait3A_53 = arith.constant 256 : i32
    %dma_wait3A_54 = tpu.memref_slice %arg5[%dma_wait3A_53] : memref<2048xi32, #tpu.memory_space<vmem>> -> memref<128xi32, #tpu.memory_space<vmem>>
    %dma_wait3A_55 = arith.constant 0 : i32
    %dma_wait3A_56 = arith.constant 0 : i32
    %dma_wait3A_57 = tpu.memref_slice %arg2[%dma_wait3A_55, %dma_wait3A_56] : memref<4096x128xf32, #tpu.memory_space<hbm>> -> memref<4096x128xf32, #tpu.memory_space<hbm>>
    tpu.wait_indirect_dma semaphore(%arg8 : memref<!tpu.dma_semaphore, #tpu.memory_space<semaphore_mem>>) src(%dma_wait3A_57 : memref<4096x128xf32, #tpu.memory_space<hbm>>) dst(%arg6 : memref<128x128xf32, #tpu.memory_space<vmem>>)
    %add3A_58 = arith.constant 256 : i32
    %add3A_59 = arith.addi %multiple_of3A, %add3A_58 : i32
    %multiple_of3A_60 = tpu.assume_multiple %add3A_59, 128 : i32
    %dma_start3A_61 = arith.constant 0 : i32
    %dma_start3A_62 = tpu.memref_slice %arg4[%multiple_of3A_60, %dma_start3A_61] : memref<65536x128xf32, #tpu.memory_space<hbm>> -> memref<128x128xf32, #tpu.memory_space<hbm>>
    %dma_start3A_63 = arith.constant 0 : i32
    %dma_start3A_64 = tpu.memref_slice %arg4[%multiple_of3A_60, %dma_start3A_63] : memref<65536x128xf32, #tpu.memory_space<hbm>> -> memref<128x128xf32, #tpu.memory_space<hbm>>
    tpu.enqueue_dma source(%arg6 : memref<128x128xf32, #tpu.memory_space<vmem>>) target(%dma_start3A_64 : memref<128x128xf32, #tpu.memory_space<hbm>>) target_semaphore(%arg10 : memref<!tpu.dma_semaphore, #tpu.memory_space<semaphore_mem>>)
    %dma_wait3A_65 = arith.constant 0 : i32
    %dma_wait3A_66 = tpu.memref_slice %arg4[%multiple_of3A_60, %dma_wait3A_65] : memref<65536x128xf32, #tpu.memory_space<hbm>> -> memref<128x128xf32, #tpu.memory_space<hbm>>
    %dma_wait3A_67 = arith.constant 0 : i32
    %dma_wait3A_68 = tpu.memref_slice %arg4[%multiple_of3A_60, %dma_wait3A_67] : memref<65536x128xf32, #tpu.memory_space<hbm>> -> memref<128x128xf32, #tpu.memory_space<hbm>>
    tpu.wait_dma2 semaphore(%arg10 : memref<!tpu.dma_semaphore, #tpu.memory_space<semaphore_mem>>) src(%arg6 : memref<128x128xf32, #tpu.memory_space<vmem>>) dst(%dma_wait3A_68 : memref<128x128xf32, #tpu.memory_space<hbm>>)
    %dma_start3A_69 = arith.constant 512 : i32
    %dma_start3A_70 = tpu.memref_slice %arg5[%dma_start3A_69] : memref<2048xi32, #tpu.memory_space<vmem>> -> memref<128xi32, #tpu.memory_space<vmem>>
    %dma_start3A_71 = arith.constant 0 : i32
    %dma_start3A_72 = arith.constant 0 : i32
    %dma_start3A_73 = tpu.memref_slice %arg2[%dma_start3A_71, %dma_start3A_72] : memref<4096x128xf32, #tpu.memory_space<hbm>> -> memref<4096x128xf32, #tpu.memory_space<hbm>>
    tpu.enqueue_indirect_dma source(%dma_start3A_73 : memref<4096x128xf32, #tpu.memory_space<hbm>>) target(%arg6 : memref<128x128xf32, #tpu.memory_space<vmem>>) offsets(%dma_start3A_70 : memref<128xi32, #tpu.memory_space<vmem>>) semaphore(%arg8 : memref<!tpu.dma_semaphore, #tpu.memory_space<semaphore_mem>>)
    %dma_wait3A_74 = arith.constant 384 : i32
    %dma_wait3A_75 = tpu.memref_slice %arg5[%dma_wait3A_74] : memref<2048xi32, #tpu.memory_space<vmem>> -> memref<128xi32, #tpu.memory_space<vmem>>
    %dma_wait3A_76 = arith.constant 0 : i32
    %dma_wait3A_77 = arith.constant 0 : i32
    %dma_wait3A_78 = tpu.memref_slice %arg2[%dma_wait3A_76, %dma_wait3A_77] : memref<4096x128xf32, #tpu.memory_space<hbm>> -> memref<4096x128xf32, #tpu.memory_space<hbm>>
    tpu.wait_indirect_dma semaphore(%arg9 : memref<!tpu.dma_semaphore, #tpu.memory_space<semaphore_mem>>) src(%dma_wait3A_78 : memref<4096x128xf32, #tpu.memory_space<hbm>>) dst(%arg7 : memref<128x128xf32, #tpu.memory_space<vmem>>)
    %add3A_79 = arith.constant 384 : i32
    %add3A_80 = arith.addi %multiple_of3A, %add3A_79 : i32
    %multiple_of3A_81 = tpu.assume_multiple %add3A_80, 128 : i32
    %dma_start3A_82 = arith.constant 0 : i32
    %dma_start3A_83 = tpu.memref_slice %arg4[%multiple_of3A_81, %dma_start3A_82] : memref<65536x128xf32, #tpu.memory_space<hbm>> -> memref<128x128xf32, #tpu.memory_space<hbm>>
    %dma_start3A_84 = arith.constant 0 : i32
    %dma_start3A_85 = tpu.memref_slice %arg4[%multiple_of3A_81, %dma_start3A_84] : memref<65536x128xf32, #tpu.memory_space<hbm>> -> memref<128x128xf32, #tpu.memory_space<hbm>>
    tpu.enqueue_dma source(%arg7 : memref<128x128xf32, #tpu.memory_space<vmem>>) target(%dma_start3A_85 : memref<128x128xf32, #tpu.memory_space<hbm>>) target_semaphore(%arg11 : memref<!tpu.dma_semaphore, #tpu.memory_space<semaphore_mem>>)
    %dma_wait3A_86 = arith.constant 0 : i32
    %dma_wait3A_87 = tpu.memref_slice %arg4[%multiple_of3A_81, %dma_wait3A_86] : memref<65536x128xf32, #tpu.memory_space<hbm>> -> memref<128x128xf32, #tpu.memory_space<hbm>>
    %dma_wait3A_88 = arith.constant 0 : i32
    %dma_wait3A_89 = tpu.memref_slice %arg4[%multiple_of3A_81, %dma_wait3A_88] : memref<65536x128xf32, #tpu.memory_space<hbm>> -> memref<128x128xf32, #tpu.memory_space<hbm>>
    tpu.wait_dma2 semaphore(%arg11 : memref<!tpu.dma_semaphore, #tpu.memory_space<semaphore_mem>>) src(%arg7 : memref<128x128xf32, #tpu.memory_space<vmem>>) dst(%dma_wait3A_89 : memref<128x128xf32, #tpu.memory_space<hbm>>)
    %dma_start3A_90 = arith.constant 640 : i32
    %dma_start3A_91 = tpu.memref_slice %arg5[%dma_start3A_90] : memref<2048xi32, #tpu.memory_space<vmem>> -> memref<128xi32, #tpu.memory_space<vmem>>
    %dma_start3A_92 = arith.constant 0 : i32
    %dma_start3A_93 = arith.constant 0 : i32
    %dma_start3A_94 = tpu.memref_slice %arg2[%dma_start3A_92, %dma_start3A_93] : memref<4096x128xf32, #tpu.memory_space<hbm>> -> memref<4096x128xf32, #tpu.memory_space<hbm>>
    tpu.enqueue_indirect_dma source(%dma_start3A_94 : memref<4096x128xf32, #tpu.memory_space<hbm>>) target(%arg7 : memref<128x128xf32, #tpu.memory_space<vmem>>) offsets(%dma_start3A_91 : memref<128xi32, #tpu.memory_space<vmem>>) semaphore(%arg9 : memref<!tpu.dma_semaphore, #tpu.memory_space<semaphore_mem>>)
    %dma_wait3A_95 = arith.constant 512 : i32
    %dma_wait3A_96 = tpu.memref_slice %arg5[%dma_wait3A_95] : memref<2048xi32, #tpu.memory_space<vmem>> -> memref<128xi32, #tpu.memory_space<vmem>>
    %dma_wait3A_97 = arith.constant 0 : i32
    %dma_wait3A_98 = arith.constant 0 : i32
    %dma_wait3A_99 = tpu.memref_slice %arg2[%dma_wait3A_97, %dma_wait3A_98] : memref<4096x128xf32, #tpu.memory_space<hbm>> -> memref<4096x128xf32, #tpu.memory_space<hbm>>
    tpu.wait_indirect_dma semaphore(%arg8 : memref<!tpu.dma_semaphore, #tpu.memory_space<semaphore_mem>>) src(%dma_wait3A_99 : memref<4096x128xf32, #tpu.memory_space<hbm>>) dst(%arg6 : memref<128x128xf32, #tpu.memory_space<vmem>>)
    %add3A_100 = arith.constant 512 : i32
    %add3A_101 = arith.addi %multiple_of3A, %add3A_100 : i32
    %multiple_of3A_102 = tpu.assume_multiple %add3A_101, 128 : i32
    %dma_start3A_103 = arith.constant 0 : i32
    %dma_start3A_104 = tpu.memref_slice %arg4[%multiple_of3A_102, %dma_start3A_103] : memref<65536x128xf32, #tpu.memory_space<hbm>> -> memref<128x128xf32, #tpu.memory_space<hbm>>
    %dma_start3A_105 = arith.constant 0 : i32
    %dma_start3A_106 = tpu.memref_slice %arg4[%multiple_of3A_102, %dma_start3A_105] : memref<65536x128xf32, #tpu.memory_space<hbm>> -> memref<128x128xf32, #tpu.memory_space<hbm>>
    tpu.enqueue_dma source(%arg6 : memref<128x128xf32, #tpu.memory_space<vmem>>) target(%dma_start3A_106 : memref<128x128xf32, #tpu.memory_space<hbm>>) target_semaphore(%arg10 : memref<!tpu.dma_semaphore, #tpu.memory_space<semaphore_mem>>)
    %dma_wait3A_107 = arith.constant 0 : i32
    %dma_wait3A_108 = tpu.memref_slice %arg4[%multiple_of3A_102, %dma_wait3A_107] : memref<65536x128xf32, #tpu.memory_space<hbm>> -> memref<128x128xf32, #tpu.memory_space<hbm>>
    %dma_wait3A_109 = arith.constant 0 : i32
    %dma_wait3A_110 = tpu.memref_slice %arg4[%multiple_of3A_102, %dma_wait3A_109] : memref<65536x128xf32, #tpu.memory_space<hbm>> -> memref<128x128xf32, #tpu.memory_space<hbm>>
    tpu.wait_dma2 semaphore(%arg10 : memref<!tpu.dma_semaphore, #tpu.memory_space<semaphore_mem>>) src(%arg6 : memref<128x128xf32, #tpu.memory_space<vmem>>) dst(%dma_wait3A_110 : memref<128x128xf32, #tpu.memory_space<hbm>>)
    %dma_start3A_111 = arith.constant 768 : i32
    %dma_start3A_112 = tpu.memref_slice %arg5[%dma_start3A_111] : memref<2048xi32, #tpu.memory_space<vmem>> -> memref<128xi32, #tpu.memory_space<vmem>>
    %dma_start3A_113 = arith.constant 0 : i32
    %dma_start3A_114 = arith.constant 0 : i32
    %dma_start3A_115 = tpu.memref_slice %arg2[%dma_start3A_113, %dma_start3A_114] : memref<4096x128xf32, #tpu.memory_space<hbm>> -> memref<4096x128xf32, #tpu.memory_space<hbm>>
    tpu.enqueue_indirect_dma source(%dma_start3A_115 : memref<4096x128xf32, #tpu.memory_space<hbm>>) target(%arg6 : memref<128x128xf32, #tpu.memory_space<vmem>>) offsets(%dma_start3A_112 : memref<128xi32, #tpu.memory_space<vmem>>) semaphore(%arg8 : memref<!tpu.dma_semaphore, #tpu.memory_space<semaphore_mem>>)
    %dma_wait3A_116 = arith.constant 640 : i32
    %dma_wait3A_117 = tpu.memref_slice %arg5[%dma_wait3A_116] : memref<2048xi32, #tpu.memory_space<vmem>> -> memref<128xi32, #tpu.memory_space<vmem>>
    %dma_wait3A_118 = arith.constant 0 : i32
    %dma_wait3A_119 = arith.constant 0 : i32
    %dma_wait3A_120 = tpu.memref_slice %arg2[%dma_wait3A_118, %dma_wait3A_119] : memref<4096x128xf32, #tpu.memory_space<hbm>> -> memref<4096x128xf32, #tpu.memory_space<hbm>>
    tpu.wait_indirect_dma semaphore(%arg9 : memref<!tpu.dma_semaphore, #tpu.memory_space<semaphore_mem>>) src(%dma_wait3A_120 : memref<4096x128xf32, #tpu.memory_space<hbm>>) dst(%arg7 : memref<128x128xf32, #tpu.memory_space<vmem>>)
    %add3A_121 = arith.constant 640 : i32
    %add3A_122 = arith.addi %multiple_of3A, %add3A_121 : i32
    %multiple_of3A_123 = tpu.assume_multiple %add3A_122, 128 : i32
    %dma_start3A_124 = arith.constant 0 : i32
    %dma_start3A_125 = tpu.memref_slice %arg4[%multiple_of3A_123, %dma_start3A_124] : memref<65536x128xf32, #tpu.memory_space<hbm>> -> memref<128x128xf32, #tpu.memory_space<hbm>>
    %dma_start3A_126 = arith.constant 0 : i32
    %dma_start3A_127 = tpu.memref_slice %arg4[%multiple_of3A_123, %dma_start3A_126] : memref<65536x128xf32, #tpu.memory_space<hbm>> -> memref<128x128xf32, #tpu.memory_space<hbm>>
    tpu.enqueue_dma source(%arg7 : memref<128x128xf32, #tpu.memory_space<vmem>>) target(%dma_start3A_127 : memref<128x128xf32, #tpu.memory_space<hbm>>) target_semaphore(%arg11 : memref<!tpu.dma_semaphore, #tpu.memory_space<semaphore_mem>>)
    %dma_wait3A_128 = arith.constant 0 : i32
    %dma_wait3A_129 = tpu.memref_slice %arg4[%multiple_of3A_123, %dma_wait3A_128] : memref<65536x128xf32, #tpu.memory_space<hbm>> -> memref<128x128xf32, #tpu.memory_space<hbm>>
    %dma_wait3A_130 = arith.constant 0 : i32
    %dma_wait3A_131 = tpu.memref_slice %arg4[%multiple_of3A_123, %dma_wait3A_130] : memref<65536x128xf32, #tpu.memory_space<hbm>> -> memref<128x128xf32, #tpu.memory_space<hbm>>
    tpu.wait_dma2 semaphore(%arg11 : memref<!tpu.dma_semaphore, #tpu.memory_space<semaphore_mem>>) src(%arg7 : memref<128x128xf32, #tpu.memory_space<vmem>>) dst(%dma_wait3A_131 : memref<128x128xf32, #tpu.memory_space<hbm>>)
    %dma_start3A_132 = arith.constant 896 : i32
    %dma_start3A_133 = tpu.memref_slice %arg5[%dma_start3A_132] : memref<2048xi32, #tpu.memory_space<vmem>> -> memref<128xi32, #tpu.memory_space<vmem>>
    %dma_start3A_134 = arith.constant 0 : i32
    %dma_start3A_135 = arith.constant 0 : i32
    %dma_start3A_136 = tpu.memref_slice %arg2[%dma_start3A_134, %dma_start3A_135] : memref<4096x128xf32, #tpu.memory_space<hbm>> -> memref<4096x128xf32, #tpu.memory_space<hbm>>
    tpu.enqueue_indirect_dma source(%dma_start3A_136 : memref<4096x128xf32, #tpu.memory_space<hbm>>) target(%arg7 : memref<128x128xf32, #tpu.memory_space<vmem>>) offsets(%dma_start3A_133 : memref<128xi32, #tpu.memory_space<vmem>>) semaphore(%arg9 : memref<!tpu.dma_semaphore, #tpu.memory_space<semaphore_mem>>)
    %dma_wait3A_137 = arith.constant 768 : i32
    %dma_wait3A_138 = tpu.memref_slice %arg5[%dma_wait3A_137] : memref<2048xi32, #tpu.memory_space<vmem>> -> memref<128xi32, #tpu.memory_space<vmem>>
    %dma_wait3A_139 = arith.constant 0 : i32
    %dma_wait3A_140 = arith.constant 0 : i32
    %dma_wait3A_141 = tpu.memref_slice %arg2[%dma_wait3A_139, %dma_wait3A_140] : memref<4096x128xf32, #tpu.memory_space<hbm>> -> memref<4096x128xf32, #tpu.memory_space<hbm>>
    tpu.wait_indirect_dma semaphore(%arg8 : memref<!tpu.dma_semaphore, #tpu.memory_space<semaphore_mem>>) src(%dma_wait3A_141 : memref<4096x128xf32, #tpu.memory_space<hbm>>) dst(%arg6 : memref<128x128xf32, #tpu.memory_space<vmem>>)
    %add3A_142 = arith.constant 768 : i32
    %add3A_143 = arith.addi %multiple_of3A, %add3A_142 : i32
    %multiple_of3A_144 = tpu.assume_multiple %add3A_143, 128 : i32
    %dma_start3A_145 = arith.constant 0 : i32
    %dma_start3A_146 = tpu.memref_slice %arg4[%multiple_of3A_144, %dma_start3A_145] : memref<65536x128xf32, #tpu.memory_space<hbm>> -> memref<128x128xf32, #tpu.memory_space<hbm>>
    %dma_start3A_147 = arith.constant 0 : i32
    %dma_start3A_148 = tpu.memref_slice %arg4[%multiple_of3A_144, %dma_start3A_147] : memref<65536x128xf32, #tpu.memory_space<hbm>> -> memref<128x128xf32, #tpu.memory_space<hbm>>
    tpu.enqueue_dma source(%arg6 : memref<128x128xf32, #tpu.memory_space<vmem>>) target(%dma_start3A_148 : memref<128x128xf32, #tpu.memory_space<hbm>>) target_semaphore(%arg10 : memref<!tpu.dma_semaphore, #tpu.memory_space<semaphore_mem>>)
    %dma_wait3A_149 = arith.constant 0 : i32
    %dma_wait3A_150 = tpu.memref_slice %arg4[%multiple_of3A_144, %dma_wait3A_149] : memref<65536x128xf32, #tpu.memory_space<hbm>> -> memref<128x128xf32, #tpu.memory_space<hbm>>
    %dma_wait3A_151 = arith.constant 0 : i32
    %dma_wait3A_152 = tpu.memref_slice %arg4[%multiple_of3A_144, %dma_wait3A_151] : memref<65536x128xf32, #tpu.memory_space<hbm>> -> memref<128x128xf32, #tpu.memory_space<hbm>>
    tpu.wait_dma2 semaphore(%arg10 : memref<!tpu.dma_semaphore, #tpu.memory_space<semaphore_mem>>) src(%arg6 : memref<128x128xf32, #tpu.memory_space<vmem>>) dst(%dma_wait3A_152 : memref<128x128xf32, #tpu.memory_space<hbm>>)
    %dma_start3A_153 = arith.constant 1024 : i32
    %dma_start3A_154 = tpu.memref_slice %arg5[%dma_start3A_153] : memref<2048xi32, #tpu.memory_space<vmem>> -> memref<128xi32, #tpu.memory_space<vmem>>
    %dma_start3A_155 = arith.constant 0 : i32
    %dma_start3A_156 = arith.constant 0 : i32
    %dma_start3A_157 = tpu.memref_slice %arg2[%dma_start3A_155, %dma_start3A_156] : memref<4096x128xf32, #tpu.memory_space<hbm>> -> memref<4096x128xf32, #tpu.memory_space<hbm>>
    tpu.enqueue_indirect_dma source(%dma_start3A_157 : memref<4096x128xf32, #tpu.memory_space<hbm>>) target(%arg6 : memref<128x128xf32, #tpu.memory_space<vmem>>) offsets(%dma_start3A_154 : memref<128xi32, #tpu.memory_space<vmem>>) semaphore(%arg8 : memref<!tpu.dma_semaphore, #tpu.memory_space<semaphore_mem>>)
    %dma_wait3A_158 = arith.constant 896 : i32
    %dma_wait3A_159 = tpu.memref_slice %arg5[%dma_wait3A_158] : memref<2048xi32, #tpu.memory_space<vmem>> -> memref<128xi32, #tpu.memory_space<vmem>>
    %dma_wait3A_160 = arith.constant 0 : i32
    %dma_wait3A_161 = arith.constant 0 : i32
    %dma_wait3A_162 = tpu.memref_slice %arg2[%dma_wait3A_160, %dma_wait3A_161] : memref<4096x128xf32, #tpu.memory_space<hbm>> -> memref<4096x128xf32, #tpu.memory_space<hbm>>
    tpu.wait_indirect_dma semaphore(%arg9 : memref<!tpu.dma_semaphore, #tpu.memory_space<semaphore_mem>>) src(%dma_wait3A_162 : memref<4096x128xf32, #tpu.memory_space<hbm>>) dst(%arg7 : memref<128x128xf32, #tpu.memory_space<vmem>>)
    %add3A_163 = arith.constant 896 : i32
    %add3A_164 = arith.addi %multiple_of3A, %add3A_163 : i32
    %multiple_of3A_165 = tpu.assume_multiple %add3A_164, 128 : i32
    %dma_start3A_166 = arith.constant 0 : i32
    %dma_start3A_167 = tpu.memref_slice %arg4[%multiple_of3A_165, %dma_start3A_166] : memref<65536x128xf32, #tpu.memory_space<hbm>> -> memref<128x128xf32, #tpu.memory_space<hbm>>
    %dma_start3A_168 = arith.constant 0 : i32
    %dma_start3A_169 = tpu.memref_slice %arg4[%multiple_of3A_165, %dma_start3A_168] : memref<65536x128xf32, #tpu.memory_space<hbm>> -> memref<128x128xf32, #tpu.memory_space<hbm>>
    tpu.enqueue_dma source(%arg7 : memref<128x128xf32, #tpu.memory_space<vmem>>) target(%dma_start3A_169 : memref<128x128xf32, #tpu.memory_space<hbm>>) target_semaphore(%arg11 : memref<!tpu.dma_semaphore, #tpu.memory_space<semaphore_mem>>)
    %dma_wait3A_170 = arith.constant 0 : i32
    %dma_wait3A_171 = tpu.memref_slice %arg4[%multiple_of3A_165, %dma_wait3A_170] : memref<65536x128xf32, #tpu.memory_space<hbm>> -> memref<128x128xf32, #tpu.memory_space<hbm>>
    %dma_wait3A_172 = arith.constant 0 : i32
    %dma_wait3A_173 = tpu.memref_slice %arg4[%multiple_of3A_165, %dma_wait3A_172] : memref<65536x128xf32, #tpu.memory_space<hbm>> -> memref<128x128xf32, #tpu.memory_space<hbm>>
    tpu.wait_dma2 semaphore(%arg11 : memref<!tpu.dma_semaphore, #tpu.memory_space<semaphore_mem>>) src(%arg7 : memref<128x128xf32, #tpu.memory_space<vmem>>) dst(%dma_wait3A_173 : memref<128x128xf32, #tpu.memory_space<hbm>>)
    %dma_start3A_174 = arith.constant 1152 : i32
    %dma_start3A_175 = tpu.memref_slice %arg5[%dma_start3A_174] : memref<2048xi32, #tpu.memory_space<vmem>> -> memref<128xi32, #tpu.memory_space<vmem>>
    %dma_start3A_176 = arith.constant 0 : i32
    %dma_start3A_177 = arith.constant 0 : i32
    %dma_start3A_178 = tpu.memref_slice %arg2[%dma_start3A_176, %dma_start3A_177] : memref<4096x128xf32, #tpu.memory_space<hbm>> -> memref<4096x128xf32, #tpu.memory_space<hbm>>
    tpu.enqueue_indirect_dma source(%dma_start3A_178 : memref<4096x128xf32, #tpu.memory_space<hbm>>) target(%arg7 : memref<128x128xf32, #tpu.memory_space<vmem>>) offsets(%dma_start3A_175 : memref<128xi32, #tpu.memory_space<vmem>>) semaphore(%arg9 : memref<!tpu.dma_semaphore, #tpu.memory_space<semaphore_mem>>)
    %dma_wait3A_179 = arith.constant 1024 : i32
    %dma_wait3A_180 = tpu.memref_slice %arg5[%dma_wait3A_179] : memref<2048xi32, #tpu.memory_space<vmem>> -> memref<128xi32, #tpu.memory_space<vmem>>
    %dma_wait3A_181 = arith.constant 0 : i32
    %dma_wait3A_182 = arith.constant 0 : i32
    %dma_wait3A_183 = tpu.memref_slice %arg2[%dma_wait3A_181, %dma_wait3A_182] : memref<4096x128xf32, #tpu.memory_space<hbm>> -> memref<4096x128xf32, #tpu.memory_space<hbm>>
    tpu.wait_indirect_dma semaphore(%arg8 : memref<!tpu.dma_semaphore, #tpu.memory_space<semaphore_mem>>) src(%dma_wait3A_183 : memref<4096x128xf32, #tpu.memory_space<hbm>>) dst(%arg6 : memref<128x128xf32, #tpu.memory_space<vmem>>)
    %add3A_184 = arith.constant 1024 : i32
    %add3A_185 = arith.addi %multiple_of3A, %add3A_184 : i32
    %multiple_of3A_186 = tpu.assume_multiple %add3A_185, 128 : i32
    %dma_start3A_187 = arith.constant 0 : i32
    %dma_start3A_188 = tpu.memref_slice %arg4[%multiple_of3A_186, %dma_start3A_187] : memref<65536x128xf32, #tpu.memory_space<hbm>> -> memref<128x128xf32, #tpu.memory_space<hbm>>
    %dma_start3A_189 = arith.constant 0 : i32
    %dma_start3A_190 = tpu.memref_slice %arg4[%multiple_of3A_186, %dma_start3A_189] : memref<65536x128xf32, #tpu.memory_space<hbm>> -> memref<128x128xf32, #tpu.memory_space<hbm>>
    tpu.enqueue_dma source(%arg6 : memref<128x128xf32, #tpu.memory_space<vmem>>) target(%dma_start3A_190 : memref<128x128xf32, #tpu.memory_space<hbm>>) target_semaphore(%arg10 : memref<!tpu.dma_semaphore, #tpu.memory_space<semaphore_mem>>)
    %dma_wait3A_191 = arith.constant 0 : i32
    %dma_wait3A_192 = tpu.memref_slice %arg4[%multiple_of3A_186, %dma_wait3A_191] : memref<65536x128xf32, #tpu.memory_space<hbm>> -> memref<128x128xf32, #tpu.memory_space<hbm>>
    %dma_wait3A_193 = arith.constant 0 : i32
    %dma_wait3A_194 = tpu.memref_slice %arg4[%multiple_of3A_186, %dma_wait3A_193] : memref<65536x128xf32, #tpu.memory_space<hbm>> -> memref<128x128xf32, #tpu.memory_space<hbm>>
    tpu.wait_dma2 semaphore(%arg10 : memref<!tpu.dma_semaphore, #tpu.memory_space<semaphore_mem>>) src(%arg6 : memref<128x128xf32, #tpu.memory_space<vmem>>) dst(%dma_wait3A_194 : memref<128x128xf32, #tpu.memory_space<hbm>>)
    %dma_start3A_195 = arith.constant 1280 : i32
    %dma_start3A_196 = tpu.memref_slice %arg5[%dma_start3A_195] : memref<2048xi32, #tpu.memory_space<vmem>> -> memref<128xi32, #tpu.memory_space<vmem>>
    %dma_start3A_197 = arith.constant 0 : i32
    %dma_start3A_198 = arith.constant 0 : i32
    %dma_start3A_199 = tpu.memref_slice %arg2[%dma_start3A_197, %dma_start3A_198] : memref<4096x128xf32, #tpu.memory_space<hbm>> -> memref<4096x128xf32, #tpu.memory_space<hbm>>
    tpu.enqueue_indirect_dma source(%dma_start3A_199 : memref<4096x128xf32, #tpu.memory_space<hbm>>) target(%arg6 : memref<128x128xf32, #tpu.memory_space<vmem>>) offsets(%dma_start3A_196 : memref<128xi32, #tpu.memory_space<vmem>>) semaphore(%arg8 : memref<!tpu.dma_semaphore, #tpu.memory_space<semaphore_mem>>)
    %dma_wait3A_200 = arith.constant 1152 : i32
    %dma_wait3A_201 = tpu.memref_slice %arg5[%dma_wait3A_200] : memref<2048xi32, #tpu.memory_space<vmem>> -> memref<128xi32, #tpu.memory_space<vmem>>
    %dma_wait3A_202 = arith.constant 0 : i32
    %dma_wait3A_203 = arith.constant 0 : i32
    %dma_wait3A_204 = tpu.memref_slice %arg2[%dma_wait3A_202, %dma_wait3A_203] : memref<4096x128xf32, #tpu.memory_space<hbm>> -> memref<4096x128xf32, #tpu.memory_space<hbm>>
    tpu.wait_indirect_dma semaphore(%arg9 : memref<!tpu.dma_semaphore, #tpu.memory_space<semaphore_mem>>) src(%dma_wait3A_204 : memref<4096x128xf32, #tpu.memory_space<hbm>>) dst(%arg7 : memref<128x128xf32, #tpu.memory_space<vmem>>)
    %add3A_205 = arith.constant 1152 : i32
    %add3A_206 = arith.addi %multiple_of3A, %add3A_205 : i32
    %multiple_of3A_207 = tpu.assume_multiple %add3A_206, 128 : i32
    %dma_start3A_208 = arith.constant 0 : i32
    %dma_start3A_209 = tpu.memref_slice %arg4[%multiple_of3A_207, %dma_start3A_208] : memref<65536x128xf32, #tpu.memory_space<hbm>> -> memref<128x128xf32, #tpu.memory_space<hbm>>
    %dma_start3A_210 = arith.constant 0 : i32
    %dma_start3A_211 = tpu.memref_slice %arg4[%multiple_of3A_207, %dma_start3A_210] : memref<65536x128xf32, #tpu.memory_space<hbm>> -> memref<128x128xf32, #tpu.memory_space<hbm>>
    tpu.enqueue_dma source(%arg7 : memref<128x128xf32, #tpu.memory_space<vmem>>) target(%dma_start3A_211 : memref<128x128xf32, #tpu.memory_space<hbm>>) target_semaphore(%arg11 : memref<!tpu.dma_semaphore, #tpu.memory_space<semaphore_mem>>)
    %dma_wait3A_212 = arith.constant 0 : i32
    %dma_wait3A_213 = tpu.memref_slice %arg4[%multiple_of3A_207, %dma_wait3A_212] : memref<65536x128xf32, #tpu.memory_space<hbm>> -> memref<128x128xf32, #tpu.memory_space<hbm>>
    %dma_wait3A_214 = arith.constant 0 : i32
    %dma_wait3A_215 = tpu.memref_slice %arg4[%multiple_of3A_207, %dma_wait3A_214] : memref<65536x128xf32, #tpu.memory_space<hbm>> -> memref<128x128xf32, #tpu.memory_space<hbm>>
    tpu.wait_dma2 semaphore(%arg11 : memref<!tpu.dma_semaphore, #tpu.memory_space<semaphore_mem>>) src(%arg7 : memref<128x128xf32, #tpu.memory_space<vmem>>) dst(%dma_wait3A_215 : memref<128x128xf32, #tpu.memory_space<hbm>>)
    %dma_start3A_216 = arith.constant 1408 : i32
    %dma_start3A_217 = tpu.memref_slice %arg5[%dma_start3A_216] : memref<2048xi32, #tpu.memory_space<vmem>> -> memref<128xi32, #tpu.memory_space<vmem>>
    %dma_start3A_218 = arith.constant 0 : i32
    %dma_start3A_219 = arith.constant 0 : i32
    %dma_start3A_220 = tpu.memref_slice %arg2[%dma_start3A_218, %dma_start3A_219] : memref<4096x128xf32, #tpu.memory_space<hbm>> -> memref<4096x128xf32, #tpu.memory_space<hbm>>
    tpu.enqueue_indirect_dma source(%dma_start3A_220 : memref<4096x128xf32, #tpu.memory_space<hbm>>) target(%arg7 : memref<128x128xf32, #tpu.memory_space<vmem>>) offsets(%dma_start3A_217 : memref<128xi32, #tpu.memory_space<vmem>>) semaphore(%arg9 : memref<!tpu.dma_semaphore, #tpu.memory_space<semaphore_mem>>)
    %dma_wait3A_221 = arith.constant 1280 : i32
    %dma_wait3A_222 = tpu.memref_slice %arg5[%dma_wait3A_221] : memref<2048xi32, #tpu.memory_space<vmem>> -> memref<128xi32, #tpu.memory_space<vmem>>
    %dma_wait3A_223 = arith.constant 0 : i32
    %dma_wait3A_224 = arith.constant 0 : i32
    %dma_wait3A_225 = tpu.memref_slice %arg2[%dma_wait3A_223, %dma_wait3A_224] : memref<4096x128xf32, #tpu.memory_space<hbm>> -> memref<4096x128xf32, #tpu.memory_space<hbm>>
    tpu.wait_indirect_dma semaphore(%arg8 : memref<!tpu.dma_semaphore, #tpu.memory_space<semaphore_mem>>) src(%dma_wait3A_225 : memref<4096x128xf32, #tpu.memory_space<hbm>>) dst(%arg6 : memref<128x128xf32, #tpu.memory_space<vmem>>)
    %add3A_226 = arith.constant 1280 : i32
    %add3A_227 = arith.addi %multiple_of3A, %add3A_226 : i32
    %multiple_of3A_228 = tpu.assume_multiple %add3A_227, 128 : i32
    %dma_start3A_229 = arith.constant 0 : i32
    %dma_start3A_230 = tpu.memref_slice %arg4[%multiple_of3A_228, %dma_start3A_229] : memref<65536x128xf32, #tpu.memory_space<hbm>> -> memref<128x128xf32, #tpu.memory_space<hbm>>
    %dma_start3A_231 = arith.constant 0 : i32
    %dma_start3A_232 = tpu.memref_slice %arg4[%multiple_of3A_228, %dma_start3A_231] : memref<65536x128xf32, #tpu.memory_space<hbm>> -> memref<128x128xf32, #tpu.memory_space<hbm>>
    tpu.enqueue_dma source(%arg6 : memref<128x128xf32, #tpu.memory_space<vmem>>) target(%dma_start3A_232 : memref<128x128xf32, #tpu.memory_space<hbm>>) target_semaphore(%arg10 : memref<!tpu.dma_semaphore, #tpu.memory_space<semaphore_mem>>)
    %dma_wait3A_233 = arith.constant 0 : i32
    %dma_wait3A_234 = tpu.memref_slice %arg4[%multiple_of3A_228, %dma_wait3A_233] : memref<65536x128xf32, #tpu.memory_space<hbm>> -> memref<128x128xf32, #tpu.memory_space<hbm>>
    %dma_wait3A_235 = arith.constant 0 : i32
    %dma_wait3A_236 = tpu.memref_slice %arg4[%multiple_of3A_228, %dma_wait3A_235] : memref<65536x128xf32, #tpu.memory_space<hbm>> -> memref<128x128xf32, #tpu.memory_space<hbm>>
    tpu.wait_dma2 semaphore(%arg10 : memref<!tpu.dma_semaphore, #tpu.memory_space<semaphore_mem>>) src(%arg6 : memref<128x128xf32, #tpu.memory_space<vmem>>) dst(%dma_wait3A_236 : memref<128x128xf32, #tpu.memory_space<hbm>>)
    %dma_start3A_237 = arith.constant 1536 : i32
    %dma_start3A_238 = tpu.memref_slice %arg5[%dma_start3A_237] : memref<2048xi32, #tpu.memory_space<vmem>> -> memref<128xi32, #tpu.memory_space<vmem>>
    %dma_start3A_239 = arith.constant 0 : i32
    %dma_start3A_240 = arith.constant 0 : i32
    %dma_start3A_241 = tpu.memref_slice %arg2[%dma_start3A_239, %dma_start3A_240] : memref<4096x128xf32, #tpu.memory_space<hbm>> -> memref<4096x128xf32, #tpu.memory_space<hbm>>
    tpu.enqueue_indirect_dma source(%dma_start3A_241 : memref<4096x128xf32, #tpu.memory_space<hbm>>) target(%arg6 : memref<128x128xf32, #tpu.memory_space<vmem>>) offsets(%dma_start3A_238 : memref<128xi32, #tpu.memory_space<vmem>>) semaphore(%arg8 : memref<!tpu.dma_semaphore, #tpu.memory_space<semaphore_mem>>)
    %dma_wait3A_242 = arith.constant 1408 : i32
    %dma_wait3A_243 = tpu.memref_slice %arg5[%dma_wait3A_242] : memref<2048xi32, #tpu.memory_space<vmem>> -> memref<128xi32, #tpu.memory_space<vmem>>
    %dma_wait3A_244 = arith.constant 0 : i32
    %dma_wait3A_245 = arith.constant 0 : i32
    %dma_wait3A_246 = tpu.memref_slice %arg2[%dma_wait3A_244, %dma_wait3A_245] : memref<4096x128xf32, #tpu.memory_space<hbm>> -> memref<4096x128xf32, #tpu.memory_space<hbm>>
    tpu.wait_indirect_dma semaphore(%arg9 : memref<!tpu.dma_semaphore, #tpu.memory_space<semaphore_mem>>) src(%dma_wait3A_246 : memref<4096x128xf32, #tpu.memory_space<hbm>>) dst(%arg7 : memref<128x128xf32, #tpu.memory_space<vmem>>)
    %add3A_247 = arith.constant 1408 : i32
    %add3A_248 = arith.addi %multiple_of3A, %add3A_247 : i32
    %multiple_of3A_249 = tpu.assume_multiple %add3A_248, 128 : i32
    %dma_start3A_250 = arith.constant 0 : i32
    %dma_start3A_251 = tpu.memref_slice %arg4[%multiple_of3A_249, %dma_start3A_250] : memref<65536x128xf32, #tpu.memory_space<hbm>> -> memref<128x128xf32, #tpu.memory_space<hbm>>
    %dma_start3A_252 = arith.constant 0 : i32
    %dma_start3A_253 = tpu.memref_slice %arg4[%multiple_of3A_249, %dma_start3A_252] : memref<65536x128xf32, #tpu.memory_space<hbm>> -> memref<128x128xf32, #tpu.memory_space<hbm>>
    tpu.enqueue_dma source(%arg7 : memref<128x128xf32, #tpu.memory_space<vmem>>) target(%dma_start3A_253 : memref<128x128xf32, #tpu.memory_space<hbm>>) target_semaphore(%arg11 : memref<!tpu.dma_semaphore, #tpu.memory_space<semaphore_mem>>)
    %dma_wait3A_254 = arith.constant 0 : i32
    %dma_wait3A_255 = tpu.memref_slice %arg4[%multiple_of3A_249, %dma_wait3A_254] : memref<65536x128xf32, #tpu.memory_space<hbm>> -> memref<128x128xf32, #tpu.memory_space<hbm>>
    %dma_wait3A_256 = arith.constant 0 : i32
    %dma_wait3A_257 = tpu.memref_slice %arg4[%multiple_of3A_249, %dma_wait3A_256] : memref<65536x128xf32, #tpu.memory_space<hbm>> -> memref<128x128xf32, #tpu.memory_space<hbm>>
    tpu.wait_dma2 semaphore(%arg11 : memref<!tpu.dma_semaphore, #tpu.memory_space<semaphore_mem>>) src(%arg7 : memref<128x128xf32, #tpu.memory_space<vmem>>) dst(%dma_wait3A_257 : memref<128x128xf32, #tpu.memory_space<hbm>>)
    %dma_start3A_258 = arith.constant 1664 : i32
    %dma_start3A_259 = tpu.memref_slice %arg5[%dma_start3A_258] : memref<2048xi32, #tpu.memory_space<vmem>> -> memref<128xi32, #tpu.memory_space<vmem>>
    %dma_start3A_260 = arith.constant 0 : i32
    %dma_start3A_261 = arith.constant 0 : i32
    %dma_start3A_262 = tpu.memref_slice %arg2[%dma_start3A_260, %dma_start3A_261] : memref<4096x128xf32, #tpu.memory_space<hbm>> -> memref<4096x128xf32, #tpu.memory_space<hbm>>
    tpu.enqueue_indirect_dma source(%dma_start3A_262 : memref<4096x128xf32, #tpu.memory_space<hbm>>) target(%arg7 : memref<128x128xf32, #tpu.memory_space<vmem>>) offsets(%dma_start3A_259 : memref<128xi32, #tpu.memory_space<vmem>>) semaphore(%arg9 : memref<!tpu.dma_semaphore, #tpu.memory_space<semaphore_mem>>)
    %dma_wait3A_263 = arith.constant 1536 : i32
    %dma_wait3A_264 = tpu.memref_slice %arg5[%dma_wait3A_263] : memref<2048xi32, #tpu.memory_space<vmem>> -> memref<128xi32, #tpu.memory_space<vmem>>
    %dma_wait3A_265 = arith.constant 0 : i32
    %dma_wait3A_266 = arith.constant 0 : i32
    %dma_wait3A_267 = tpu.memref_slice %arg2[%dma_wait3A_265, %dma_wait3A_266] : memref<4096x128xf32, #tpu.memory_space<hbm>> -> memref<4096x128xf32, #tpu.memory_space<hbm>>
    tpu.wait_indirect_dma semaphore(%arg8 : memref<!tpu.dma_semaphore, #tpu.memory_space<semaphore_mem>>) src(%dma_wait3A_267 : memref<4096x128xf32, #tpu.memory_space<hbm>>) dst(%arg6 : memref<128x128xf32, #tpu.memory_space<vmem>>)
    %add3A_268 = arith.constant 1536 : i32
    %add3A_269 = arith.addi %multiple_of3A, %add3A_268 : i32
    %multiple_of3A_270 = tpu.assume_multiple %add3A_269, 128 : i32
    %dma_start3A_271 = arith.constant 0 : i32
    %dma_start3A_272 = tpu.memref_slice %arg4[%multiple_of3A_270, %dma_start3A_271] : memref<65536x128xf32, #tpu.memory_space<hbm>> -> memref<128x128xf32, #tpu.memory_space<hbm>>
    %dma_start3A_273 = arith.constant 0 : i32
    %dma_start3A_274 = tpu.memref_slice %arg4[%multiple_of3A_270, %dma_start3A_273] : memref<65536x128xf32, #tpu.memory_space<hbm>> -> memref<128x128xf32, #tpu.memory_space<hbm>>
    tpu.enqueue_dma source(%arg6 : memref<128x128xf32, #tpu.memory_space<vmem>>) target(%dma_start3A_274 : memref<128x128xf32, #tpu.memory_space<hbm>>) target_semaphore(%arg10 : memref<!tpu.dma_semaphore, #tpu.memory_space<semaphore_mem>>)
    %dma_wait3A_275 = arith.constant 0 : i32
    %dma_wait3A_276 = tpu.memref_slice %arg4[%multiple_of3A_270, %dma_wait3A_275] : memref<65536x128xf32, #tpu.memory_space<hbm>> -> memref<128x128xf32, #tpu.memory_space<hbm>>
    %dma_wait3A_277 = arith.constant 0 : i32
    %dma_wait3A_278 = tpu.memref_slice %arg4[%multiple_of3A_270, %dma_wait3A_277] : memref<65536x128xf32, #tpu.memory_space<hbm>> -> memref<128x128xf32, #tpu.memory_space<hbm>>
    tpu.wait_dma2 semaphore(%arg10 : memref<!tpu.dma_semaphore, #tpu.memory_space<semaphore_mem>>) src(%arg6 : memref<128x128xf32, #tpu.memory_space<vmem>>) dst(%dma_wait3A_278 : memref<128x128xf32, #tpu.memory_space<hbm>>)
    %dma_start3A_279 = arith.constant 1792 : i32
    %dma_start3A_280 = tpu.memref_slice %arg5[%dma_start3A_279] : memref<2048xi32, #tpu.memory_space<vmem>> -> memref<128xi32, #tpu.memory_space<vmem>>
    %dma_start3A_281 = arith.constant 0 : i32
    %dma_start3A_282 = arith.constant 0 : i32
    %dma_start3A_283 = tpu.memref_slice %arg2[%dma_start3A_281, %dma_start3A_282] : memref<4096x128xf32, #tpu.memory_space<hbm>> -> memref<4096x128xf32, #tpu.memory_space<hbm>>
    tpu.enqueue_indirect_dma source(%dma_start3A_283 : memref<4096x128xf32, #tpu.memory_space<hbm>>) target(%arg6 : memref<128x128xf32, #tpu.memory_space<vmem>>) offsets(%dma_start3A_280 : memref<128xi32, #tpu.memory_space<vmem>>) semaphore(%arg8 : memref<!tpu.dma_semaphore, #tpu.memory_space<semaphore_mem>>)
    %dma_wait3A_284 = arith.constant 1664 : i32
    %dma_wait3A_285 = tpu.memref_slice %arg5[%dma_wait3A_284] : memref<2048xi32, #tpu.memory_space<vmem>> -> memref<128xi32, #tpu.memory_space<vmem>>
    %dma_wait3A_286 = arith.constant 0 : i32
    %dma_wait3A_287 = arith.constant 0 : i32
    %dma_wait3A_288 = tpu.memref_slice %arg2[%dma_wait3A_286, %dma_wait3A_287] : memref<4096x128xf32, #tpu.memory_space<hbm>> -> memref<4096x128xf32, #tpu.memory_space<hbm>>
    tpu.wait_indirect_dma semaphore(%arg9 : memref<!tpu.dma_semaphore, #tpu.memory_space<semaphore_mem>>) src(%dma_wait3A_288 : memref<4096x128xf32, #tpu.memory_space<hbm>>) dst(%arg7 : memref<128x128xf32, #tpu.memory_space<vmem>>)
    %add3A_289 = arith.constant 1664 : i32
    %add3A_290 = arith.addi %multiple_of3A, %add3A_289 : i32
    %multiple_of3A_291 = tpu.assume_multiple %add3A_290, 128 : i32
    %dma_start3A_292 = arith.constant 0 : i32
    %dma_start3A_293 = tpu.memref_slice %arg4[%multiple_of3A_291, %dma_start3A_292] : memref<65536x128xf32, #tpu.memory_space<hbm>> -> memref<128x128xf32, #tpu.memory_space<hbm>>
    %dma_start3A_294 = arith.constant 0 : i32
    %dma_start3A_295 = tpu.memref_slice %arg4[%multiple_of3A_291, %dma_start3A_294] : memref<65536x128xf32, #tpu.memory_space<hbm>> -> memref<128x128xf32, #tpu.memory_space<hbm>>
    tpu.enqueue_dma source(%arg7 : memref<128x128xf32, #tpu.memory_space<vmem>>) target(%dma_start3A_295 : memref<128x128xf32, #tpu.memory_space<hbm>>) target_semaphore(%arg11 : memref<!tpu.dma_semaphore, #tpu.memory_space<semaphore_mem>>)
    %dma_wait3A_296 = arith.constant 0 : i32
    %dma_wait3A_297 = tpu.memref_slice %arg4[%multiple_of3A_291, %dma_wait3A_296] : memref<65536x128xf32, #tpu.memory_space<hbm>> -> memref<128x128xf32, #tpu.memory_space<hbm>>
    %dma_wait3A_298 = arith.constant 0 : i32
    %dma_wait3A_299 = tpu.memref_slice %arg4[%multiple_of3A_291, %dma_wait3A_298] : memref<65536x128xf32, #tpu.memory_space<hbm>> -> memref<128x128xf32, #tpu.memory_space<hbm>>
    tpu.wait_dma2 semaphore(%arg11 : memref<!tpu.dma_semaphore, #tpu.memory_space<semaphore_mem>>) src(%arg7 : memref<128x128xf32, #tpu.memory_space<vmem>>) dst(%dma_wait3A_299 : memref<128x128xf32, #tpu.memory_space<hbm>>)
    %dma_start3A_300 = arith.constant 1920 : i32
    %dma_start3A_301 = tpu.memref_slice %arg5[%dma_start3A_300] : memref<2048xi32, #tpu.memory_space<vmem>> -> memref<128xi32, #tpu.memory_space<vmem>>
    %dma_start3A_302 = arith.constant 0 : i32
    %dma_start3A_303 = arith.constant 0 : i32
    %dma_start3A_304 = tpu.memref_slice %arg2[%dma_start3A_302, %dma_start3A_303] : memref<4096x128xf32, #tpu.memory_space<hbm>> -> memref<4096x128xf32, #tpu.memory_space<hbm>>
    tpu.enqueue_indirect_dma source(%dma_start3A_304 : memref<4096x128xf32, #tpu.memory_space<hbm>>) target(%arg7 : memref<128x128xf32, #tpu.memory_space<vmem>>) offsets(%dma_start3A_301 : memref<128xi32, #tpu.memory_space<vmem>>) semaphore(%arg9 : memref<!tpu.dma_semaphore, #tpu.memory_space<semaphore_mem>>)
    %dma_wait3A_305 = arith.constant 1792 : i32
    %dma_wait3A_306 = tpu.memref_slice %arg5[%dma_wait3A_305] : memref<2048xi32, #tpu.memory_space<vmem>> -> memref<128xi32, #tpu.memory_space<vmem>>
    %dma_wait3A_307 = arith.constant 0 : i32
    %dma_wait3A_308 = arith.constant 0 : i32
    %dma_wait3A_309 = tpu.memref_slice %arg2[%dma_wait3A_307, %dma_wait3A_308] : memref<4096x128xf32, #tpu.memory_space<hbm>> -> memref<4096x128xf32, #tpu.memory_space<hbm>>
    tpu.wait_indirect_dma semaphore(%arg8 : memref<!tpu.dma_semaphore, #tpu.memory_space<semaphore_mem>>) src(%dma_wait3A_309 : memref<4096x128xf32, #tpu.memory_space<hbm>>) dst(%arg6 : memref<128x128xf32, #tpu.memory_space<vmem>>)
    %add3A_310 = arith.constant 1792 : i32
    %add3A_311 = arith.addi %multiple_of3A, %add3A_310 : i32
    %multiple_of3A_312 = tpu.assume_multiple %add3A_311, 128 : i32
    %dma_start3A_313 = arith.constant 0 : i32
    %dma_start3A_314 = tpu.memref_slice %arg4[%multiple_of3A_312, %dma_start3A_313] : memref<65536x128xf32, #tpu.memory_space<hbm>> -> memref<128x128xf32, #tpu.memory_space<hbm>>
    %dma_start3A_315 = arith.constant 0 : i32
    %dma_start3A_316 = tpu.memref_slice %arg4[%multiple_of3A_312, %dma_start3A_315] : memref<65536x128xf32, #tpu.memory_space<hbm>> -> memref<128x128xf32, #tpu.memory_space<hbm>>
    tpu.enqueue_dma source(%arg6 : memref<128x128xf32, #tpu.memory_space<vmem>>) target(%dma_start3A_316 : memref<128x128xf32, #tpu.memory_space<hbm>>) target_semaphore(%arg10 : memref<!tpu.dma_semaphore, #tpu.memory_space<semaphore_mem>>)
    %dma_wait3A_317 = arith.constant 1920 : i32
    %dma_wait3A_318 = tpu.memref_slice %arg5[%dma_wait3A_317] : memref<2048xi32, #tpu.memory_space<vmem>> -> memref<128xi32, #tpu.memory_space<vmem>>
    %dma_wait3A_319 = arith.constant 0 : i32
    %dma_wait3A_320 = arith.constant 0 : i32
    %dma_wait3A_321 = tpu.memref_slice %arg2[%dma_wait3A_319, %dma_wait3A_320] : memref<4096x128xf32, #tpu.memory_space<hbm>> -> memref<4096x128xf32, #tpu.memory_space<hbm>>
    tpu.wait_indirect_dma semaphore(%arg9 : memref<!tpu.dma_semaphore, #tpu.memory_space<semaphore_mem>>) src(%dma_wait3A_321 : memref<4096x128xf32, #tpu.memory_space<hbm>>) dst(%arg7 : memref<128x128xf32, #tpu.memory_space<vmem>>)
    %add3A_322 = arith.constant 1920 : i32
    %add3A_323 = arith.addi %multiple_of3A, %add3A_322 : i32
    %multiple_of3A_324 = tpu.assume_multiple %add3A_323, 128 : i32
    %dma_start3A_325 = arith.constant 0 : i32
    %dma_start3A_326 = tpu.memref_slice %arg4[%multiple_of3A_324, %dma_start3A_325] : memref<65536x128xf32, #tpu.memory_space<hbm>> -> memref<128x128xf32, #tpu.memory_space<hbm>>
    %dma_start3A_327 = arith.constant 0 : i32
    %dma_start3A_328 = tpu.memref_slice %arg4[%multiple_of3A_324, %dma_start3A_327] : memref<65536x128xf32, #tpu.memory_space<hbm>> -> memref<128x128xf32, #tpu.memory_space<hbm>>
    tpu.enqueue_dma source(%arg7 : memref<128x128xf32, #tpu.memory_space<vmem>>) target(%dma_start3A_328 : memref<128x128xf32, #tpu.memory_space<hbm>>) target_semaphore(%arg11 : memref<!tpu.dma_semaphore, #tpu.memory_space<semaphore_mem>>)
    %dma_wait3A_329 = arith.constant 0 : i32
    %dma_wait3A_330 = tpu.memref_slice %arg4[%multiple_of3A_312, %dma_wait3A_329] : memref<65536x128xf32, #tpu.memory_space<hbm>> -> memref<128x128xf32, #tpu.memory_space<hbm>>
    %dma_wait3A_331 = arith.constant 0 : i32
    %dma_wait3A_332 = tpu.memref_slice %arg4[%multiple_of3A_312, %dma_wait3A_331] : memref<65536x128xf32, #tpu.memory_space<hbm>> -> memref<128x128xf32, #tpu.memory_space<hbm>>
    tpu.wait_dma2 semaphore(%arg10 : memref<!tpu.dma_semaphore, #tpu.memory_space<semaphore_mem>>) src(%arg6 : memref<128x128xf32, #tpu.memory_space<vmem>>) dst(%dma_wait3A_332 : memref<128x128xf32, #tpu.memory_space<hbm>>)
    %dma_wait3A_333 = arith.constant 0 : i32
    %dma_wait3A_334 = tpu.memref_slice %arg4[%multiple_of3A_324, %dma_wait3A_333] : memref<65536x128xf32, #tpu.memory_space<hbm>> -> memref<128x128xf32, #tpu.memory_space<hbm>>
    %dma_wait3A_335 = arith.constant 0 : i32
    %dma_wait3A_336 = tpu.memref_slice %arg4[%multiple_of3A_324, %dma_wait3A_335] : memref<65536x128xf32, #tpu.memory_space<hbm>> -> memref<128x128xf32, #tpu.memory_space<hbm>>
    tpu.wait_dma2 semaphore(%arg11 : memref<!tpu.dma_semaphore, #tpu.memory_space<semaphore_mem>>) src(%arg7 : memref<128x128xf32, #tpu.memory_space<vmem>>) dst(%dma_wait3A_336 : memref<128x128xf32, #tpu.memory_space<hbm>>)
    return
  }
}

#map = affine_map<(d0, d1) -> (0, 0)>
#map1 = affine_map<(d0, d1) -> (0)>
module attributes {stable_mosaic.version = 14 : i64} {
  func.func @_gather_body(%arg0: i32, %arg1: i32, %arg2: memref<4096x128xf32, #tpu.memory_space<hbm>>, %arg3: memref<65536xi32, #tpu.memory_space<hbm>>, %arg4: memref<65536x128xf32, #tpu.memory_space<hbm>>, %arg5: memref<2048xi32, #tpu.memory_space<vmem>>, %arg6: memref<128x128xf32, #tpu.memory_space<vmem>>, %arg7: memref<128x128xf32, #tpu.memory_space<vmem>>, %arg8: memref<!tpu.dma_semaphore, #tpu.memory_space<semaphore_mem>>, %arg9: memref<!tpu.dma_semaphore, #tpu.memory_space<semaphore_mem>>, %arg10: memref<!tpu.dma_semaphore, #tpu.memory_space<semaphore_mem>>, %arg11: memref<!tpu.dma_semaphore, #tpu.memory_space<semaphore_mem>>) attributes {dimension_semantics = [#tpu.dimension_semantics<core_parallel>, #tpu.dimension_semantics<subcore_parallel>], iteration_bounds = array<i64: 2, 16>, scalar_prefetch = 0 : i64, scratch_operands = 7 : i64, tpu.core_type = #tpu.core_type<sc_vector_subcore>, window_params = [{transform_indices = #map}, {transform_indices = #map1}, {transform_indices = #map}]} {
    %mul3A = arith.constant 2 : i32
    %mul3A_0 = arith.muli %arg1, %mul3A : i32
    %add3A = arith.addi %mul3A_0, %arg0 : i32
    %mul3A_1 = arith.constant 2048 : i32
    %mul3A_2 = arith.muli %add3A, %mul3A_1 : i32
    %multiple_of3A = tpu.assume_multiple %mul3A_2, 2048 : i32
    "tpu.region"() ({
      %run_scoped3A = tpu.sem_alloc : memref<!tpu.dma_semaphore, #tpu.memory_space<semaphore_mem>>
      %dma_start3A_337 = tpu.memref_slice %arg3[%multiple_of3A] : memref<65536xi32, #tpu.memory_space<hbm>> -> memref<2048xi32, #tpu.memory_space<hbm>>
      %dma_start3A_338 = tpu.memref_slice %arg3[%multiple_of3A] : memref<65536xi32, #tpu.memory_space<hbm>> -> memref<2048xi32, #tpu.memory_space<hbm>>
      tpu.enqueue_dma source(%dma_start3A_338 : memref<2048xi32, #tpu.memory_space<hbm>>) target(%arg5 : memref<2048xi32, #tpu.memory_space<vmem>>) target_semaphore(%run_scoped3A : memref<!tpu.dma_semaphore, #tpu.memory_space<semaphore_mem>>)
      %dma_wait3A_339 = tpu.memref_slice %arg3[%multiple_of3A] : memref<65536xi32, #tpu.memory_space<hbm>> -> memref<2048xi32, #tpu.memory_space<hbm>>
      %dma_wait3A_340 = tpu.memref_slice %arg3[%multiple_of3A] : memref<65536xi32, #tpu.memory_space<hbm>> -> memref<2048xi32, #tpu.memory_space<hbm>>
      tpu.wait_dma2 semaphore(%run_scoped3A : memref<!tpu.dma_semaphore, #tpu.memory_space<semaphore_mem>>) src(%dma_wait3A_340 : memref<2048xi32, #tpu.memory_space<hbm>>) dst(%arg5 : memref<2048xi32, #tpu.memory_space<vmem>>)
      tpu.yield
    }) : () -> ()
    %dma_start3A = arith.constant 0 : i32
    %dma_start3A_3 = tpu.memref_slice %arg5[%dma_start3A] : memref<2048xi32, #tpu.memory_space<vmem>> -> memref<128xi32, #tpu.memory_space<vmem>>
    %dma_start3A_4 = arith.constant 0 : i32
    %dma_start3A_5 = arith.constant 0 : i32
    %dma_start3A_6 = tpu.memref_slice %arg2[%dma_start3A_4, %dma_start3A_5] : memref<4096x128xf32, #tpu.memory_space<hbm>> -> memref<4096x128xf32, #tpu.memory_space<hbm>>
    tpu.enqueue_indirect_dma source(%dma_start3A_6 : memref<4096x128xf32, #tpu.memory_space<hbm>>) target(%arg6 : memref<128x128xf32, #tpu.memory_space<vmem>>) offsets(%dma_start3A_3 : memref<128xi32, #tpu.memory_space<vmem>>) semaphore(%arg8 : memref<!tpu.dma_semaphore, #tpu.memory_space<semaphore_mem>>)
    %dma_start3A_7 = arith.constant 128 : i32
    %dma_start3A_8 = tpu.memref_slice %arg5[%dma_start3A_7] : memref<2048xi32, #tpu.memory_space<vmem>> -> memref<128xi32, #tpu.memory_space<vmem>>
    %dma_start3A_9 = arith.constant 0 : i32
    %dma_start3A_10 = arith.constant 0 : i32
    %dma_start3A_11 = tpu.memref_slice %arg2[%dma_start3A_9, %dma_start3A_10] : memref<4096x128xf32, #tpu.memory_space<hbm>> -> memref<4096x128xf32, #tpu.memory_space<hbm>>
    tpu.enqueue_indirect_dma source(%dma_start3A_11 : memref<4096x128xf32, #tpu.memory_space<hbm>>) target(%arg7 : memref<128x128xf32, #tpu.memory_space<vmem>>) offsets(%dma_start3A_8 : memref<128xi32, #tpu.memory_space<vmem>>) semaphore(%arg9 : memref<!tpu.dma_semaphore, #tpu.memory_space<semaphore_mem>>)
    %dma_wait3A = arith.constant 0 : i32
    %dma_wait3A_12 = tpu.memref_slice %arg5[%dma_wait3A] : memref<2048xi32, #tpu.memory_space<vmem>> -> memref<128xi32, #tpu.memory_space<vmem>>
    %dma_wait3A_13 = arith.constant 0 : i32
    %dma_wait3A_14 = arith.constant 0 : i32
    %dma_wait3A_15 = tpu.memref_slice %arg2[%dma_wait3A_13, %dma_wait3A_14] : memref<4096x128xf32, #tpu.memory_space<hbm>> -> memref<4096x128xf32, #tpu.memory_space<hbm>>
    tpu.wait_indirect_dma semaphore(%arg8 : memref<!tpu.dma_semaphore, #tpu.memory_space<semaphore_mem>>) src(%dma_wait3A_15 : memref<4096x128xf32, #tpu.memory_space<hbm>>) dst(%arg6 : memref<128x128xf32, #tpu.memory_space<vmem>>)
    %add3A_16 = arith.constant 0 : i32
    %add3A_17 = arith.addi %multiple_of3A, %add3A_16 : i32
    %multiple_of3A_18 = tpu.assume_multiple %add3A_17, 128 : i32
    %dma_start3A_19 = arith.constant 0 : i32
    %dma_start3A_20 = tpu.memref_slice %arg4[%multiple_of3A_18, %dma_start3A_19] : memref<65536x128xf32, #tpu.memory_space<hbm>> -> memref<128x128xf32, #tpu.memory_space<hbm>>
    %dma_start3A_21 = arith.constant 0 : i32
    %dma_start3A_22 = tpu.memref_slice %arg4[%multiple_of3A_18, %dma_start3A_21] : memref<65536x128xf32, #tpu.memory_space<hbm>> -> memref<128x128xf32, #tpu.memory_space<hbm>>
    tpu.enqueue_dma source(%arg6 : memref<128x128xf32, #tpu.memory_space<vmem>>) target(%dma_start3A_22 : memref<128x128xf32, #tpu.memory_space<hbm>>) target_semaphore(%arg10 : memref<!tpu.dma_semaphore, #tpu.memory_space<semaphore_mem>>)
    %dma_wait3A_23 = arith.constant 0 : i32
    %dma_wait3A_24 = tpu.memref_slice %arg4[%multiple_of3A_18, %dma_wait3A_23] : memref<65536x128xf32, #tpu.memory_space<hbm>> -> memref<128x128xf32, #tpu.memory_space<hbm>>
    %dma_wait3A_25 = arith.constant 0 : i32
    %dma_wait3A_26 = tpu.memref_slice %arg4[%multiple_of3A_18, %dma_wait3A_25] : memref<65536x128xf32, #tpu.memory_space<hbm>> -> memref<128x128xf32, #tpu.memory_space<hbm>>
    tpu.wait_dma2 semaphore(%arg10 : memref<!tpu.dma_semaphore, #tpu.memory_space<semaphore_mem>>) src(%arg6 : memref<128x128xf32, #tpu.memory_space<vmem>>) dst(%dma_wait3A_26 : memref<128x128xf32, #tpu.memory_space<hbm>>)
    %dma_start3A_27 = arith.constant 256 : i32
    %dma_start3A_28 = tpu.memref_slice %arg5[%dma_start3A_27] : memref<2048xi32, #tpu.memory_space<vmem>> -> memref<128xi32, #tpu.memory_space<vmem>>
    %dma_start3A_29 = arith.constant 0 : i32
    %dma_start3A_30 = arith.constant 0 : i32
    %dma_start3A_31 = tpu.memref_slice %arg2[%dma_start3A_29, %dma_start3A_30] : memref<4096x128xf32, #tpu.memory_space<hbm>> -> memref<4096x128xf32, #tpu.memory_space<hbm>>
    tpu.enqueue_indirect_dma source(%dma_start3A_31 : memref<4096x128xf32, #tpu.memory_space<hbm>>) target(%arg6 : memref<128x128xf32, #tpu.memory_space<vmem>>) offsets(%dma_start3A_28 : memref<128xi32, #tpu.memory_space<vmem>>) semaphore(%arg8 : memref<!tpu.dma_semaphore, #tpu.memory_space<semaphore_mem>>)
    %dma_wait3A_32 = arith.constant 128 : i32
    %dma_wait3A_33 = tpu.memref_slice %arg5[%dma_wait3A_32] : memref<2048xi32, #tpu.memory_space<vmem>> -> memref<128xi32, #tpu.memory_space<vmem>>
    %dma_wait3A_34 = arith.constant 0 : i32
    %dma_wait3A_35 = arith.constant 0 : i32
    %dma_wait3A_36 = tpu.memref_slice %arg2[%dma_wait3A_34, %dma_wait3A_35] : memref<4096x128xf32, #tpu.memory_space<hbm>> -> memref<4096x128xf32, #tpu.memory_space<hbm>>
    tpu.wait_indirect_dma semaphore(%arg9 : memref<!tpu.dma_semaphore, #tpu.memory_space<semaphore_mem>>) src(%dma_wait3A_36 : memref<4096x128xf32, #tpu.memory_space<hbm>>) dst(%arg7 : memref<128x128xf32, #tpu.memory_space<vmem>>)
    %add3A_37 = arith.constant 128 : i32
    %add3A_38 = arith.addi %multiple_of3A, %add3A_37 : i32
    %multiple_of3A_39 = tpu.assume_multiple %add3A_38, 128 : i32
    %dma_start3A_40 = arith.constant 0 : i32
    %dma_start3A_41 = tpu.memref_slice %arg4[%multiple_of3A_39, %dma_start3A_40] : memref<65536x128xf32, #tpu.memory_space<hbm>> -> memref<128x128xf32, #tpu.memory_space<hbm>>
    %dma_start3A_42 = arith.constant 0 : i32
    %dma_start3A_43 = tpu.memref_slice %arg4[%multiple_of3A_39, %dma_start3A_42] : memref<65536x128xf32, #tpu.memory_space<hbm>> -> memref<128x128xf32, #tpu.memory_space<hbm>>
    tpu.enqueue_dma source(%arg7 : memref<128x128xf32, #tpu.memory_space<vmem>>) target(%dma_start3A_43 : memref<128x128xf32, #tpu.memory_space<hbm>>) target_semaphore(%arg11 : memref<!tpu.dma_semaphore, #tpu.memory_space<semaphore_mem>>)
    %dma_wait3A_44 = arith.constant 0 : i32
    %dma_wait3A_45 = tpu.memref_slice %arg4[%multiple_of3A_39, %dma_wait3A_44] : memref<65536x128xf32, #tpu.memory_space<hbm>> -> memref<128x128xf32, #tpu.memory_space<hbm>>
    %dma_wait3A_46 = arith.constant 0 : i32
    %dma_wait3A_47 = tpu.memref_slice %arg4[%multiple_of3A_39, %dma_wait3A_46] : memref<65536x128xf32, #tpu.memory_space<hbm>> -> memref<128x128xf32, #tpu.memory_space<hbm>>
    tpu.wait_dma2 semaphore(%arg11 : memref<!tpu.dma_semaphore, #tpu.memory_space<semaphore_mem>>) src(%arg7 : memref<128x128xf32, #tpu.memory_space<vmem>>) dst(%dma_wait3A_47 : memref<128x128xf32, #tpu.memory_space<hbm>>)
    %dma_start3A_48 = arith.constant 384 : i32
    %dma_start3A_49 = tpu.memref_slice %arg5[%dma_start3A_48] : memref<2048xi32, #tpu.memory_space<vmem>> -> memref<128xi32, #tpu.memory_space<vmem>>
    %dma_start3A_50 = arith.constant 0 : i32
    %dma_start3A_51 = arith.constant 0 : i32
    %dma_start3A_52 = tpu.memref_slice %arg2[%dma_start3A_50, %dma_start3A_51] : memref<4096x128xf32, #tpu.memory_space<hbm>> -> memref<4096x128xf32, #tpu.memory_space<hbm>>
    tpu.enqueue_indirect_dma source(%dma_start3A_52 : memref<4096x128xf32, #tpu.memory_space<hbm>>) target(%arg7 : memref<128x128xf32, #tpu.memory_space<vmem>>) offsets(%dma_start3A_49 : memref<128xi32, #tpu.memory_space<vmem>>) semaphore(%arg9 : memref<!tpu.dma_semaphore, #tpu.memory_space<semaphore_mem>>)
    %dma_wait3A_53 = arith.constant 256 : i32
    %dma_wait3A_54 = tpu.memref_slice %arg5[%dma_wait3A_53] : memref<2048xi32, #tpu.memory_space<vmem>> -> memref<128xi32, #tpu.memory_space<vmem>>
    %dma_wait3A_55 = arith.constant 0 : i32
    %dma_wait3A_56 = arith.constant 0 : i32
    %dma_wait3A_57 = tpu.memref_slice %arg2[%dma_wait3A_55, %dma_wait3A_56] : memref<4096x128xf32, #tpu.memory_space<hbm>> -> memref<4096x128xf32, #tpu.memory_space<hbm>>
    tpu.wait_indirect_dma semaphore(%arg8 : memref<!tpu.dma_semaphore, #tpu.memory_space<semaphore_mem>>) src(%dma_wait3A_57 : memref<4096x128xf32, #tpu.memory_space<hbm>>) dst(%arg6 : memref<128x128xf32, #tpu.memory_space<vmem>>)
    %add3A_58 = arith.constant 256 : i32
    %add3A_59 = arith.addi %multiple_of3A, %add3A_58 : i32
    %multiple_of3A_60 = tpu.assume_multiple %add3A_59, 128 : i32
    %dma_start3A_61 = arith.constant 0 : i32
    %dma_start3A_62 = tpu.memref_slice %arg4[%multiple_of3A_60, %dma_start3A_61] : memref<65536x128xf32, #tpu.memory_space<hbm>> -> memref<128x128xf32, #tpu.memory_space<hbm>>
    %dma_start3A_63 = arith.constant 0 : i32
    %dma_start3A_64 = tpu.memref_slice %arg4[%multiple_of3A_60, %dma_start3A_63] : memref<65536x128xf32, #tpu.memory_space<hbm>> -> memref<128x128xf32, #tpu.memory_space<hbm>>
    tpu.enqueue_dma source(%arg6 : memref<128x128xf32, #tpu.memory_space<vmem>>) target(%dma_start3A_64 : memref<128x128xf32, #tpu.memory_space<hbm>>) target_semaphore(%arg10 : memref<!tpu.dma_semaphore, #tpu.memory_space<semaphore_mem>>)
    %dma_wait3A_65 = arith.constant 0 : i32
    %dma_wait3A_66 = tpu.memref_slice %arg4[%multiple_of3A_60, %dma_wait3A_65] : memref<65536x128xf32, #tpu.memory_space<hbm>> -> memref<128x128xf32, #tpu.memory_space<hbm>>
    %dma_wait3A_67 = arith.constant 0 : i32
    %dma_wait3A_68 = tpu.memref_slice %arg4[%multiple_of3A_60, %dma_wait3A_67] : memref<65536x128xf32, #tpu.memory_space<hbm>> -> memref<128x128xf32, #tpu.memory_space<hbm>>
    tpu.wait_dma2 semaphore(%arg10 : memref<!tpu.dma_semaphore, #tpu.memory_space<semaphore_mem>>) src(%arg6 : memref<128x128xf32, #tpu.memory_space<vmem>>) dst(%dma_wait3A_68 : memref<128x128xf32, #tpu.memory_space<hbm>>)
    %dma_start3A_69 = arith.constant 512 : i32
    %dma_start3A_70 = tpu.memref_slice %arg5[%dma_start3A_69] : memref<2048xi32, #tpu.memory_space<vmem>> -> memref<128xi32, #tpu.memory_space<vmem>>
    %dma_start3A_71 = arith.constant 0 : i32
    %dma_start3A_72 = arith.constant 0 : i32
    %dma_start3A_73 = tpu.memref_slice %arg2[%dma_start3A_71, %dma_start3A_72] : memref<4096x128xf32, #tpu.memory_space<hbm>> -> memref<4096x128xf32, #tpu.memory_space<hbm>>
    tpu.enqueue_indirect_dma source(%dma_start3A_73 : memref<4096x128xf32, #tpu.memory_space<hbm>>) target(%arg6 : memref<128x128xf32, #tpu.memory_space<vmem>>) offsets(%dma_start3A_70 : memref<128xi32, #tpu.memory_space<vmem>>) semaphore(%arg8 : memref<!tpu.dma_semaphore, #tpu.memory_space<semaphore_mem>>)
    %dma_wait3A_74 = arith.constant 384 : i32
    %dma_wait3A_75 = tpu.memref_slice %arg5[%dma_wait3A_74] : memref<2048xi32, #tpu.memory_space<vmem>> -> memref<128xi32, #tpu.memory_space<vmem>>
    %dma_wait3A_76 = arith.constant 0 : i32
    %dma_wait3A_77 = arith.constant 0 : i32
    %dma_wait3A_78 = tpu.memref_slice %arg2[%dma_wait3A_76, %dma_wait3A_77] : memref<4096x128xf32, #tpu.memory_space<hbm>> -> memref<4096x128xf32, #tpu.memory_space<hbm>>
    tpu.wait_indirect_dma semaphore(%arg9 : memref<!tpu.dma_semaphore, #tpu.memory_space<semaphore_mem>>) src(%dma_wait3A_78 : memref<4096x128xf32, #tpu.memory_space<hbm>>) dst(%arg7 : memref<128x128xf32, #tpu.memory_space<vmem>>)
    %add3A_79 = arith.constant 384 : i32
    %add3A_80 = arith.addi %multiple_of3A, %add3A_79 : i32
    %multiple_of3A_81 = tpu.assume_multiple %add3A_80, 128 : i32
    %dma_start3A_82 = arith.constant 0 : i32
    %dma_start3A_83 = tpu.memref_slice %arg4[%multiple_of3A_81, %dma_start3A_82] : memref<65536x128xf32, #tpu.memory_space<hbm>> -> memref<128x128xf32, #tpu.memory_space<hbm>>
    %dma_start3A_84 = arith.constant 0 : i32
    %dma_start3A_85 = tpu.memref_slice %arg4[%multiple_of3A_81, %dma_start3A_84] : memref<65536x128xf32, #tpu.memory_space<hbm>> -> memref<128x128xf32, #tpu.memory_space<hbm>>
    tpu.enqueue_dma source(%arg7 : memref<128x128xf32, #tpu.memory_space<vmem>>) target(%dma_start3A_85 : memref<128x128xf32, #tpu.memory_space<hbm>>) target_semaphore(%arg11 : memref<!tpu.dma_semaphore, #tpu.memory_space<semaphore_mem>>)
    %dma_wait3A_86 = arith.constant 0 : i32
    %dma_wait3A_87 = tpu.memref_slice %arg4[%multiple_of3A_81, %dma_wait3A_86] : memref<65536x128xf32, #tpu.memory_space<hbm>> -> memref<128x128xf32, #tpu.memory_space<hbm>>
    %dma_wait3A_88 = arith.constant 0 : i32
    %dma_wait3A_89 = tpu.memref_slice %arg4[%multiple_of3A_81, %dma_wait3A_88] : memref<65536x128xf32, #tpu.memory_space<hbm>> -> memref<128x128xf32, #tpu.memory_space<hbm>>
    tpu.wait_dma2 semaphore(%arg11 : memref<!tpu.dma_semaphore, #tpu.memory_space<semaphore_mem>>) src(%arg7 : memref<128x128xf32, #tpu.memory_space<vmem>>) dst(%dma_wait3A_89 : memref<128x128xf32, #tpu.memory_space<hbm>>)
    %dma_start3A_90 = arith.constant 640 : i32
    %dma_start3A_91 = tpu.memref_slice %arg5[%dma_start3A_90] : memref<2048xi32, #tpu.memory_space<vmem>> -> memref<128xi32, #tpu.memory_space<vmem>>
    %dma_start3A_92 = arith.constant 0 : i32
    %dma_start3A_93 = arith.constant 0 : i32
    %dma_start3A_94 = tpu.memref_slice %arg2[%dma_start3A_92, %dma_start3A_93] : memref<4096x128xf32, #tpu.memory_space<hbm>> -> memref<4096x128xf32, #tpu.memory_space<hbm>>
    tpu.enqueue_indirect_dma source(%dma_start3A_94 : memref<4096x128xf32, #tpu.memory_space<hbm>>) target(%arg7 : memref<128x128xf32, #tpu.memory_space<vmem>>) offsets(%dma_start3A_91 : memref<128xi32, #tpu.memory_space<vmem>>) semaphore(%arg9 : memref<!tpu.dma_semaphore, #tpu.memory_space<semaphore_mem>>)
    %dma_wait3A_95 = arith.constant 512 : i32
    %dma_wait3A_96 = tpu.memref_slice %arg5[%dma_wait3A_95] : memref<2048xi32, #tpu.memory_space<vmem>> -> memref<128xi32, #tpu.memory_space<vmem>>
    %dma_wait3A_97 = arith.constant 0 : i32
    %dma_wait3A_98 = arith.constant 0 : i32
    %dma_wait3A_99 = tpu.memref_slice %arg2[%dma_wait3A_97, %dma_wait3A_98] : memref<4096x128xf32, #tpu.memory_space<hbm>> -> memref<4096x128xf32, #tpu.memory_space<hbm>>
    tpu.wait_indirect_dma semaphore(%arg8 : memref<!tpu.dma_semaphore, #tpu.memory_space<semaphore_mem>>) src(%dma_wait3A_99 : memref<4096x128xf32, #tpu.memory_space<hbm>>) dst(%arg6 : memref<128x128xf32, #tpu.memory_space<vmem>>)
    %add3A_100 = arith.constant 512 : i32
    %add3A_101 = arith.addi %multiple_of3A, %add3A_100 : i32
    %multiple_of3A_102 = tpu.assume_multiple %add3A_101, 128 : i32
    %dma_start3A_103 = arith.constant 0 : i32
    %dma_start3A_104 = tpu.memref_slice %arg4[%multiple_of3A_102, %dma_start3A_103] : memref<65536x128xf32, #tpu.memory_space<hbm>> -> memref<128x128xf32, #tpu.memory_space<hbm>>
    %dma_start3A_105 = arith.constant 0 : i32
    %dma_start3A_106 = tpu.memref_slice %arg4[%multiple_of3A_102, %dma_start3A_105] : memref<65536x128xf32, #tpu.memory_space<hbm>> -> memref<128x128xf32, #tpu.memory_space<hbm>>
    tpu.enqueue_dma source(%arg6 : memref<128x128xf32, #tpu.memory_space<vmem>>) target(%dma_start3A_106 : memref<128x128xf32, #tpu.memory_space<hbm>>) target_semaphore(%arg10 : memref<!tpu.dma_semaphore, #tpu.memory_space<semaphore_mem>>)
    %dma_wait3A_107 = arith.constant 0 : i32
    %dma_wait3A_108 = tpu.memref_slice %arg4[%multiple_of3A_102, %dma_wait3A_107] : memref<65536x128xf32, #tpu.memory_space<hbm>> -> memref<128x128xf32, #tpu.memory_space<hbm>>
    %dma_wait3A_109 = arith.constant 0 : i32
    %dma_wait3A_110 = tpu.memref_slice %arg4[%multiple_of3A_102, %dma_wait3A_109] : memref<65536x128xf32, #tpu.memory_space<hbm>> -> memref<128x128xf32, #tpu.memory_space<hbm>>
    tpu.wait_dma2 semaphore(%arg10 : memref<!tpu.dma_semaphore, #tpu.memory_space<semaphore_mem>>) src(%arg6 : memref<128x128xf32, #tpu.memory_space<vmem>>) dst(%dma_wait3A_110 : memref<128x128xf32, #tpu.memory_space<hbm>>)
    %dma_start3A_111 = arith.constant 768 : i32
    %dma_start3A_112 = tpu.memref_slice %arg5[%dma_start3A_111] : memref<2048xi32, #tpu.memory_space<vmem>> -> memref<128xi32, #tpu.memory_space<vmem>>
    %dma_start3A_113 = arith.constant 0 : i32
    %dma_start3A_114 = arith.constant 0 : i32
    %dma_start3A_115 = tpu.memref_slice %arg2[%dma_start3A_113, %dma_start3A_114] : memref<4096x128xf32, #tpu.memory_space<hbm>> -> memref<4096x128xf32, #tpu.memory_space<hbm>>
    tpu.enqueue_indirect_dma source(%dma_start3A_115 : memref<4096x128xf32, #tpu.memory_space<hbm>>) target(%arg6 : memref<128x128xf32, #tpu.memory_space<vmem>>) offsets(%dma_start3A_112 : memref<128xi32, #tpu.memory_space<vmem>>) semaphore(%arg8 : memref<!tpu.dma_semaphore, #tpu.memory_space<semaphore_mem>>)
    %dma_wait3A_116 = arith.constant 640 : i32
    %dma_wait3A_117 = tpu.memref_slice %arg5[%dma_wait3A_116] : memref<2048xi32, #tpu.memory_space<vmem>> -> memref<128xi32, #tpu.memory_space<vmem>>
    %dma_wait3A_118 = arith.constant 0 : i32
    %dma_wait3A_119 = arith.constant 0 : i32
    %dma_wait3A_120 = tpu.memref_slice %arg2[%dma_wait3A_118, %dma_wait3A_119] : memref<4096x128xf32, #tpu.memory_space<hbm>> -> memref<4096x128xf32, #tpu.memory_space<hbm>>
    tpu.wait_indirect_dma semaphore(%arg9 : memref<!tpu.dma_semaphore, #tpu.memory_space<semaphore_mem>>) src(%dma_wait3A_120 : memref<4096x128xf32, #tpu.memory_space<hbm>>) dst(%arg7 : memref<128x128xf32, #tpu.memory_space<vmem>>)
    %add3A_121 = arith.constant 640 : i32
    %add3A_122 = arith.addi %multiple_of3A, %add3A_121 : i32
    %multiple_of3A_123 = tpu.assume_multiple %add3A_122, 128 : i32
    %dma_start3A_124 = arith.constant 0 : i32
    %dma_start3A_125 = tpu.memref_slice %arg4[%multiple_of3A_123, %dma_start3A_124] : memref<65536x128xf32, #tpu.memory_space<hbm>> -> memref<128x128xf32, #tpu.memory_space<hbm>>
    %dma_start3A_126 = arith.constant 0 : i32
    %dma_start3A_127 = tpu.memref_slice %arg4[%multiple_of3A_123, %dma_start3A_126] : memref<65536x128xf32, #tpu.memory_space<hbm>> -> memref<128x128xf32, #tpu.memory_space<hbm>>
    tpu.enqueue_dma source(%arg7 : memref<128x128xf32, #tpu.memory_space<vmem>>) target(%dma_start3A_127 : memref<128x128xf32, #tpu.memory_space<hbm>>) target_semaphore(%arg11 : memref<!tpu.dma_semaphore, #tpu.memory_space<semaphore_mem>>)
    %dma_wait3A_128 = arith.constant 0 : i32
    %dma_wait3A_129 = tpu.memref_slice %arg4[%multiple_of3A_123, %dma_wait3A_128] : memref<65536x128xf32, #tpu.memory_space<hbm>> -> memref<128x128xf32, #tpu.memory_space<hbm>>
    %dma_wait3A_130 = arith.constant 0 : i32
    %dma_wait3A_131 = tpu.memref_slice %arg4[%multiple_of3A_123, %dma_wait3A_130] : memref<65536x128xf32, #tpu.memory_space<hbm>> -> memref<128x128xf32, #tpu.memory_space<hbm>>
    tpu.wait_dma2 semaphore(%arg11 : memref<!tpu.dma_semaphore, #tpu.memory_space<semaphore_mem>>) src(%arg7 : memref<128x128xf32, #tpu.memory_space<vmem>>) dst(%dma_wait3A_131 : memref<128x128xf32, #tpu.memory_space<hbm>>)
    %dma_start3A_132 = arith.constant 896 : i32
    %dma_start3A_133 = tpu.memref_slice %arg5[%dma_start3A_132] : memref<2048xi32, #tpu.memory_space<vmem>> -> memref<128xi32, #tpu.memory_space<vmem>>
    %dma_start3A_134 = arith.constant 0 : i32
    %dma_start3A_135 = arith.constant 0 : i32
    %dma_start3A_136 = tpu.memref_slice %arg2[%dma_start3A_134, %dma_start3A_135] : memref<4096x128xf32, #tpu.memory_space<hbm>> -> memref<4096x128xf32, #tpu.memory_space<hbm>>
    tpu.enqueue_indirect_dma source(%dma_start3A_136 : memref<4096x128xf32, #tpu.memory_space<hbm>>) target(%arg7 : memref<128x128xf32, #tpu.memory_space<vmem>>) offsets(%dma_start3A_133 : memref<128xi32, #tpu.memory_space<vmem>>) semaphore(%arg9 : memref<!tpu.dma_semaphore, #tpu.memory_space<semaphore_mem>>)
    %dma_wait3A_137 = arith.constant 768 : i32
    %dma_wait3A_138 = tpu.memref_slice %arg5[%dma_wait3A_137] : memref<2048xi32, #tpu.memory_space<vmem>> -> memref<128xi32, #tpu.memory_space<vmem>>
    %dma_wait3A_139 = arith.constant 0 : i32
    %dma_wait3A_140 = arith.constant 0 : i32
    %dma_wait3A_141 = tpu.memref_slice %arg2[%dma_wait3A_139, %dma_wait3A_140] : memref<4096x128xf32, #tpu.memory_space<hbm>> -> memref<4096x128xf32, #tpu.memory_space<hbm>>
    tpu.wait_indirect_dma semaphore(%arg8 : memref<!tpu.dma_semaphore, #tpu.memory_space<semaphore_mem>>) src(%dma_wait3A_141 : memref<4096x128xf32, #tpu.memory_space<hbm>>) dst(%arg6 : memref<128x128xf32, #tpu.memory_space<vmem>>)
    %add3A_142 = arith.constant 768 : i32
    %add3A_143 = arith.addi %multiple_of3A, %add3A_142 : i32
    %multiple_of3A_144 = tpu.assume_multiple %add3A_143, 128 : i32
    %dma_start3A_145 = arith.constant 0 : i32
    %dma_start3A_146 = tpu.memref_slice %arg4[%multiple_of3A_144, %dma_start3A_145] : memref<65536x128xf32, #tpu.memory_space<hbm>> -> memref<128x128xf32, #tpu.memory_space<hbm>>
    %dma_start3A_147 = arith.constant 0 : i32
    %dma_start3A_148 = tpu.memref_slice %arg4[%multiple_of3A_144, %dma_start3A_147] : memref<65536x128xf32, #tpu.memory_space<hbm>> -> memref<128x128xf32, #tpu.memory_space<hbm>>
    tpu.enqueue_dma source(%arg6 : memref<128x128xf32, #tpu.memory_space<vmem>>) target(%dma_start3A_148 : memref<128x128xf32, #tpu.memory_space<hbm>>) target_semaphore(%arg10 : memref<!tpu.dma_semaphore, #tpu.memory_space<semaphore_mem>>)
    %dma_wait3A_149 = arith.constant 0 : i32
    %dma_wait3A_150 = tpu.memref_slice %arg4[%multiple_of3A_144, %dma_wait3A_149] : memref<65536x128xf32, #tpu.memory_space<hbm>> -> memref<128x128xf32, #tpu.memory_space<hbm>>
    %dma_wait3A_151 = arith.constant 0 : i32
    %dma_wait3A_152 = tpu.memref_slice %arg4[%multiple_of3A_144, %dma_wait3A_151] : memref<65536x128xf32, #tpu.memory_space<hbm>> -> memref<128x128xf32, #tpu.memory_space<hbm>>
    tpu.wait_dma2 semaphore(%arg10 : memref<!tpu.dma_semaphore, #tpu.memory_space<semaphore_mem>>) src(%arg6 : memref<128x128xf32, #tpu.memory_space<vmem>>) dst(%dma_wait3A_152 : memref<128x128xf32, #tpu.memory_space<hbm>>)
    %dma_start3A_153 = arith.constant 1024 : i32
    %dma_start3A_154 = tpu.memref_slice %arg5[%dma_start3A_153] : memref<2048xi32, #tpu.memory_space<vmem>> -> memref<128xi32, #tpu.memory_space<vmem>>
    %dma_start3A_155 = arith.constant 0 : i32
    %dma_start3A_156 = arith.constant 0 : i32
    %dma_start3A_157 = tpu.memref_slice %arg2[%dma_start3A_155, %dma_start3A_156] : memref<4096x128xf32, #tpu.memory_space<hbm>> -> memref<4096x128xf32, #tpu.memory_space<hbm>>
    tpu.enqueue_indirect_dma source(%dma_start3A_157 : memref<4096x128xf32, #tpu.memory_space<hbm>>) target(%arg6 : memref<128x128xf32, #tpu.memory_space<vmem>>) offsets(%dma_start3A_154 : memref<128xi32, #tpu.memory_space<vmem>>) semaphore(%arg8 : memref<!tpu.dma_semaphore, #tpu.memory_space<semaphore_mem>>)
    %dma_wait3A_158 = arith.constant 896 : i32
    %dma_wait3A_159 = tpu.memref_slice %arg5[%dma_wait3A_158] : memref<2048xi32, #tpu.memory_space<vmem>> -> memref<128xi32, #tpu.memory_space<vmem>>
    %dma_wait3A_160 = arith.constant 0 : i32
    %dma_wait3A_161 = arith.constant 0 : i32
    %dma_wait3A_162 = tpu.memref_slice %arg2[%dma_wait3A_160, %dma_wait3A_161] : memref<4096x128xf32, #tpu.memory_space<hbm>> -> memref<4096x128xf32, #tpu.memory_space<hbm>>
    tpu.wait_indirect_dma semaphore(%arg9 : memref<!tpu.dma_semaphore, #tpu.memory_space<semaphore_mem>>) src(%dma_wait3A_162 : memref<4096x128xf32, #tpu.memory_space<hbm>>) dst(%arg7 : memref<128x128xf32, #tpu.memory_space<vmem>>)
    %add3A_163 = arith.constant 896 : i32
    %add3A_164 = arith.addi %multiple_of3A, %add3A_163 : i32
    %multiple_of3A_165 = tpu.assume_multiple %add3A_164, 128 : i32
    %dma_start3A_166 = arith.constant 0 : i32
    %dma_start3A_167 = tpu.memref_slice %arg4[%multiple_of3A_165, %dma_start3A_166] : memref<65536x128xf32, #tpu.memory_space<hbm>> -> memref<128x128xf32, #tpu.memory_space<hbm>>
    %dma_start3A_168 = arith.constant 0 : i32
    %dma_start3A_169 = tpu.memref_slice %arg4[%multiple_of3A_165, %dma_start3A_168] : memref<65536x128xf32, #tpu.memory_space<hbm>> -> memref<128x128xf32, #tpu.memory_space<hbm>>
    tpu.enqueue_dma source(%arg7 : memref<128x128xf32, #tpu.memory_space<vmem>>) target(%dma_start3A_169 : memref<128x128xf32, #tpu.memory_space<hbm>>) target_semaphore(%arg11 : memref<!tpu.dma_semaphore, #tpu.memory_space<semaphore_mem>>)
    %dma_wait3A_170 = arith.constant 0 : i32
    %dma_wait3A_171 = tpu.memref_slice %arg4[%multiple_of3A_165, %dma_wait3A_170] : memref<65536x128xf32, #tpu.memory_space<hbm>> -> memref<128x128xf32, #tpu.memory_space<hbm>>
    %dma_wait3A_172 = arith.constant 0 : i32
    %dma_wait3A_173 = tpu.memref_slice %arg4[%multiple_of3A_165, %dma_wait3A_172] : memref<65536x128xf32, #tpu.memory_space<hbm>> -> memref<128x128xf32, #tpu.memory_space<hbm>>
    tpu.wait_dma2 semaphore(%arg11 : memref<!tpu.dma_semaphore, #tpu.memory_space<semaphore_mem>>) src(%arg7 : memref<128x128xf32, #tpu.memory_space<vmem>>) dst(%dma_wait3A_173 : memref<128x128xf32, #tpu.memory_space<hbm>>)
    %dma_start3A_174 = arith.constant 1152 : i32
    %dma_start3A_175 = tpu.memref_slice %arg5[%dma_start3A_174] : memref<2048xi32, #tpu.memory_space<vmem>> -> memref<128xi32, #tpu.memory_space<vmem>>
    %dma_start3A_176 = arith.constant 0 : i32
    %dma_start3A_177 = arith.constant 0 : i32
    %dma_start3A_178 = tpu.memref_slice %arg2[%dma_start3A_176, %dma_start3A_177] : memref<4096x128xf32, #tpu.memory_space<hbm>> -> memref<4096x128xf32, #tpu.memory_space<hbm>>
    tpu.enqueue_indirect_dma source(%dma_start3A_178 : memref<4096x128xf32, #tpu.memory_space<hbm>>) target(%arg7 : memref<128x128xf32, #tpu.memory_space<vmem>>) offsets(%dma_start3A_175 : memref<128xi32, #tpu.memory_space<vmem>>) semaphore(%arg9 : memref<!tpu.dma_semaphore, #tpu.memory_space<semaphore_mem>>)
    %dma_wait3A_179 = arith.constant 1024 : i32
    %dma_wait3A_180 = tpu.memref_slice %arg5[%dma_wait3A_179] : memref<2048xi32, #tpu.memory_space<vmem>> -> memref<128xi32, #tpu.memory_space<vmem>>
    %dma_wait3A_181 = arith.constant 0 : i32
    %dma_wait3A_182 = arith.constant 0 : i32
    %dma_wait3A_183 = tpu.memref_slice %arg2[%dma_wait3A_181, %dma_wait3A_182] : memref<4096x128xf32, #tpu.memory_space<hbm>> -> memref<4096x128xf32, #tpu.memory_space<hbm>>
    tpu.wait_indirect_dma semaphore(%arg8 : memref<!tpu.dma_semaphore, #tpu.memory_space<semaphore_mem>>) src(%dma_wait3A_183 : memref<4096x128xf32, #tpu.memory_space<hbm>>) dst(%arg6 : memref<128x128xf32, #tpu.memory_space<vmem>>)
    %add3A_184 = arith.constant 1024 : i32
    %add3A_185 = arith.addi %multiple_of3A, %add3A_184 : i32
    %multiple_of3A_186 = tpu.assume_multiple %add3A_185, 128 : i32
    %dma_start3A_187 = arith.constant 0 : i32
    %dma_start3A_188 = tpu.memref_slice %arg4[%multiple_of3A_186, %dma_start3A_187] : memref<65536x128xf32, #tpu.memory_space<hbm>> -> memref<128x128xf32, #tpu.memory_space<hbm>>
    %dma_start3A_189 = arith.constant 0 : i32
    %dma_start3A_190 = tpu.memref_slice %arg4[%multiple_of3A_186, %dma_start3A_189] : memref<65536x128xf32, #tpu.memory_space<hbm>> -> memref<128x128xf32, #tpu.memory_space<hbm>>
    tpu.enqueue_dma source(%arg6 : memref<128x128xf32, #tpu.memory_space<vmem>>) target(%dma_start3A_190 : memref<128x128xf32, #tpu.memory_space<hbm>>) target_semaphore(%arg10 : memref<!tpu.dma_semaphore, #tpu.memory_space<semaphore_mem>>)
    %dma_wait3A_191 = arith.constant 0 : i32
    %dma_wait3A_192 = tpu.memref_slice %arg4[%multiple_of3A_186, %dma_wait3A_191] : memref<65536x128xf32, #tpu.memory_space<hbm>> -> memref<128x128xf32, #tpu.memory_space<hbm>>
    %dma_wait3A_193 = arith.constant 0 : i32
    %dma_wait3A_194 = tpu.memref_slice %arg4[%multiple_of3A_186, %dma_wait3A_193] : memref<65536x128xf32, #tpu.memory_space<hbm>> -> memref<128x128xf32, #tpu.memory_space<hbm>>
    tpu.wait_dma2 semaphore(%arg10 : memref<!tpu.dma_semaphore, #tpu.memory_space<semaphore_mem>>) src(%arg6 : memref<128x128xf32, #tpu.memory_space<vmem>>) dst(%dma_wait3A_194 : memref<128x128xf32, #tpu.memory_space<hbm>>)
    %dma_start3A_195 = arith.constant 1280 : i32
    %dma_start3A_196 = tpu.memref_slice %arg5[%dma_start3A_195] : memref<2048xi32, #tpu.memory_space<vmem>> -> memref<128xi32, #tpu.memory_space<vmem>>
    %dma_start3A_197 = arith.constant 0 : i32
    %dma_start3A_198 = arith.constant 0 : i32
    %dma_start3A_199 = tpu.memref_slice %arg2[%dma_start3A_197, %dma_start3A_198] : memref<4096x128xf32, #tpu.memory_space<hbm>> -> memref<4096x128xf32, #tpu.memory_space<hbm>>
    tpu.enqueue_indirect_dma source(%dma_start3A_199 : memref<4096x128xf32, #tpu.memory_space<hbm>>) target(%arg6 : memref<128x128xf32, #tpu.memory_space<vmem>>) offsets(%dma_start3A_196 : memref<128xi32, #tpu.memory_space<vmem>>) semaphore(%arg8 : memref<!tpu.dma_semaphore, #tpu.memory_space<semaphore_mem>>)
    %dma_wait3A_200 = arith.constant 1152 : i32
    %dma_wait3A_201 = tpu.memref_slice %arg5[%dma_wait3A_200] : memref<2048xi32, #tpu.memory_space<vmem>> -> memref<128xi32, #tpu.memory_space<vmem>>
    %dma_wait3A_202 = arith.constant 0 : i32
    %dma_wait3A_203 = arith.constant 0 : i32
    %dma_wait3A_204 = tpu.memref_slice %arg2[%dma_wait3A_202, %dma_wait3A_203] : memref<4096x128xf32, #tpu.memory_space<hbm>> -> memref<4096x128xf32, #tpu.memory_space<hbm>>
    tpu.wait_indirect_dma semaphore(%arg9 : memref<!tpu.dma_semaphore, #tpu.memory_space<semaphore_mem>>) src(%dma_wait3A_204 : memref<4096x128xf32, #tpu.memory_space<hbm>>) dst(%arg7 : memref<128x128xf32, #tpu.memory_space<vmem>>)
    %add3A_205 = arith.constant 1152 : i32
    %add3A_206 = arith.addi %multiple_of3A, %add3A_205 : i32
    %multiple_of3A_207 = tpu.assume_multiple %add3A_206, 128 : i32
    %dma_start3A_208 = arith.constant 0 : i32
    %dma_start3A_209 = tpu.memref_slice %arg4[%multiple_of3A_207, %dma_start3A_208] : memref<65536x128xf32, #tpu.memory_space<hbm>> -> memref<128x128xf32, #tpu.memory_space<hbm>>
    %dma_start3A_210 = arith.constant 0 : i32
    %dma_start3A_211 = tpu.memref_slice %arg4[%multiple_of3A_207, %dma_start3A_210] : memref<65536x128xf32, #tpu.memory_space<hbm>> -> memref<128x128xf32, #tpu.memory_space<hbm>>
    tpu.enqueue_dma source(%arg7 : memref<128x128xf32, #tpu.memory_space<vmem>>) target(%dma_start3A_211 : memref<128x128xf32, #tpu.memory_space<hbm>>) target_semaphore(%arg11 : memref<!tpu.dma_semaphore, #tpu.memory_space<semaphore_mem>>)
    %dma_wait3A_212 = arith.constant 0 : i32
    %dma_wait3A_213 = tpu.memref_slice %arg4[%multiple_of3A_207, %dma_wait3A_212] : memref<65536x128xf32, #tpu.memory_space<hbm>> -> memref<128x128xf32, #tpu.memory_space<hbm>>
    %dma_wait3A_214 = arith.constant 0 : i32
    %dma_wait3A_215 = tpu.memref_slice %arg4[%multiple_of3A_207, %dma_wait3A_214] : memref<65536x128xf32, #tpu.memory_space<hbm>> -> memref<128x128xf32, #tpu.memory_space<hbm>>
    tpu.wait_dma2 semaphore(%arg11 : memref<!tpu.dma_semaphore, #tpu.memory_space<semaphore_mem>>) src(%arg7 : memref<128x128xf32, #tpu.memory_space<vmem>>) dst(%dma_wait3A_215 : memref<128x128xf32, #tpu.memory_space<hbm>>)
    %dma_start3A_216 = arith.constant 1408 : i32
    %dma_start3A_217 = tpu.memref_slice %arg5[%dma_start3A_216] : memref<2048xi32, #tpu.memory_space<vmem>> -> memref<128xi32, #tpu.memory_space<vmem>>
    %dma_start3A_218 = arith.constant 0 : i32
    %dma_start3A_219 = arith.constant 0 : i32
    %dma_start3A_220 = tpu.memref_slice %arg2[%dma_start3A_218, %dma_start3A_219] : memref<4096x128xf32, #tpu.memory_space<hbm>> -> memref<4096x128xf32, #tpu.memory_space<hbm>>
    tpu.enqueue_indirect_dma source(%dma_start3A_220 : memref<4096x128xf32, #tpu.memory_space<hbm>>) target(%arg7 : memref<128x128xf32, #tpu.memory_space<vmem>>) offsets(%dma_start3A_217 : memref<128xi32, #tpu.memory_space<vmem>>) semaphore(%arg9 : memref<!tpu.dma_semaphore, #tpu.memory_space<semaphore_mem>>)
    %dma_wait3A_221 = arith.constant 1280 : i32
    %dma_wait3A_222 = tpu.memref_slice %arg5[%dma_wait3A_221] : memref<2048xi32, #tpu.memory_space<vmem>> -> memref<128xi32, #tpu.memory_space<vmem>>
    %dma_wait3A_223 = arith.constant 0 : i32
    %dma_wait3A_224 = arith.constant 0 : i32
    %dma_wait3A_225 = tpu.memref_slice %arg2[%dma_wait3A_223, %dma_wait3A_224] : memref<4096x128xf32, #tpu.memory_space<hbm>> -> memref<4096x128xf32, #tpu.memory_space<hbm>>
    tpu.wait_indirect_dma semaphore(%arg8 : memref<!tpu.dma_semaphore, #tpu.memory_space<semaphore_mem>>) src(%dma_wait3A_225 : memref<4096x128xf32, #tpu.memory_space<hbm>>) dst(%arg6 : memref<128x128xf32, #tpu.memory_space<vmem>>)
    %add3A_226 = arith.constant 1280 : i32
    %add3A_227 = arith.addi %multiple_of3A, %add3A_226 : i32
    %multiple_of3A_228 = tpu.assume_multiple %add3A_227, 128 : i32
    %dma_start3A_229 = arith.constant 0 : i32
    %dma_start3A_230 = tpu.memref_slice %arg4[%multiple_of3A_228, %dma_start3A_229] : memref<65536x128xf32, #tpu.memory_space<hbm>> -> memref<128x128xf32, #tpu.memory_space<hbm>>
    %dma_start3A_231 = arith.constant 0 : i32
    %dma_start3A_232 = tpu.memref_slice %arg4[%multiple_of3A_228, %dma_start3A_231] : memref<65536x128xf32, #tpu.memory_space<hbm>> -> memref<128x128xf32, #tpu.memory_space<hbm>>
    tpu.enqueue_dma source(%arg6 : memref<128x128xf32, #tpu.memory_space<vmem>>) target(%dma_start3A_232 : memref<128x128xf32, #tpu.memory_space<hbm>>) target_semaphore(%arg10 : memref<!tpu.dma_semaphore, #tpu.memory_space<semaphore_mem>>)
    %dma_wait3A_233 = arith.constant 0 : i32
    %dma_wait3A_234 = tpu.memref_slice %arg4[%multiple_of3A_228, %dma_wait3A_233] : memref<65536x128xf32, #tpu.memory_space<hbm>> -> memref<128x128xf32, #tpu.memory_space<hbm>>
    %dma_wait3A_235 = arith.constant 0 : i32
    %dma_wait3A_236 = tpu.memref_slice %arg4[%multiple_of3A_228, %dma_wait3A_235] : memref<65536x128xf32, #tpu.memory_space<hbm>> -> memref<128x128xf32, #tpu.memory_space<hbm>>
    tpu.wait_dma2 semaphore(%arg10 : memref<!tpu.dma_semaphore, #tpu.memory_space<semaphore_mem>>) src(%arg6 : memref<128x128xf32, #tpu.memory_space<vmem>>) dst(%dma_wait3A_236 : memref<128x128xf32, #tpu.memory_space<hbm>>)
    %dma_start3A_237 = arith.constant 1536 : i32
    %dma_start3A_238 = tpu.memref_slice %arg5[%dma_start3A_237] : memref<2048xi32, #tpu.memory_space<vmem>> -> memref<128xi32, #tpu.memory_space<vmem>>
    %dma_start3A_239 = arith.constant 0 : i32
    %dma_start3A_240 = arith.constant 0 : i32
    %dma_start3A_241 = tpu.memref_slice %arg2[%dma_start3A_239, %dma_start3A_240] : memref<4096x128xf32, #tpu.memory_space<hbm>> -> memref<4096x128xf32, #tpu.memory_space<hbm>>
    tpu.enqueue_indirect_dma source(%dma_start3A_241 : memref<4096x128xf32, #tpu.memory_space<hbm>>) target(%arg6 : memref<128x128xf32, #tpu.memory_space<vmem>>) offsets(%dma_start3A_238 : memref<128xi32, #tpu.memory_space<vmem>>) semaphore(%arg8 : memref<!tpu.dma_semaphore, #tpu.memory_space<semaphore_mem>>)
    %dma_wait3A_242 = arith.constant 1408 : i32
    %dma_wait3A_243 = tpu.memref_slice %arg5[%dma_wait3A_242] : memref<2048xi32, #tpu.memory_space<vmem>> -> memref<128xi32, #tpu.memory_space<vmem>>
    %dma_wait3A_244 = arith.constant 0 : i32
    %dma_wait3A_245 = arith.constant 0 : i32
    %dma_wait3A_246 = tpu.memref_slice %arg2[%dma_wait3A_244, %dma_wait3A_245] : memref<4096x128xf32, #tpu.memory_space<hbm>> -> memref<4096x128xf32, #tpu.memory_space<hbm>>
    tpu.wait_indirect_dma semaphore(%arg9 : memref<!tpu.dma_semaphore, #tpu.memory_space<semaphore_mem>>) src(%dma_wait3A_246 : memref<4096x128xf32, #tpu.memory_space<hbm>>) dst(%arg7 : memref<128x128xf32, #tpu.memory_space<vmem>>)
    %add3A_247 = arith.constant 1408 : i32
    %add3A_248 = arith.addi %multiple_of3A, %add3A_247 : i32
    %multiple_of3A_249 = tpu.assume_multiple %add3A_248, 128 : i32
    %dma_start3A_250 = arith.constant 0 : i32
    %dma_start3A_251 = tpu.memref_slice %arg4[%multiple_of3A_249, %dma_start3A_250] : memref<65536x128xf32, #tpu.memory_space<hbm>> -> memref<128x128xf32, #tpu.memory_space<hbm>>
    %dma_start3A_252 = arith.constant 0 : i32
    %dma_start3A_253 = tpu.memref_slice %arg4[%multiple_of3A_249, %dma_start3A_252] : memref<65536x128xf32, #tpu.memory_space<hbm>> -> memref<128x128xf32, #tpu.memory_space<hbm>>
    tpu.enqueue_dma source(%arg7 : memref<128x128xf32, #tpu.memory_space<vmem>>) target(%dma_start3A_253 : memref<128x128xf32, #tpu.memory_space<hbm>>) target_semaphore(%arg11 : memref<!tpu.dma_semaphore, #tpu.memory_space<semaphore_mem>>)
    %dma_wait3A_254 = arith.constant 0 : i32
    %dma_wait3A_255 = tpu.memref_slice %arg4[%multiple_of3A_249, %dma_wait3A_254] : memref<65536x128xf32, #tpu.memory_space<hbm>> -> memref<128x128xf32, #tpu.memory_space<hbm>>
    %dma_wait3A_256 = arith.constant 0 : i32
    %dma_wait3A_257 = tpu.memref_slice %arg4[%multiple_of3A_249, %dma_wait3A_256] : memref<65536x128xf32, #tpu.memory_space<hbm>> -> memref<128x128xf32, #tpu.memory_space<hbm>>
    tpu.wait_dma2 semaphore(%arg11 : memref<!tpu.dma_semaphore, #tpu.memory_space<semaphore_mem>>) src(%arg7 : memref<128x128xf32, #tpu.memory_space<vmem>>) dst(%dma_wait3A_257 : memref<128x128xf32, #tpu.memory_space<hbm>>)
    %dma_start3A_258 = arith.constant 1664 : i32
    %dma_start3A_259 = tpu.memref_slice %arg5[%dma_start3A_258] : memref<2048xi32, #tpu.memory_space<vmem>> -> memref<128xi32, #tpu.memory_space<vmem>>
    %dma_start3A_260 = arith.constant 0 : i32
    %dma_start3A_261 = arith.constant 0 : i32
    %dma_start3A_262 = tpu.memref_slice %arg2[%dma_start3A_260, %dma_start3A_261] : memref<4096x128xf32, #tpu.memory_space<hbm>> -> memref<4096x128xf32, #tpu.memory_space<hbm>>
    tpu.enqueue_indirect_dma source(%dma_start3A_262 : memref<4096x128xf32, #tpu.memory_space<hbm>>) target(%arg7 : memref<128x128xf32, #tpu.memory_space<vmem>>) offsets(%dma_start3A_259 : memref<128xi32, #tpu.memory_space<vmem>>) semaphore(%arg9 : memref<!tpu.dma_semaphore, #tpu.memory_space<semaphore_mem>>)
    %dma_wait3A_263 = arith.constant 1536 : i32
    %dma_wait3A_264 = tpu.memref_slice %arg5[%dma_wait3A_263] : memref<2048xi32, #tpu.memory_space<vmem>> -> memref<128xi32, #tpu.memory_space<vmem>>
    %dma_wait3A_265 = arith.constant 0 : i32
    %dma_wait3A_266 = arith.constant 0 : i32
    %dma_wait3A_267 = tpu.memref_slice %arg2[%dma_wait3A_265, %dma_wait3A_266] : memref<4096x128xf32, #tpu.memory_space<hbm>> -> memref<4096x128xf32, #tpu.memory_space<hbm>>
    tpu.wait_indirect_dma semaphore(%arg8 : memref<!tpu.dma_semaphore, #tpu.memory_space<semaphore_mem>>) src(%dma_wait3A_267 : memref<4096x128xf32, #tpu.memory_space<hbm>>) dst(%arg6 : memref<128x128xf32, #tpu.memory_space<vmem>>)
    %add3A_268 = arith.constant 1536 : i32
    %add3A_269 = arith.addi %multiple_of3A, %add3A_268 : i32
    %multiple_of3A_270 = tpu.assume_multiple %add3A_269, 128 : i32
    %dma_start3A_271 = arith.constant 0 : i32
    %dma_start3A_272 = tpu.memref_slice %arg4[%multiple_of3A_270, %dma_start3A_271] : memref<65536x128xf32, #tpu.memory_space<hbm>> -> memref<128x128xf32, #tpu.memory_space<hbm>>
    %dma_start3A_273 = arith.constant 0 : i32
    %dma_start3A_274 = tpu.memref_slice %arg4[%multiple_of3A_270, %dma_start3A_273] : memref<65536x128xf32, #tpu.memory_space<hbm>> -> memref<128x128xf32, #tpu.memory_space<hbm>>
    tpu.enqueue_dma source(%arg6 : memref<128x128xf32, #tpu.memory_space<vmem>>) target(%dma_start3A_274 : memref<128x128xf32, #tpu.memory_space<hbm>>) target_semaphore(%arg10 : memref<!tpu.dma_semaphore, #tpu.memory_space<semaphore_mem>>)
    %dma_wait3A_275 = arith.constant 0 : i32
    %dma_wait3A_276 = tpu.memref_slice %arg4[%multiple_of3A_270, %dma_wait3A_275] : memref<65536x128xf32, #tpu.memory_space<hbm>> -> memref<128x128xf32, #tpu.memory_space<hbm>>
    %dma_wait3A_277 = arith.constant 0 : i32
    %dma_wait3A_278 = tpu.memref_slice %arg4[%multiple_of3A_270, %dma_wait3A_277] : memref<65536x128xf32, #tpu.memory_space<hbm>> -> memref<128x128xf32, #tpu.memory_space<hbm>>
    tpu.wait_dma2 semaphore(%arg10 : memref<!tpu.dma_semaphore, #tpu.memory_space<semaphore_mem>>) src(%arg6 : memref<128x128xf32, #tpu.memory_space<vmem>>) dst(%dma_wait3A_278 : memref<128x128xf32, #tpu.memory_space<hbm>>)
    %dma_start3A_279 = arith.constant 1792 : i32
    %dma_start3A_280 = tpu.memref_slice %arg5[%dma_start3A_279] : memref<2048xi32, #tpu.memory_space<vmem>> -> memref<128xi32, #tpu.memory_space<vmem>>
    %dma_start3A_281 = arith.constant 0 : i32
    %dma_start3A_282 = arith.constant 0 : i32
    %dma_start3A_283 = tpu.memref_slice %arg2[%dma_start3A_281, %dma_start3A_282] : memref<4096x128xf32, #tpu.memory_space<hbm>> -> memref<4096x128xf32, #tpu.memory_space<hbm>>
    tpu.enqueue_indirect_dma source(%dma_start3A_283 : memref<4096x128xf32, #tpu.memory_space<hbm>>) target(%arg6 : memref<128x128xf32, #tpu.memory_space<vmem>>) offsets(%dma_start3A_280 : memref<128xi32, #tpu.memory_space<vmem>>) semaphore(%arg8 : memref<!tpu.dma_semaphore, #tpu.memory_space<semaphore_mem>>)
    %dma_wait3A_284 = arith.constant 1664 : i32
    %dma_wait3A_285 = tpu.memref_slice %arg5[%dma_wait3A_284] : memref<2048xi32, #tpu.memory_space<vmem>> -> memref<128xi32, #tpu.memory_space<vmem>>
    %dma_wait3A_286 = arith.constant 0 : i32
    %dma_wait3A_287 = arith.constant 0 : i32
    %dma_wait3A_288 = tpu.memref_slice %arg2[%dma_wait3A_286, %dma_wait3A_287] : memref<4096x128xf32, #tpu.memory_space<hbm>> -> memref<4096x128xf32, #tpu.memory_space<hbm>>
    tpu.wait_indirect_dma semaphore(%arg9 : memref<!tpu.dma_semaphore, #tpu.memory_space<semaphore_mem>>) src(%dma_wait3A_288 : memref<4096x128xf32, #tpu.memory_space<hbm>>) dst(%arg7 : memref<128x128xf32, #tpu.memory_space<vmem>>)
    %add3A_289 = arith.constant 1664 : i32
    %add3A_290 = arith.addi %multiple_of3A, %add3A_289 : i32
    %multiple_of3A_291 = tpu.assume_multiple %add3A_290, 128 : i32
    %dma_start3A_292 = arith.constant 0 : i32
    %dma_start3A_293 = tpu.memref_slice %arg4[%multiple_of3A_291, %dma_start3A_292] : memref<65536x128xf32, #tpu.memory_space<hbm>> -> memref<128x128xf32, #tpu.memory_space<hbm>>
    %dma_start3A_294 = arith.constant 0 : i32
    %dma_start3A_295 = tpu.memref_slice %arg4[%multiple_of3A_291, %dma_start3A_294] : memref<65536x128xf32, #tpu.memory_space<hbm>> -> memref<128x128xf32, #tpu.memory_space<hbm>>
    tpu.enqueue_dma source(%arg7 : memref<128x128xf32, #tpu.memory_space<vmem>>) target(%dma_start3A_295 : memref<128x128xf32, #tpu.memory_space<hbm>>) target_semaphore(%arg11 : memref<!tpu.dma_semaphore, #tpu.memory_space<semaphore_mem>>)
    %dma_wait3A_296 = arith.constant 0 : i32
    %dma_wait3A_297 = tpu.memref_slice %arg4[%multiple_of3A_291, %dma_wait3A_296] : memref<65536x128xf32, #tpu.memory_space<hbm>> -> memref<128x128xf32, #tpu.memory_space<hbm>>
    %dma_wait3A_298 = arith.constant 0 : i32
    %dma_wait3A_299 = tpu.memref_slice %arg4[%multiple_of3A_291, %dma_wait3A_298] : memref<65536x128xf32, #tpu.memory_space<hbm>> -> memref<128x128xf32, #tpu.memory_space<hbm>>
    tpu.wait_dma2 semaphore(%arg11 : memref<!tpu.dma_semaphore, #tpu.memory_space<semaphore_mem>>) src(%arg7 : memref<128x128xf32, #tpu.memory_space<vmem>>) dst(%dma_wait3A_299 : memref<128x128xf32, #tpu.memory_space<hbm>>)
    %dma_start3A_300 = arith.constant 1920 : i32
    %dma_start3A_301 = tpu.memref_slice %arg5[%dma_start3A_300] : memref<2048xi32, #tpu.memory_space<vmem>> -> memref<128xi32, #tpu.memory_space<vmem>>
    %dma_start3A_302 = arith.constant 0 : i32
    %dma_start3A_303 = arith.constant 0 : i32
    %dma_start3A_304 = tpu.memref_slice %arg2[%dma_start3A_302, %dma_start3A_303] : memref<4096x128xf32, #tpu.memory_space<hbm>> -> memref<4096x128xf32, #tpu.memory_space<hbm>>
    tpu.enqueue_indirect_dma source(%dma_start3A_304 : memref<4096x128xf32, #tpu.memory_space<hbm>>) target(%arg7 : memref<128x128xf32, #tpu.memory_space<vmem>>) offsets(%dma_start3A_301 : memref<128xi32, #tpu.memory_space<vmem>>) semaphore(%arg9 : memref<!tpu.dma_semaphore, #tpu.memory_space<semaphore_mem>>)
    %dma_wait3A_305 = arith.constant 1792 : i32
    %dma_wait3A_306 = tpu.memref_slice %arg5[%dma_wait3A_305] : memref<2048xi32, #tpu.memory_space<vmem>> -> memref<128xi32, #tpu.memory_space<vmem>>
    %dma_wait3A_307 = arith.constant 0 : i32
    %dma_wait3A_308 = arith.constant 0 : i32
    %dma_wait3A_309 = tpu.memref_slice %arg2[%dma_wait3A_307, %dma_wait3A_308] : memref<4096x128xf32, #tpu.memory_space<hbm>> -> memref<4096x128xf32, #tpu.memory_space<hbm>>
    tpu.wait_indirect_dma semaphore(%arg8 : memref<!tpu.dma_semaphore, #tpu.memory_space<semaphore_mem>>) src(%dma_wait3A_309 : memref<4096x128xf32, #tpu.memory_space<hbm>>) dst(%arg6 : memref<128x128xf32, #tpu.memory_space<vmem>>)
    %add3A_310 = arith.constant 1792 : i32
    %add3A_311 = arith.addi %multiple_of3A, %add3A_310 : i32
    %multiple_of3A_312 = tpu.assume_multiple %add3A_311, 128 : i32
    %dma_start3A_313 = arith.constant 0 : i32
    %dma_start3A_314 = tpu.memref_slice %arg4[%multiple_of3A_312, %dma_start3A_313] : memref<65536x128xf32, #tpu.memory_space<hbm>> -> memref<128x128xf32, #tpu.memory_space<hbm>>
    %dma_start3A_315 = arith.constant 0 : i32
    %dma_start3A_316 = tpu.memref_slice %arg4[%multiple_of3A_312, %dma_start3A_315] : memref<65536x128xf32, #tpu.memory_space<hbm>> -> memref<128x128xf32, #tpu.memory_space<hbm>>
    tpu.enqueue_dma source(%arg6 : memref<128x128xf32, #tpu.memory_space<vmem>>) target(%dma_start3A_316 : memref<128x128xf32, #tpu.memory_space<hbm>>) target_semaphore(%arg10 : memref<!tpu.dma_semaphore, #tpu.memory_space<semaphore_mem>>)
    %dma_wait3A_317 = arith.constant 1920 : i32
    %dma_wait3A_318 = tpu.memref_slice %arg5[%dma_wait3A_317] : memref<2048xi32, #tpu.memory_space<vmem>> -> memref<128xi32, #tpu.memory_space<vmem>>
    %dma_wait3A_319 = arith.constant 0 : i32
    %dma_wait3A_320 = arith.constant 0 : i32
    %dma_wait3A_321 = tpu.memref_slice %arg2[%dma_wait3A_319, %dma_wait3A_320] : memref<4096x128xf32, #tpu.memory_space<hbm>> -> memref<4096x128xf32, #tpu.memory_space<hbm>>
    tpu.wait_indirect_dma semaphore(%arg9 : memref<!tpu.dma_semaphore, #tpu.memory_space<semaphore_mem>>) src(%dma_wait3A_321 : memref<4096x128xf32, #tpu.memory_space<hbm>>) dst(%arg7 : memref<128x128xf32, #tpu.memory_space<vmem>>)
    %add3A_322 = arith.constant 1920 : i32
    %add3A_323 = arith.addi %multiple_of3A, %add3A_322 : i32
    %multiple_of3A_324 = tpu.assume_multiple %add3A_323, 128 : i32
    %dma_start3A_325 = arith.constant 0 : i32
    %dma_start3A_326 = tpu.memref_slice %arg4[%multiple_of3A_324, %dma_start3A_325] : memref<65536x128xf32, #tpu.memory_space<hbm>> -> memref<128x128xf32, #tpu.memory_space<hbm>>
    %dma_start3A_327 = arith.constant 0 : i32
    %dma_start3A_328 = tpu.memref_slice %arg4[%multiple_of3A_324, %dma_start3A_327] : memref<65536x128xf32, #tpu.memory_space<hbm>> -> memref<128x128xf32, #tpu.memory_space<hbm>>
    tpu.enqueue_dma source(%arg7 : memref<128x128xf32, #tpu.memory_space<vmem>>) target(%dma_start3A_328 : memref<128x128xf32, #tpu.memory_space<hbm>>) target_semaphore(%arg11 : memref<!tpu.dma_semaphore, #tpu.memory_space<semaphore_mem>>)
    %dma_wait3A_329 = arith.constant 0 : i32
    %dma_wait3A_330 = tpu.memref_slice %arg4[%multiple_of3A_312, %dma_wait3A_329] : memref<65536x128xf32, #tpu.memory_space<hbm>> -> memref<128x128xf32, #tpu.memory_space<hbm>>
    %dma_wait3A_331 = arith.constant 0 : i32
    %dma_wait3A_332 = tpu.memref_slice %arg4[%multiple_of3A_312, %dma_wait3A_331] : memref<65536x128xf32, #tpu.memory_space<hbm>> -> memref<128x128xf32, #tpu.memory_space<hbm>>
    tpu.wait_dma2 semaphore(%arg10 : memref<!tpu.dma_semaphore, #tpu.memory_space<semaphore_mem>>) src(%arg6 : memref<128x128xf32, #tpu.memory_space<vmem>>) dst(%dma_wait3A_332 : memref<128x128xf32, #tpu.memory_space<hbm>>)
    %dma_wait3A_333 = arith.constant 0 : i32
    %dma_wait3A_334 = tpu.memref_slice %arg4[%multiple_of3A_324, %dma_wait3A_333] : memref<65536x128xf32, #tpu.memory_space<hbm>> -> memref<128x128xf32, #tpu.memory_space<hbm>>
    %dma_wait3A_335 = arith.constant 0 : i32
    %dma_wait3A_336 = tpu.memref_slice %arg4[%multiple_of3A_324, %dma_wait3A_335] : memref<65536x128xf32, #tpu.memory_space<hbm>> -> memref<128x128xf32, #tpu.memory_space<hbm>>
    tpu.wait_dma2 semaphore(%arg11 : memref<!tpu.dma_semaphore, #tpu.memory_space<semaphore_mem>>) src(%arg7 : memref<128x128xf32, #tpu.memory_space<vmem>>) dst(%dma_wait3A_336 : memref<128x128xf32, #tpu.memory_space<hbm>>)
    return
  }
}

module attributes {stable_mosaic.version = 14 : i64} {
  func.func @_knn_body(%arg0: i32, %arg1: i32, %arg2: memref<1x256x3xf32, #tpu.memory_space<vmem>>, %arg3: memref<1x3x2048xf32, #tpu.memory_space<vmem>>, %arg4: memref<1x256x16xi32, #tpu.memory_space<vmem>>) attributes {dimension_semantics = [#tpu.dimension_semantics<arbitrary>, #tpu.dimension_semantics<arbitrary>], iteration_bounds = array<i64: 2, 8>, scalar_prefetch = 0 : i64, scratch_operands = 0 : i64, tpu.core_type = #tpu.core_type<tc>, window_params = [{transform_indices = @transform_0, window_bounds = array<i64: 1, 256, 3>}, {transform_indices = @transform_1, window_bounds = array<i64: 1, 3, 2048>}, {transform_indices = @transform_2, window_bounds = array<i64: 1, 256, 16>}]} {
    %get3A = arith.constant 0 : index
    %get3A_0 = arith.constant 0 : index
    %get3A_1 = arith.constant 0 : index
    %get3A_2 = vector.load %arg2[%get3A, %get3A_0, %get3A_1] : memref<1x256x3xf32, #tpu.memory_space<vmem>>, vector<1x256x3xf32>
    %get3A_3 = vector.shape_cast %get3A_2 : vector<1x256x3xf32> to vector<256x3xf32>
    %get3A_4 = arith.constant 0 : index
    %get3A_5 = arith.constant 0 : index
    %get3A_6 = arith.constant 0 : index
    %get3A_7 = vector.load %arg3[%get3A_4, %get3A_5, %get3A_6] : memref<1x3x2048xf32, #tpu.memory_space<vmem>>, vector<1x3x2048xf32>
    %get3A_8 = vector.shape_cast %get3A_7 : vector<1x3x2048xf32> to vector<3x2048xf32>
    %slice3A = vector.extract_strided_slice %get3A_3 {offsets = [0, 0], sizes = [256, 1], strides = [1, 1]} : vector<256x3xf32> to vector<256x1xf32>
    %slice3A_9 = vector.extract_strided_slice %get3A_8 {offsets = [0, 0], sizes = [1, 2048], strides = [1, 1]} : vector<3x2048xf32> to vector<1x2048xf32>
    %sub3A = vector.broadcast %slice3A : vector<256x1xf32> to vector<256x2048xf32>
    %sub3A_10 = vector.broadcast %slice3A_9 : vector<1x2048xf32> to vector<256x2048xf32>
    %sub3A_11 = arith.subf %sub3A, %sub3A_10 : vector<256x2048xf32>
    %mul3A = arith.mulf %sub3A_11, %sub3A_11 : vector<256x2048xf32>
    %slice3A_12 = vector.extract_strided_slice %get3A_3 {offsets = [0, 1], sizes = [256, 1], strides = [1, 1]} : vector<256x3xf32> to vector<256x1xf32>
    %slice3A_13 = vector.extract_strided_slice %get3A_8 {offsets = [1, 0], sizes = [1, 2048], strides = [1, 1]} : vector<3x2048xf32> to vector<1x2048xf32>
    %sub3A_14 = vector.broadcast %slice3A_12 : vector<256x1xf32> to vector<256x2048xf32>
    %sub3A_15 = vector.broadcast %slice3A_13 : vector<1x2048xf32> to vector<256x2048xf32>
    %sub3A_16 = arith.subf %sub3A_14, %sub3A_15 : vector<256x2048xf32>
    %mul3A_17 = arith.mulf %sub3A_16, %sub3A_16 : vector<256x2048xf32>
    %add3A = arith.addf %mul3A, %mul3A_17 : vector<256x2048xf32>
    %slice3A_18 = vector.extract_strided_slice %get3A_3 {offsets = [0, 2], sizes = [256, 1], strides = [1, 1]} : vector<256x3xf32> to vector<256x1xf32>
    %slice3A_19 = vector.extract_strided_slice %get3A_8 {offsets = [2, 0], sizes = [1, 2048], strides = [1, 1]} : vector<3x2048xf32> to vector<1x2048xf32>
    %sub3A_20 = vector.broadcast %slice3A_18 : vector<256x1xf32> to vector<256x2048xf32>
    %sub3A_21 = vector.broadcast %slice3A_19 : vector<1x2048xf32> to vector<256x2048xf32>
    %sub3A_22 = arith.subf %sub3A_20, %sub3A_21 : vector<256x2048xf32>
    %mul3A_23 = arith.mulf %sub3A_22, %sub3A_22 : vector<256x2048xf32>
    %add3A_24 = arith.addf %add3A, %mul3A_23 : vector<256x2048xf32>
    %iota3A = tpu.iota {dimensions = array<i32: 1>} : vector<256x2048xi32>
    %convert_element_type3A = arith.sitofp %iota3A : vector<256x2048xi32> to vector<256x2048xf32>
    %iota3A_25 = tpu.iota {dimensions = array<i32: 1>} : vector<256x16xi32>
    %broadcast_in_dim3A = arith.constant 0.000000e+00 : f32
    %broadcast_in_dim3A_26 = vector.broadcast %broadcast_in_dim3A : f32 to vector<256x16xf32>
    %reduce_min3A = arith.constant dense<0x7F800000> : vector<256xf32>
    %reduce_min3A_27 = vector.multi_reduction <minimumf>, %add3A_24, %reduce_min3A [1] : vector<256x2048xf32> to vector<256xf32>
    %broadcast_in_dim3A_28 = vector.shape_cast %reduce_min3A_27 : vector<256xf32> to vector<256x1xf32>
    %eq3A = vector.broadcast %broadcast_in_dim3A_28 : vector<256x1xf32> to vector<256x2048xf32>
    %eq3A_29 = arith.cmpf oeq, %add3A_24, %eq3A : vector<256x2048xf32>
    %jit3A = arith.constant 2.048000e+03 : f32
    %broadcast_in_dim3A_30 = vector.broadcast %jit3A : f32 to vector<256x2048xf32>
    %select_n3A = arith.select %eq3A_29, %convert_element_type3A, %broadcast_in_dim3A_30 : vector<256x2048xi1>, vector<256x2048xf32>
    %reduce_min3A_31 = arith.constant dense<0x7F800000> : vector<256xf32>
    %reduce_min3A_32 = vector.multi_reduction <minimumf>, %select_n3A, %reduce_min3A_31 [1] : vector<256x2048xf32> to vector<256xf32>
    %broadcast_in_dim3A_33 = vector.shape_cast %reduce_min3A_32 : vector<256xf32> to vector<256x1xf32>
    %eq3A_34 = arith.constant 0 : i32
    %eq3A_35 = vector.broadcast %eq3A_34 : i32 to vector<256x16xi32>
    %eq3A_36 = arith.cmpi eq, %iota3A_25, %eq3A_35 : vector<256x16xi32>
    %broadcast_in_dim3A_37 = vector.shape_cast %broadcast_in_dim3A_33 : vector<256x1xf32> to vector<256x1xf32>
    %broadcast_in_dim3A_38 = vector.broadcast %broadcast_in_dim3A_37 : vector<256x1xf32> to vector<256x16xf32>
    %select_n3A_39 = arith.select %eq3A_36, %broadcast_in_dim3A_38, %broadcast_in_dim3A_26 : vector<256x16xi1>, vector<256x16xf32>
    %eq3A_40 = vector.broadcast %broadcast_in_dim3A_33 : vector<256x1xf32> to vector<256x2048xf32>
    %eq3A_41 = arith.cmpf oeq, %select_n3A, %eq3A_40 : vector<256x2048xf32>
    %jit3A_42 = arith.constant 0x7F800000 : f32
    %broadcast_in_dim3A_43 = vector.broadcast %jit3A_42 : f32 to vector<256x2048xf32>
    %select_n3A_44 = arith.select %eq3A_41, %broadcast_in_dim3A_43, %add3A_24 : vector<256x2048xi1>, vector<256x2048xf32>
    %reduce_min3A_45 = arith.constant dense<0x7F800000> : vector<256xf32>
    %reduce_min3A_46 = vector.multi_reduction <minimumf>, %select_n3A_44, %reduce_min3A_45 [1] : vector<256x2048xf32> to vector<256xf32>
    %broadcast_in_dim3A_47 = vector.shape_cast %reduce_min3A_46 : vector<256xf32> to vector<256x1xf32>
    %eq3A_48 = vector.broadcast %broadcast_in_dim3A_47 : vector<256x1xf32> to vector<256x2048xf32>
    %eq3A_49 = arith.cmpf oeq, %select_n3A_44, %eq3A_48 : vector<256x2048xf32>
    %jit3A_50 = arith.constant 2.048000e+03 : f32
    %broadcast_in_dim3A_51 = vector.broadcast %jit3A_50 : f32 to vector<256x2048xf32>
    %select_n3A_52 = arith.select %eq3A_49, %convert_element_type3A, %broadcast_in_dim3A_51 : vector<256x2048xi1>, vector<256x2048xf32>
    %reduce_min3A_53 = arith.constant dense<0x7F800000> : vector<256xf32>
    %reduce_min3A_54 = vector.multi_reduction <minimumf>, %select_n3A_52, %reduce_min3A_53 [1] : vector<256x2048xf32> to vector<256xf32>
    %broadcast_in_dim3A_55 = vector.shape_cast %reduce_min3A_54 : vector<256xf32> to vector<256x1xf32>
    %eq3A_56 = arith.constant 1 : i32
    %eq3A_57 = vector.broadcast %eq3A_56 : i32 to vector<256x16xi32>
    %eq3A_58 = arith.cmpi eq, %iota3A_25, %eq3A_57 : vector<256x16xi32>
    %broadcast_in_dim3A_59 = vector.shape_cast %broadcast_in_dim3A_55 : vector<256x1xf32> to vector<256x1xf32>
    %broadcast_in_dim3A_60 = vector.broadcast %broadcast_in_dim3A_59 : vector<256x1xf32> to vector<256x16xf32>
    %select_n3A_61 = arith.select %eq3A_58, %broadcast_in_dim3A_60, %select_n3A_39 : vector<256x16xi1>, vector<256x16xf32>
    %eq3A_62 = vector.broadcast %broadcast_in_dim3A_55 : vector<256x1xf32> to vector<256x2048xf32>
    %eq3A_63 = arith.cmpf oeq, %select_n3A_52, %eq3A_62 : vector<256x2048xf32>
    %jit3A_64 = arith.constant 0x7F800000 : f32
    %broadcast_in_dim3A_65 = vector.broadcast %jit3A_64 : f32 to vector<256x2048xf32>
    %select_n3A_66 = arith.select %eq3A_63, %broadcast_in_dim3A_65, %select_n3A_44 : vector<256x2048xi1>, vector<256x2048xf32>
    %reduce_min3A_67 = arith.constant dense<0x7F800000> : vector<256xf32>
    %reduce_min3A_68 = vector.multi_reduction <minimumf>, %select_n3A_66, %reduce_min3A_67 [1] : vector<256x2048xf32> to vector<256xf32>
    %broadcast_in_dim3A_69 = vector.shape_cast %reduce_min3A_68 : vector<256xf32> to vector<256x1xf32>
    %eq3A_70 = vector.broadcast %broadcast_in_dim3A_69 : vector<256x1xf32> to vector<256x2048xf32>
    %eq3A_71 = arith.cmpf oeq, %select_n3A_66, %eq3A_70 : vector<256x2048xf32>
    %jit3A_72 = arith.constant 2.048000e+03 : f32
    %broadcast_in_dim3A_73 = vector.broadcast %jit3A_72 : f32 to vector<256x2048xf32>
    %select_n3A_74 = arith.select %eq3A_71, %convert_element_type3A, %broadcast_in_dim3A_73 : vector<256x2048xi1>, vector<256x2048xf32>
    %reduce_min3A_75 = arith.constant dense<0x7F800000> : vector<256xf32>
    %reduce_min3A_76 = vector.multi_reduction <minimumf>, %select_n3A_74, %reduce_min3A_75 [1] : vector<256x2048xf32> to vector<256xf32>
    %broadcast_in_dim3A_77 = vector.shape_cast %reduce_min3A_76 : vector<256xf32> to vector<256x1xf32>
    %eq3A_78 = arith.constant 2 : i32
    %eq3A_79 = vector.broadcast %eq3A_78 : i32 to vector<256x16xi32>
    %eq3A_80 = arith.cmpi eq, %iota3A_25, %eq3A_79 : vector<256x16xi32>
    %broadcast_in_dim3A_81 = vector.shape_cast %broadcast_in_dim3A_77 : vector<256x1xf32> to vector<256x1xf32>
    %broadcast_in_dim3A_82 = vector.broadcast %broadcast_in_dim3A_81 : vector<256x1xf32> to vector<256x16xf32>
    %select_n3A_83 = arith.select %eq3A_80, %broadcast_in_dim3A_82, %select_n3A_61 : vector<256x16xi1>, vector<256x16xf32>
    %eq3A_84 = vector.broadcast %broadcast_in_dim3A_77 : vector<256x1xf32> to vector<256x2048xf32>
    %eq3A_85 = arith.cmpf oeq, %select_n3A_74, %eq3A_84 : vector<256x2048xf32>
    %jit3A_86 = arith.constant 0x7F800000 : f32
    %broadcast_in_dim3A_87 = vector.broadcast %jit3A_86 : f32 to vector<256x2048xf32>
    %select_n3A_88 = arith.select %eq3A_85, %broadcast_in_dim3A_87, %select_n3A_66 : vector<256x2048xi1>, vector<256x2048xf32>
    %reduce_min3A_89 = arith.constant dense<0x7F800000> : vector<256xf32>
    %reduce_min3A_90 = vector.multi_reduction <minimumf>, %select_n3A_88, %reduce_min3A_89 [1] : vector<256x2048xf32> to vector<256xf32>
    %broadcast_in_dim3A_91 = vector.shape_cast %reduce_min3A_90 : vector<256xf32> to vector<256x1xf32>
    %eq3A_92 = vector.broadcast %broadcast_in_dim3A_91 : vector<256x1xf32> to vector<256x2048xf32>
    %eq3A_93 = arith.cmpf oeq, %select_n3A_88, %eq3A_92 : vector<256x2048xf32>
    %jit3A_94 = arith.constant 2.048000e+03 : f32
    %broadcast_in_dim3A_95 = vector.broadcast %jit3A_94 : f32 to vector<256x2048xf32>
    %select_n3A_96 = arith.select %eq3A_93, %convert_element_type3A, %broadcast_in_dim3A_95 : vector<256x2048xi1>, vector<256x2048xf32>
    %reduce_min3A_97 = arith.constant dense<0x7F800000> : vector<256xf32>
    %reduce_min3A_98 = vector.multi_reduction <minimumf>, %select_n3A_96, %reduce_min3A_97 [1] : vector<256x2048xf32> to vector<256xf32>
    %broadcast_in_dim3A_99 = vector.shape_cast %reduce_min3A_98 : vector<256xf32> to vector<256x1xf32>
    %eq3A_100 = arith.constant 3 : i32
    %eq3A_101 = vector.broadcast %eq3A_100 : i32 to vector<256x16xi32>
    %eq3A_102 = arith.cmpi eq, %iota3A_25, %eq3A_101 : vector<256x16xi32>
    %broadcast_in_dim3A_103 = vector.shape_cast %broadcast_in_dim3A_99 : vector<256x1xf32> to vector<256x1xf32>
    %broadcast_in_dim3A_104 = vector.broadcast %broadcast_in_dim3A_103 : vector<256x1xf32> to vector<256x16xf32>
    %select_n3A_105 = arith.select %eq3A_102, %broadcast_in_dim3A_104, %select_n3A_83 : vector<256x16xi1>, vector<256x16xf32>
    %eq3A_106 = vector.broadcast %broadcast_in_dim3A_99 : vector<256x1xf32> to vector<256x2048xf32>
    %eq3A_107 = arith.cmpf oeq, %select_n3A_96, %eq3A_106 : vector<256x2048xf32>
    %jit3A_108 = arith.constant 0x7F800000 : f32
    %broadcast_in_dim3A_109 = vector.broadcast %jit3A_108 : f32 to vector<256x2048xf32>
    %select_n3A_110 = arith.select %eq3A_107, %broadcast_in_dim3A_109, %select_n3A_88 : vector<256x2048xi1>, vector<256x2048xf32>
    %reduce_min3A_111 = arith.constant dense<0x7F800000> : vector<256xf32>
    %reduce_min3A_112 = vector.multi_reduction <minimumf>, %select_n3A_110, %reduce_min3A_111 [1] : vector<256x2048xf32> to vector<256xf32>
    %broadcast_in_dim3A_113 = vector.shape_cast %reduce_min3A_112 : vector<256xf32> to vector<256x1xf32>
    %eq3A_114 = vector.broadcast %broadcast_in_dim3A_113 : vector<256x1xf32> to vector<256x2048xf32>
    %eq3A_115 = arith.cmpf oeq, %select_n3A_110, %eq3A_114 : vector<256x2048xf32>
    %jit3A_116 = arith.constant 2.048000e+03 : f32
    %broadcast_in_dim3A_117 = vector.broadcast %jit3A_116 : f32 to vector<256x2048xf32>
    %select_n3A_118 = arith.select %eq3A_115, %convert_element_type3A, %broadcast_in_dim3A_117 : vector<256x2048xi1>, vector<256x2048xf32>
    %reduce_min3A_119 = arith.constant dense<0x7F800000> : vector<256xf32>
    %reduce_min3A_120 = vector.multi_reduction <minimumf>, %select_n3A_118, %reduce_min3A_119 [1] : vector<256x2048xf32> to vector<256xf32>
    %broadcast_in_dim3A_121 = vector.shape_cast %reduce_min3A_120 : vector<256xf32> to vector<256x1xf32>
    %eq3A_122 = arith.constant 4 : i32
    %eq3A_123 = vector.broadcast %eq3A_122 : i32 to vector<256x16xi32>
    %eq3A_124 = arith.cmpi eq, %iota3A_25, %eq3A_123 : vector<256x16xi32>
    %broadcast_in_dim3A_125 = vector.shape_cast %broadcast_in_dim3A_121 : vector<256x1xf32> to vector<256x1xf32>
    %broadcast_in_dim3A_126 = vector.broadcast %broadcast_in_dim3A_125 : vector<256x1xf32> to vector<256x16xf32>
    %select_n3A_127 = arith.select %eq3A_124, %broadcast_in_dim3A_126, %select_n3A_105 : vector<256x16xi1>, vector<256x16xf32>
    %eq3A_128 = vector.broadcast %broadcast_in_dim3A_121 : vector<256x1xf32> to vector<256x2048xf32>
    %eq3A_129 = arith.cmpf oeq, %select_n3A_118, %eq3A_128 : vector<256x2048xf32>
    %jit3A_130 = arith.constant 0x7F800000 : f32
    %broadcast_in_dim3A_131 = vector.broadcast %jit3A_130 : f32 to vector<256x2048xf32>
    %select_n3A_132 = arith.select %eq3A_129, %broadcast_in_dim3A_131, %select_n3A_110 : vector<256x2048xi1>, vector<256x2048xf32>
    %reduce_min3A_133 = arith.constant dense<0x7F800000> : vector<256xf32>
    %reduce_min3A_134 = vector.multi_reduction <minimumf>, %select_n3A_132, %reduce_min3A_133 [1] : vector<256x2048xf32> to vector<256xf32>
    %broadcast_in_dim3A_135 = vector.shape_cast %reduce_min3A_134 : vector<256xf32> to vector<256x1xf32>
    %eq3A_136 = vector.broadcast %broadcast_in_dim3A_135 : vector<256x1xf32> to vector<256x2048xf32>
    %eq3A_137 = arith.cmpf oeq, %select_n3A_132, %eq3A_136 : vector<256x2048xf32>
    %jit3A_138 = arith.constant 2.048000e+03 : f32
    %broadcast_in_dim3A_139 = vector.broadcast %jit3A_138 : f32 to vector<256x2048xf32>
    %select_n3A_140 = arith.select %eq3A_137, %convert_element_type3A, %broadcast_in_dim3A_139 : vector<256x2048xi1>, vector<256x2048xf32>
    %reduce_min3A_141 = arith.constant dense<0x7F800000> : vector<256xf32>
    %reduce_min3A_142 = vector.multi_reduction <minimumf>, %select_n3A_140, %reduce_min3A_141 [1] : vector<256x2048xf32> to vector<256xf32>
    %broadcast_in_dim3A_143 = vector.shape_cast %reduce_min3A_142 : vector<256xf32> to vector<256x1xf32>
    %eq3A_144 = arith.constant 5 : i32
    %eq3A_145 = vector.broadcast %eq3A_144 : i32 to vector<256x16xi32>
    %eq3A_146 = arith.cmpi eq, %iota3A_25, %eq3A_145 : vector<256x16xi32>
    %broadcast_in_dim3A_147 = vector.shape_cast %broadcast_in_dim3A_143 : vector<256x1xf32> to vector<256x1xf32>
    %broadcast_in_dim3A_148 = vector.broadcast %broadcast_in_dim3A_147 : vector<256x1xf32> to vector<256x16xf32>
    %select_n3A_149 = arith.select %eq3A_146, %broadcast_in_dim3A_148, %select_n3A_127 : vector<256x16xi1>, vector<256x16xf32>
    %eq3A_150 = vector.broadcast %broadcast_in_dim3A_143 : vector<256x1xf32> to vector<256x2048xf32>
    %eq3A_151 = arith.cmpf oeq, %select_n3A_140, %eq3A_150 : vector<256x2048xf32>
    %jit3A_152 = arith.constant 0x7F800000 : f32
    %broadcast_in_dim3A_153 = vector.broadcast %jit3A_152 : f32 to vector<256x2048xf32>
    %select_n3A_154 = arith.select %eq3A_151, %broadcast_in_dim3A_153, %select_n3A_132 : vector<256x2048xi1>, vector<256x2048xf32>
    %reduce_min3A_155 = arith.constant dense<0x7F800000> : vector<256xf32>
    %reduce_min3A_156 = vector.multi_reduction <minimumf>, %select_n3A_154, %reduce_min3A_155 [1] : vector<256x2048xf32> to vector<256xf32>
    %broadcast_in_dim3A_157 = vector.shape_cast %reduce_min3A_156 : vector<256xf32> to vector<256x1xf32>
    %eq3A_158 = vector.broadcast %broadcast_in_dim3A_157 : vector<256x1xf32> to vector<256x2048xf32>
    %eq3A_159 = arith.cmpf oeq, %select_n3A_154, %eq3A_158 : vector<256x2048xf32>
    %jit3A_160 = arith.constant 2.048000e+03 : f32
    %broadcast_in_dim3A_161 = vector.broadcast %jit3A_160 : f32 to vector<256x2048xf32>
    %select_n3A_162 = arith.select %eq3A_159, %convert_element_type3A, %broadcast_in_dim3A_161 : vector<256x2048xi1>, vector<256x2048xf32>
    %reduce_min3A_163 = arith.constant dense<0x7F800000> : vector<256xf32>
    %reduce_min3A_164 = vector.multi_reduction <minimumf>, %select_n3A_162, %reduce_min3A_163 [1] : vector<256x2048xf32> to vector<256xf32>
    %broadcast_in_dim3A_165 = vector.shape_cast %reduce_min3A_164 : vector<256xf32> to vector<256x1xf32>
    %eq3A_166 = arith.constant 6 : i32
    %eq3A_167 = vector.broadcast %eq3A_166 : i32 to vector<256x16xi32>
    %eq3A_168 = arith.cmpi eq, %iota3A_25, %eq3A_167 : vector<256x16xi32>
    %broadcast_in_dim3A_169 = vector.shape_cast %broadcast_in_dim3A_165 : vector<256x1xf32> to vector<256x1xf32>
    %broadcast_in_dim3A_170 = vector.broadcast %broadcast_in_dim3A_169 : vector<256x1xf32> to vector<256x16xf32>
    %select_n3A_171 = arith.select %eq3A_168, %broadcast_in_dim3A_170, %select_n3A_149 : vector<256x16xi1>, vector<256x16xf32>
    %eq3A_172 = vector.broadcast %broadcast_in_dim3A_165 : vector<256x1xf32> to vector<256x2048xf32>
    %eq3A_173 = arith.cmpf oeq, %select_n3A_162, %eq3A_172 : vector<256x2048xf32>
    %jit3A_174 = arith.constant 0x7F800000 : f32
    %broadcast_in_dim3A_175 = vector.broadcast %jit3A_174 : f32 to vector<256x2048xf32>
    %select_n3A_176 = arith.select %eq3A_173, %broadcast_in_dim3A_175, %select_n3A_154 : vector<256x2048xi1>, vector<256x2048xf32>
    %reduce_min3A_177 = arith.constant dense<0x7F800000> : vector<256xf32>
    %reduce_min3A_178 = vector.multi_reduction <minimumf>, %select_n3A_176, %reduce_min3A_177 [1] : vector<256x2048xf32> to vector<256xf32>
    %broadcast_in_dim3A_179 = vector.shape_cast %reduce_min3A_178 : vector<256xf32> to vector<256x1xf32>
    %eq3A_180 = vector.broadcast %broadcast_in_dim3A_179 : vector<256x1xf32> to vector<256x2048xf32>
    %eq3A_181 = arith.cmpf oeq, %select_n3A_176, %eq3A_180 : vector<256x2048xf32>
    %jit3A_182 = arith.constant 2.048000e+03 : f32
    %broadcast_in_dim3A_183 = vector.broadcast %jit3A_182 : f32 to vector<256x2048xf32>
    %select_n3A_184 = arith.select %eq3A_181, %convert_element_type3A, %broadcast_in_dim3A_183 : vector<256x2048xi1>, vector<256x2048xf32>
    %reduce_min3A_185 = arith.constant dense<0x7F800000> : vector<256xf32>
    %reduce_min3A_186 = vector.multi_reduction <minimumf>, %select_n3A_184, %reduce_min3A_185 [1] : vector<256x2048xf32> to vector<256xf32>
    %broadcast_in_dim3A_187 = vector.shape_cast %reduce_min3A_186 : vector<256xf32> to vector<256x1xf32>
    %eq3A_188 = arith.constant 7 : i32
    %eq3A_189 = vector.broadcast %eq3A_188 : i32 to vector<256x16xi32>
    %eq3A_190 = arith.cmpi eq, %iota3A_25, %eq3A_189 : vector<256x16xi32>
    %broadcast_in_dim3A_191 = vector.shape_cast %broadcast_in_dim3A_187 : vector<256x1xf32> to vector<256x1xf32>
    %broadcast_in_dim3A_192 = vector.broadcast %broadcast_in_dim3A_191 : vector<256x1xf32> to vector<256x16xf32>
    %select_n3A_193 = arith.select %eq3A_190, %broadcast_in_dim3A_192, %select_n3A_171 : vector<256x16xi1>, vector<256x16xf32>
    %eq3A_194 = vector.broadcast %broadcast_in_dim3A_187 : vector<256x1xf32> to vector<256x2048xf32>
    %eq3A_195 = arith.cmpf oeq, %select_n3A_184, %eq3A_194 : vector<256x2048xf32>
    %jit3A_196 = arith.constant 0x7F800000 : f32
    %broadcast_in_dim3A_197 = vector.broadcast %jit3A_196 : f32 to vector<256x2048xf32>
    %select_n3A_198 = arith.select %eq3A_195, %broadcast_in_dim3A_197, %select_n3A_176 : vector<256x2048xi1>, vector<256x2048xf32>
    %reduce_min3A_199 = arith.constant dense<0x7F800000> : vector<256xf32>
    %reduce_min3A_200 = vector.multi_reduction <minimumf>, %select_n3A_198, %reduce_min3A_199 [1] : vector<256x2048xf32> to vector<256xf32>
    %broadcast_in_dim3A_201 = vector.shape_cast %reduce_min3A_200 : vector<256xf32> to vector<256x1xf32>
    %eq3A_202 = vector.broadcast %broadcast_in_dim3A_201 : vector<256x1xf32> to vector<256x2048xf32>
    %eq3A_203 = arith.cmpf oeq, %select_n3A_198, %eq3A_202 : vector<256x2048xf32>
    %jit3A_204 = arith.constant 2.048000e+03 : f32
    %broadcast_in_dim3A_205 = vector.broadcast %jit3A_204 : f32 to vector<256x2048xf32>
    %select_n3A_206 = arith.select %eq3A_203, %convert_element_type3A, %broadcast_in_dim3A_205 : vector<256x2048xi1>, vector<256x2048xf32>
    %reduce_min3A_207 = arith.constant dense<0x7F800000> : vector<256xf32>
    %reduce_min3A_208 = vector.multi_reduction <minimumf>, %select_n3A_206, %reduce_min3A_207 [1] : vector<256x2048xf32> to vector<256xf32>
    %broadcast_in_dim3A_209 = vector.shape_cast %reduce_min3A_208 : vector<256xf32> to vector<256x1xf32>
    %eq3A_210 = arith.constant 8 : i32
    %eq3A_211 = vector.broadcast %eq3A_210 : i32 to vector<256x16xi32>
    %eq3A_212 = arith.cmpi eq, %iota3A_25, %eq3A_211 : vector<256x16xi32>
    %broadcast_in_dim3A_213 = vector.shape_cast %broadcast_in_dim3A_209 : vector<256x1xf32> to vector<256x1xf32>
    %broadcast_in_dim3A_214 = vector.broadcast %broadcast_in_dim3A_213 : vector<256x1xf32> to vector<256x16xf32>
    %select_n3A_215 = arith.select %eq3A_212, %broadcast_in_dim3A_214, %select_n3A_193 : vector<256x16xi1>, vector<256x16xf32>
    %eq3A_216 = vector.broadcast %broadcast_in_dim3A_209 : vector<256x1xf32> to vector<256x2048xf32>
    %eq3A_217 = arith.cmpf oeq, %select_n3A_206, %eq3A_216 : vector<256x2048xf32>
    %jit3A_218 = arith.constant 0x7F800000 : f32
    %broadcast_in_dim3A_219 = vector.broadcast %jit3A_218 : f32 to vector<256x2048xf32>
    %select_n3A_220 = arith.select %eq3A_217, %broadcast_in_dim3A_219, %select_n3A_198 : vector<256x2048xi1>, vector<256x2048xf32>
    %reduce_min3A_221 = arith.constant dense<0x7F800000> : vector<256xf32>
    %reduce_min3A_222 = vector.multi_reduction <minimumf>, %select_n3A_220, %reduce_min3A_221 [1] : vector<256x2048xf32> to vector<256xf32>
    %broadcast_in_dim3A_223 = vector.shape_cast %reduce_min3A_222 : vector<256xf32> to vector<256x1xf32>
    %eq3A_224 = vector.broadcast %broadcast_in_dim3A_223 : vector<256x1xf32> to vector<256x2048xf32>
    %eq3A_225 = arith.cmpf oeq, %select_n3A_220, %eq3A_224 : vector<256x2048xf32>
    %jit3A_226 = arith.constant 2.048000e+03 : f32
    %broadcast_in_dim3A_227 = vector.broadcast %jit3A_226 : f32 to vector<256x2048xf32>
    %select_n3A_228 = arith.select %eq3A_225, %convert_element_type3A, %broadcast_in_dim3A_227 : vector<256x2048xi1>, vector<256x2048xf32>
    %reduce_min3A_229 = arith.constant dense<0x7F800000> : vector<256xf32>
    %reduce_min3A_230 = vector.multi_reduction <minimumf>, %select_n3A_228, %reduce_min3A_229 [1] : vector<256x2048xf32> to vector<256xf32>
    %broadcast_in_dim3A_231 = vector.shape_cast %reduce_min3A_230 : vector<256xf32> to vector<256x1xf32>
    %eq3A_232 = arith.constant 9 : i32
    %eq3A_233 = vector.broadcast %eq3A_232 : i32 to vector<256x16xi32>
    %eq3A_234 = arith.cmpi eq, %iota3A_25, %eq3A_233 : vector<256x16xi32>
    %broadcast_in_dim3A_235 = vector.shape_cast %broadcast_in_dim3A_231 : vector<256x1xf32> to vector<256x1xf32>
    %broadcast_in_dim3A_236 = vector.broadcast %broadcast_in_dim3A_235 : vector<256x1xf32> to vector<256x16xf32>
    %select_n3A_237 = arith.select %eq3A_234, %broadcast_in_dim3A_236, %select_n3A_215 : vector<256x16xi1>, vector<256x16xf32>
    %eq3A_238 = vector.broadcast %broadcast_in_dim3A_231 : vector<256x1xf32> to vector<256x2048xf32>
    %eq3A_239 = arith.cmpf oeq, %select_n3A_228, %eq3A_238 : vector<256x2048xf32>
    %jit3A_240 = arith.constant 0x7F800000 : f32
    %broadcast_in_dim3A_241 = vector.broadcast %jit3A_240 : f32 to vector<256x2048xf32>
    %select_n3A_242 = arith.select %eq3A_239, %broadcast_in_dim3A_241, %select_n3A_220 : vector<256x2048xi1>, vector<256x2048xf32>
    %reduce_min3A_243 = arith.constant dense<0x7F800000> : vector<256xf32>
    %reduce_min3A_244 = vector.multi_reduction <minimumf>, %select_n3A_242, %reduce_min3A_243 [1] : vector<256x2048xf32> to vector<256xf32>
    %broadcast_in_dim3A_245 = vector.shape_cast %reduce_min3A_244 : vector<256xf32> to vector<256x1xf32>
    %eq3A_246 = vector.broadcast %broadcast_in_dim3A_245 : vector<256x1xf32> to vector<256x2048xf32>
    %eq3A_247 = arith.cmpf oeq, %select_n3A_242, %eq3A_246 : vector<256x2048xf32>
    %jit3A_248 = arith.constant 2.048000e+03 : f32
    %broadcast_in_dim3A_249 = vector.broadcast %jit3A_248 : f32 to vector<256x2048xf32>
    %select_n3A_250 = arith.select %eq3A_247, %convert_element_type3A, %broadcast_in_dim3A_249 : vector<256x2048xi1>, vector<256x2048xf32>
    %reduce_min3A_251 = arith.constant dense<0x7F800000> : vector<256xf32>
    %reduce_min3A_252 = vector.multi_reduction <minimumf>, %select_n3A_250, %reduce_min3A_251 [1] : vector<256x2048xf32> to vector<256xf32>
    %broadcast_in_dim3A_253 = vector.shape_cast %reduce_min3A_252 : vector<256xf32> to vector<256x1xf32>
    %eq3A_254 = arith.constant 10 : i32
    %eq3A_255 = vector.broadcast %eq3A_254 : i32 to vector<256x16xi32>
    %eq3A_256 = arith.cmpi eq, %iota3A_25, %eq3A_255 : vector<256x16xi32>
    %broadcast_in_dim3A_257 = vector.shape_cast %broadcast_in_dim3A_253 : vector<256x1xf32> to vector<256x1xf32>
    %broadcast_in_dim3A_258 = vector.broadcast %broadcast_in_dim3A_257 : vector<256x1xf32> to vector<256x16xf32>
    %select_n3A_259 = arith.select %eq3A_256, %broadcast_in_dim3A_258, %select_n3A_237 : vector<256x16xi1>, vector<256x16xf32>
    %eq3A_260 = vector.broadcast %broadcast_in_dim3A_253 : vector<256x1xf32> to vector<256x2048xf32>
    %eq3A_261 = arith.cmpf oeq, %select_n3A_250, %eq3A_260 : vector<256x2048xf32>
    %jit3A_262 = arith.constant 0x7F800000 : f32
    %broadcast_in_dim3A_263 = vector.broadcast %jit3A_262 : f32 to vector<256x2048xf32>
    %select_n3A_264 = arith.select %eq3A_261, %broadcast_in_dim3A_263, %select_n3A_242 : vector<256x2048xi1>, vector<256x2048xf32>
    %reduce_min3A_265 = arith.constant dense<0x7F800000> : vector<256xf32>
    %reduce_min3A_266 = vector.multi_reduction <minimumf>, %select_n3A_264, %reduce_min3A_265 [1] : vector<256x2048xf32> to vector<256xf32>
    %broadcast_in_dim3A_267 = vector.shape_cast %reduce_min3A_266 : vector<256xf32> to vector<256x1xf32>
    %eq3A_268 = vector.broadcast %broadcast_in_dim3A_267 : vector<256x1xf32> to vector<256x2048xf32>
    %eq3A_269 = arith.cmpf oeq, %select_n3A_264, %eq3A_268 : vector<256x2048xf32>
    %jit3A_270 = arith.constant 2.048000e+03 : f32
    %broadcast_in_dim3A_271 = vector.broadcast %jit3A_270 : f32 to vector<256x2048xf32>
    %select_n3A_272 = arith.select %eq3A_269, %convert_element_type3A, %broadcast_in_dim3A_271 : vector<256x2048xi1>, vector<256x2048xf32>
    %reduce_min3A_273 = arith.constant dense<0x7F800000> : vector<256xf32>
    %reduce_min3A_274 = vector.multi_reduction <minimumf>, %select_n3A_272, %reduce_min3A_273 [1] : vector<256x2048xf32> to vector<256xf32>
    %broadcast_in_dim3A_275 = vector.shape_cast %reduce_min3A_274 : vector<256xf32> to vector<256x1xf32>
    %eq3A_276 = arith.constant 11 : i32
    %eq3A_277 = vector.broadcast %eq3A_276 : i32 to vector<256x16xi32>
    %eq3A_278 = arith.cmpi eq, %iota3A_25, %eq3A_277 : vector<256x16xi32>
    %broadcast_in_dim3A_279 = vector.shape_cast %broadcast_in_dim3A_275 : vector<256x1xf32> to vector<256x1xf32>
    %broadcast_in_dim3A_280 = vector.broadcast %broadcast_in_dim3A_279 : vector<256x1xf32> to vector<256x16xf32>
    %select_n3A_281 = arith.select %eq3A_278, %broadcast_in_dim3A_280, %select_n3A_259 : vector<256x16xi1>, vector<256x16xf32>
    %eq3A_282 = vector.broadcast %broadcast_in_dim3A_275 : vector<256x1xf32> to vector<256x2048xf32>
    %eq3A_283 = arith.cmpf oeq, %select_n3A_272, %eq3A_282 : vector<256x2048xf32>
    %jit3A_284 = arith.constant 0x7F800000 : f32
    %broadcast_in_dim3A_285 = vector.broadcast %jit3A_284 : f32 to vector<256x2048xf32>
    %select_n3A_286 = arith.select %eq3A_283, %broadcast_in_dim3A_285, %select_n3A_264 : vector<256x2048xi1>, vector<256x2048xf32>
    %reduce_min3A_287 = arith.constant dense<0x7F800000> : vector<256xf32>
    %reduce_min3A_288 = vector.multi_reduction <minimumf>, %select_n3A_286, %reduce_min3A_287 [1] : vector<256x2048xf32> to vector<256xf32>
    %broadcast_in_dim3A_289 = vector.shape_cast %reduce_min3A_288 : vector<256xf32> to vector<256x1xf32>
    %eq3A_290 = vector.broadcast %broadcast_in_dim3A_289 : vector<256x1xf32> to vector<256x2048xf32>
    %eq3A_291 = arith.cmpf oeq, %select_n3A_286, %eq3A_290 : vector<256x2048xf32>
    %jit3A_292 = arith.constant 2.048000e+03 : f32
    %broadcast_in_dim3A_293 = vector.broadcast %jit3A_292 : f32 to vector<256x2048xf32>
    %select_n3A_294 = arith.select %eq3A_291, %convert_element_type3A, %broadcast_in_dim3A_293 : vector<256x2048xi1>, vector<256x2048xf32>
    %reduce_min3A_295 = arith.constant dense<0x7F800000> : vector<256xf32>
    %reduce_min3A_296 = vector.multi_reduction <minimumf>, %select_n3A_294, %reduce_min3A_295 [1] : vector<256x2048xf32> to vector<256xf32>
    %broadcast_in_dim3A_297 = vector.shape_cast %reduce_min3A_296 : vector<256xf32> to vector<256x1xf32>
    %eq3A_298 = arith.constant 12 : i32
    %eq3A_299 = vector.broadcast %eq3A_298 : i32 to vector<256x16xi32>
    %eq3A_300 = arith.cmpi eq, %iota3A_25, %eq3A_299 : vector<256x16xi32>
    %broadcast_in_dim3A_301 = vector.shape_cast %broadcast_in_dim3A_297 : vector<256x1xf32> to vector<256x1xf32>
    %broadcast_in_dim3A_302 = vector.broadcast %broadcast_in_dim3A_301 : vector<256x1xf32> to vector<256x16xf32>
    %select_n3A_303 = arith.select %eq3A_300, %broadcast_in_dim3A_302, %select_n3A_281 : vector<256x16xi1>, vector<256x16xf32>
    %eq3A_304 = vector.broadcast %broadcast_in_dim3A_297 : vector<256x1xf32> to vector<256x2048xf32>
    %eq3A_305 = arith.cmpf oeq, %select_n3A_294, %eq3A_304 : vector<256x2048xf32>
    %jit3A_306 = arith.constant 0x7F800000 : f32
    %broadcast_in_dim3A_307 = vector.broadcast %jit3A_306 : f32 to vector<256x2048xf32>
    %select_n3A_308 = arith.select %eq3A_305, %broadcast_in_dim3A_307, %select_n3A_286 : vector<256x2048xi1>, vector<256x2048xf32>
    %reduce_min3A_309 = arith.constant dense<0x7F800000> : vector<256xf32>
    %reduce_min3A_310 = vector.multi_reduction <minimumf>, %select_n3A_308, %reduce_min3A_309 [1] : vector<256x2048xf32> to vector<256xf32>
    %broadcast_in_dim3A_311 = vector.shape_cast %reduce_min3A_310 : vector<256xf32> to vector<256x1xf32>
    %eq3A_312 = vector.broadcast %broadcast_in_dim3A_311 : vector<256x1xf32> to vector<256x2048xf32>
    %eq3A_313 = arith.cmpf oeq, %select_n3A_308, %eq3A_312 : vector<256x2048xf32>
    %jit3A_314 = arith.constant 2.048000e+03 : f32
    %broadcast_in_dim3A_315 = vector.broadcast %jit3A_314 : f32 to vector<256x2048xf32>
    %select_n3A_316 = arith.select %eq3A_313, %convert_element_type3A, %broadcast_in_dim3A_315 : vector<256x2048xi1>, vector<256x2048xf32>
    %reduce_min3A_317 = arith.constant dense<0x7F800000> : vector<256xf32>
    %reduce_min3A_318 = vector.multi_reduction <minimumf>, %select_n3A_316, %reduce_min3A_317 [1] : vector<256x2048xf32> to vector<256xf32>
    %broadcast_in_dim3A_319 = vector.shape_cast %reduce_min3A_318 : vector<256xf32> to vector<256x1xf32>
    %eq3A_320 = arith.constant 13 : i32
    %eq3A_321 = vector.broadcast %eq3A_320 : i32 to vector<256x16xi32>
    %eq3A_322 = arith.cmpi eq, %iota3A_25, %eq3A_321 : vector<256x16xi32>
    %broadcast_in_dim3A_323 = vector.shape_cast %broadcast_in_dim3A_319 : vector<256x1xf32> to vector<256x1xf32>
    %broadcast_in_dim3A_324 = vector.broadcast %broadcast_in_dim3A_323 : vector<256x1xf32> to vector<256x16xf32>
    %select_n3A_325 = arith.select %eq3A_322, %broadcast_in_dim3A_324, %select_n3A_303 : vector<256x16xi1>, vector<256x16xf32>
    %eq3A_326 = vector.broadcast %broadcast_in_dim3A_319 : vector<256x1xf32> to vector<256x2048xf32>
    %eq3A_327 = arith.cmpf oeq, %select_n3A_316, %eq3A_326 : vector<256x2048xf32>
    %jit3A_328 = arith.constant 0x7F800000 : f32
    %broadcast_in_dim3A_329 = vector.broadcast %jit3A_328 : f32 to vector<256x2048xf32>
    %select_n3A_330 = arith.select %eq3A_327, %broadcast_in_dim3A_329, %select_n3A_308 : vector<256x2048xi1>, vector<256x2048xf32>
    %reduce_min3A_331 = arith.constant dense<0x7F800000> : vector<256xf32>
    %reduce_min3A_332 = vector.multi_reduction <minimumf>, %select_n3A_330, %reduce_min3A_331 [1] : vector<256x2048xf32> to vector<256xf32>
    %broadcast_in_dim3A_333 = vector.shape_cast %reduce_min3A_332 : vector<256xf32> to vector<256x1xf32>
    %eq3A_334 = vector.broadcast %broadcast_in_dim3A_333 : vector<256x1xf32> to vector<256x2048xf32>
    %eq3A_335 = arith.cmpf oeq, %select_n3A_330, %eq3A_334 : vector<256x2048xf32>
    %jit3A_336 = arith.constant 2.048000e+03 : f32
    %broadcast_in_dim3A_337 = vector.broadcast %jit3A_336 : f32 to vector<256x2048xf32>
    %select_n3A_338 = arith.select %eq3A_335, %convert_element_type3A, %broadcast_in_dim3A_337 : vector<256x2048xi1>, vector<256x2048xf32>
    %reduce_min3A_339 = arith.constant dense<0x7F800000> : vector<256xf32>
    %reduce_min3A_340 = vector.multi_reduction <minimumf>, %select_n3A_338, %reduce_min3A_339 [1] : vector<256x2048xf32> to vector<256xf32>
    %broadcast_in_dim3A_341 = vector.shape_cast %reduce_min3A_340 : vector<256xf32> to vector<256x1xf32>
    %eq3A_342 = arith.constant 14 : i32
    %eq3A_343 = vector.broadcast %eq3A_342 : i32 to vector<256x16xi32>
    %eq3A_344 = arith.cmpi eq, %iota3A_25, %eq3A_343 : vector<256x16xi32>
    %broadcast_in_dim3A_345 = vector.shape_cast %broadcast_in_dim3A_341 : vector<256x1xf32> to vector<256x1xf32>
    %broadcast_in_dim3A_346 = vector.broadcast %broadcast_in_dim3A_345 : vector<256x1xf32> to vector<256x16xf32>
    %select_n3A_347 = arith.select %eq3A_344, %broadcast_in_dim3A_346, %select_n3A_325 : vector<256x16xi1>, vector<256x16xf32>
    %eq3A_348 = vector.broadcast %broadcast_in_dim3A_341 : vector<256x1xf32> to vector<256x2048xf32>
    %eq3A_349 = arith.cmpf oeq, %select_n3A_338, %eq3A_348 : vector<256x2048xf32>
    %jit3A_350 = arith.constant 0x7F800000 : f32
    %broadcast_in_dim3A_351 = vector.broadcast %jit3A_350 : f32 to vector<256x2048xf32>
    %select_n3A_352 = arith.select %eq3A_349, %broadcast_in_dim3A_351, %select_n3A_330 : vector<256x2048xi1>, vector<256x2048xf32>
    %reduce_min3A_353 = arith.constant dense<0x7F800000> : vector<256xf32>
    %reduce_min3A_354 = vector.multi_reduction <minimumf>, %select_n3A_352, %reduce_min3A_353 [1] : vector<256x2048xf32> to vector<256xf32>
    %broadcast_in_dim3A_355 = vector.shape_cast %reduce_min3A_354 : vector<256xf32> to vector<256x1xf32>
    %eq3A_356 = vector.broadcast %broadcast_in_dim3A_355 : vector<256x1xf32> to vector<256x2048xf32>
    %eq3A_357 = arith.cmpf oeq, %select_n3A_352, %eq3A_356 : vector<256x2048xf32>
    %jit3A_358 = arith.constant 2.048000e+03 : f32
    %broadcast_in_dim3A_359 = vector.broadcast %jit3A_358 : f32 to vector<256x2048xf32>
    %select_n3A_360 = arith.select %eq3A_357, %convert_element_type3A, %broadcast_in_dim3A_359 : vector<256x2048xi1>, vector<256x2048xf32>
    %reduce_min3A_361 = arith.constant dense<0x7F800000> : vector<256xf32>
    %reduce_min3A_362 = vector.multi_reduction <minimumf>, %select_n3A_360, %reduce_min3A_361 [1] : vector<256x2048xf32> to vector<256xf32>
    %broadcast_in_dim3A_363 = vector.shape_cast %reduce_min3A_362 : vector<256xf32> to vector<256x1xf32>
    %eq3A_364 = arith.constant 15 : i32
    %eq3A_365 = vector.broadcast %eq3A_364 : i32 to vector<256x16xi32>
    %eq3A_366 = arith.cmpi eq, %iota3A_25, %eq3A_365 : vector<256x16xi32>
    %broadcast_in_dim3A_367 = vector.shape_cast %broadcast_in_dim3A_363 : vector<256x1xf32> to vector<256x1xf32>
    %broadcast_in_dim3A_368 = vector.broadcast %broadcast_in_dim3A_367 : vector<256x1xf32> to vector<256x16xf32>
    %select_n3A_369 = arith.select %eq3A_366, %broadcast_in_dim3A_368, %select_n3A_347 : vector<256x16xi1>, vector<256x16xf32>
    %convert_element_type3A_370 = arith.fptosi %select_n3A_369 : vector<256x16xf32> to vector<256x16xi32>
    %mul3A_371 = arith.constant 2048 : i32
    %mul3A_372 = arith.muli %arg0, %mul3A_371 : i32
    %add3A_373 = vector.broadcast %mul3A_372 : i32 to vector<256x16xi32>
    %add3A_374 = arith.addi %convert_element_type3A_370, %add3A_373 : vector<256x16xi32>
    %swap3A = arith.constant 0 : index
    %swap3A_375 = arith.constant 0 : index
    %swap3A_376 = arith.constant 0 : index
    %swap3A_377 = vector.load %arg4[%swap3A, %swap3A_375, %swap3A_376] : memref<1x256x16xi32, #tpu.memory_space<vmem>>, vector<1x256x16xi32>
    %swap3A_378 = vector.shape_cast %swap3A_377 : vector<1x256x16xi32> to vector<256x16xi32>
    %swap3A_379 = vector.shape_cast %add3A_374 : vector<256x16xi32> to vector<1x256x16xi32>
    tpu.vector_store %arg4[%swap3A, %swap3A_375, %swap3A_376], %swap3A_379 {strides = array<i32>} : memref<1x256x16xi32, #tpu.memory_space<vmem>>, vector<1x256x16xi32>,
    return
  }
  func.func @transform_0(%arg0: i32, %arg1: i32) -> (i32, i32, i32) {
    %c0_i32 = arith.constant 0 : i32
    %c0_i32_0 = arith.constant 0 : i32
    return %arg0, %arg1, %c0_i32 : i32, i32, i32
  }
  func.func @transform_1(%arg0: i32, %arg1: i32) -> (i32, i32, i32) {
    %c0_i32 = arith.constant 0 : i32
    %c0_i32_0 = arith.constant 0 : i32
    %c0_i32_1 = arith.constant 0 : i32
    return %arg0, %c0_i32, %c0_i32_0 : i32, i32, i32
  }
  func.func @transform_2(%arg0: i32, %arg1: i32) -> (i32, i32, i32) {
    %c0_i32 = arith.constant 0 : i32
    %c0_i32_0 = arith.constant 0 : i32
    return %arg0, %arg1, %c0_i32 : i32, i32, i32
  }
}

module attributes {stable_mosaic.version = 14 : i64} {
  func.func @_dense_body(%arg0: i32, %arg1: i32, %arg2: memref<1x2048x128xf32, #tpu.memory_space<vmem>>, %arg3: memref<1x128x128xf32, #tpu.memory_space<vmem>>, %arg4: memref<128x128xf32, #tpu.memory_space<vmem>>, %arg5: memref<1x128xf32, #tpu.memory_space<vmem>>, %arg6: memref<128x128xf32, #tpu.memory_space<vmem>>, %arg7: memref<1x128xf32, #tpu.memory_space<vmem>>, %arg8: memref<128x128xf32, #tpu.memory_space<vmem>>, %arg9: memref<1x128xf32, #tpu.memory_space<vmem>>, %arg10: memref<1x128xf32, #tpu.memory_space<vmem>>, %arg11: memref<1x128xf32, #tpu.memory_space<vmem>>, %arg12: memref<128x128xf32, #tpu.memory_space<vmem>>, %arg13: memref<1x128xf32, #tpu.memory_space<vmem>>, %arg14: memref<1x128xf32, #tpu.memory_space<vmem>>, %arg15: memref<1x128xf32, #tpu.memory_space<vmem>>, %arg16: memref<1x128x128xf32, #tpu.memory_space<vmem>>) attributes {dimension_semantics = [#tpu.dimension_semantics<arbitrary>, #tpu.dimension_semantics<arbitrary>], iteration_bounds = array<i64: 2, 16>, scalar_prefetch = 0 : i64, scratch_operands = 0 : i64, tpu.core_type = #tpu.core_type<tc>, window_params = [{transform_indices = @transform_0, window_bounds = array<i64: 1, 2048, 128>}, {transform_indices = @transform_1, window_bounds = array<i64: 1, 128, 128>}, {pipeline_mode = #tpu.pipeline_mode<synchronous>, transform_indices = @transform_2, window_bounds = array<i64: 128, 128>}, {pipeline_mode = #tpu.pipeline_mode<synchronous>, transform_indices = @transform_3, window_bounds = array<i64: 1, 128>}, {pipeline_mode = #tpu.pipeline_mode<synchronous>, transform_indices = @transform_4, window_bounds = array<i64: 128, 128>}, {pipeline_mode = #tpu.pipeline_mode<synchronous>, transform_indices = @transform_5, window_bounds = array<i64: 1, 128>}, {pipeline_mode = #tpu.pipeline_mode<synchronous>, transform_indices = @transform_6, window_bounds = array<i64: 128, 128>}, {pipeline_mode = #tpu.pipeline_mode<synchronous>, transform_indices = @transform_7, window_bounds = array<i64: 1, 128>}, {pipeline_mode = #tpu.pipeline_mode<synchronous>, transform_indices = @transform_8, window_bounds = array<i64: 1, 128>}, {pipeline_mode = #tpu.pipeline_mode<synchronous>, transform_indices = @transform_9, window_bounds = array<i64: 1, 128>}, {pipeline_mode = #tpu.pipeline_mode<synchronous>, transform_indices = @transform_10, window_bounds = array<i64: 128, 128>}, {pipeline_mode = #tpu.pipeline_mode<synchronous>, transform_indices = @transform_11, window_bounds = array<i64: 1, 128>}, {pipeline_mode = #tpu.pipeline_mode<synchronous>, transform_indices = @transform_12, window_bounds = array<i64: 1, 128>}, {pipeline_mode = #tpu.pipeline_mode<synchronous>, transform_indices = @transform_13, window_bounds = array<i64: 1, 128>}, {transform_indices = @transform_14, window_bounds = array<i64: 1, 128, 128>}]} {
    %get3A = arith.constant 0 : index
    %get3A_0 = arith.constant 0 : index
    %get3A_1 = arith.constant 0 : index
    %get3A_2 = vector.load %arg3[%get3A, %get3A_0, %get3A_1] : memref<1x128x128xf32, #tpu.memory_space<vmem>>, vector<1x128x128xf32>
    %get3A_3 = vector.shape_cast %get3A_2 : vector<1x128x128xf32> to vector<128x128xf32>
    %get3A_4 = arith.constant 0 : index
    %get3A_5 = arith.constant 0 : index
    %get3A_6 = arith.constant 0 : index
    %get3A_7 = vector.load %arg2[%get3A_4, %get3A_5, %get3A_6] : memref<1x2048x128xf32, #tpu.memory_space<vmem>>, vector<1x2048x128xf32>
    %get3A_8 = vector.shape_cast %get3A_7 : vector<1x2048x128xf32> to vector<2048x128xf32>
    %broadcast_in_dim3A = vector.shape_cast %get3A_3 : vector<128x128xf32> to vector<128x1x128xf32>
    %broadcast_in_dim3A_9 = vector.shape_cast %broadcast_in_dim3A : vector<128x1x128xf32> to vector<128x1x128xf32>
    %broadcast_in_dim3A_10 = vector.broadcast %broadcast_in_dim3A_9 : vector<128x1x128xf32> to vector<128x16x128xf32>
    %reshape3A = vector.shape_cast %broadcast_in_dim3A_10 : vector<128x16x128xf32> to vector<2048x128xf32>
    %sub3A = arith.subf %get3A_8, %reshape3A : vector<2048x128xf32>
    %get3A_11 = arith.constant 0 : index
    %get3A_12 = arith.constant 0 : index
    %get3A_13 = vector.load %arg4[%get3A_11, %get3A_12] : memref<128x128xf32, #tpu.memory_space<vmem>>, vector<128x128xf32>
    %get3A_14 = arith.constant 0 : index
    %get3A_15 = arith.constant 0 : index
    %get3A_16 = vector.load %arg5[%get3A_14, %get3A_15] : memref<1x128xf32, #tpu.memory_space<vmem>>, vector<1x128xf32>
    %get3A_17 = arith.constant 0 : index
    %get3A_18 = arith.constant 0 : index
    %get3A_19 = vector.load %arg6[%get3A_17, %get3A_18] : memref<128x128xf32, #tpu.memory_space<vmem>>, vector<128x128xf32>
    %get3A_20 = arith.constant 0 : index
    %get3A_21 = arith.constant 0 : index
    %get3A_22 = vector.load %arg7[%get3A_20, %get3A_21] : memref<1x128xf32, #tpu.memory_space<vmem>>, vector<1x128xf32>
    %dot_general3A = arith.constant dense<0.000000e+00> : vector<2048x128xf32>
    %dot_general3A_23 = tpu.matmul %sub3A, %get3A_13, %dot_general3A {dimension_numbers = #tpu.dot_dimension_numbers<[1], [0], [0], [1], [0, 0, 1, 1], [], []>, transpose_lhs_hint = false} : vector<2048x128xf32>, vector<128x128xf32>, vector<2048x128xf32> -> vector<2048x128xf32>
    %add3A = vector.broadcast %get3A_16 : vector<1x128xf32> to vector<2048x128xf32>
    %add3A_24 = arith.addf %dot_general3A_23, %add3A : vector<2048x128xf32>
    %max3A = arith.constant 0.000000e+00 : f32
    %max3A_25 = vector.broadcast %max3A : f32 to vector<2048x128xf32>
    %max3A_26 = arith.maximumf %add3A_24, %max3A_25 : vector<2048x128xf32>
    %dot_general3A_27 = arith.constant dense<0.000000e+00> : vector<2048x128xf32>
    %dot_general3A_28 = tpu.matmul %max3A_26, %get3A_19, %dot_general3A_27 {dimension_numbers = #tpu.dot_dimension_numbers<[1], [0], [0], [1], [0, 0, 1, 1], [], []>, transpose_lhs_hint = false} : vector<2048x128xf32>, vector<128x128xf32>, vector<2048x128xf32> -> vector<2048x128xf32>
    %add3A_29 = vector.broadcast %get3A_22 : vector<1x128xf32> to vector<2048x128xf32>
    %add3A_30 = arith.addf %dot_general3A_28, %add3A_29 : vector<2048x128xf32>
    %neg3A = arith.constant 0.000000e+00 : f32
    %neg3A_31 = vector.broadcast %neg3A : f32 to vector<2048x128xf32>
    %neg3A_32 = arith.subf %neg3A_31, %add3A_30 : vector<2048x128xf32>
    %exp3A = math.exp %neg3A_32 : vector<2048x128xf32>
    %add3A_33 = arith.constant 1.000000e+00 : f32
    %add3A_34 = vector.broadcast %add3A_33 : f32 to vector<2048x128xf32>
    %add3A_35 = arith.addf %add3A_34, %exp3A : vector<2048x128xf32>
    %div3A = arith.constant 1.000000e+00 : f32
    %div3A_36 = vector.broadcast %div3A : f32 to vector<2048x128xf32>
    %div3A_37 = arith.divf %div3A_36, %add3A_35 : vector<2048x128xf32>
    %mul3A = arith.mulf %sub3A, %div3A_37 : vector<2048x128xf32>
    %reshape3A_38 = vector.shape_cast %mul3A : vector<2048x128xf32> to vector<128x16x128xf32>
    %reduce_sum3A = arith.constant dense<0.000000e+00> : vector<128x128xf32>
    %reduce_sum3A_39 = vector.multi_reduction <add>, %reshape3A_38, %reduce_sum3A [1] : vector<128x16x128xf32> to vector<128x128xf32>
    %dot_general3A_40 = arith.constant dense<0.000000e+00> : vector<128x128xf32>
    %dot_general3A_41 = tpu.matmul %get3A_3, %get3A_13, %dot_general3A_40 {dimension_numbers = #tpu.dot_dimension_numbers<[1], [0], [0], [1], [0, 0, 1, 1], [], []>, transpose_lhs_hint = false} : vector<128x128xf32>, vector<128x128xf32>, vector<128x128xf32> -> vector<128x128xf32>
    %add3A_42 = vector.broadcast %get3A_16 : vector<1x128xf32> to vector<128x128xf32>
    %add3A_43 = arith.addf %dot_general3A_41, %add3A_42 : vector<128x128xf32>
    %max3A_44 = arith.constant 0.000000e+00 : f32
    %max3A_45 = vector.broadcast %max3A_44 : f32 to vector<128x128xf32>
    %max3A_46 = arith.maximumf %add3A_43, %max3A_45 : vector<128x128xf32>
    %dot_general3A_47 = arith.constant dense<0.000000e+00> : vector<128x128xf32>
    %dot_general3A_48 = tpu.matmul %max3A_46, %get3A_19, %dot_general3A_47 {dimension_numbers = #tpu.dot_dimension_numbers<[1], [0], [0], [1], [0, 0, 1, 1], [], []>, transpose_lhs_hint = false} : vector<128x128xf32>, vector<128x128xf32>, vector<128x128xf32> -> vector<128x128xf32>
    %add3A_49 = vector.broadcast %get3A_22 : vector<1x128xf32> to vector<128x128xf32>
    %add3A_50 = arith.addf %dot_general3A_48, %add3A_49 : vector<128x128xf32>
    %neg3A_51 = arith.constant 0.000000e+00 : f32
    %neg3A_52 = vector.broadcast %neg3A_51 : f32 to vector<128x128xf32>
    %neg3A_53 = arith.subf %neg3A_52, %add3A_50 : vector<128x128xf32>
    %exp3A_54 = math.exp %neg3A_53 : vector<128x128xf32>
    %add3A_55 = arith.constant 1.000000e+00 : f32
    %add3A_56 = vector.broadcast %add3A_55 : f32 to vector<128x128xf32>
    %add3A_57 = arith.addf %add3A_56, %exp3A_54 : vector<128x128xf32>
    %div3A_58 = arith.constant 1.000000e+00 : f32
    %div3A_59 = vector.broadcast %div3A_58 : f32 to vector<128x128xf32>
    %div3A_60 = arith.divf %div3A_59, %add3A_57 : vector<128x128xf32>
    %mul3A_61 = arith.mulf %div3A_60, %get3A_3 : vector<128x128xf32>
    %add3A_62 = arith.addf %get3A_3, %mul3A_61 : vector<128x128xf32>
    %sub3A_63 = arith.subf %add3A_62, %reduce_sum3A_39 : vector<128x128xf32>
    %get3A_64 = arith.constant 0 : index
    %get3A_65 = arith.constant 0 : index
    %get3A_66 = vector.load %arg10[%get3A_64, %get3A_65] : memref<1x128xf32, #tpu.memory_space<vmem>>, vector<1x128xf32>
    %get3A_67 = arith.constant 0 : index
    %get3A_68 = arith.constant 0 : index
    %get3A_69 = vector.load %arg8[%get3A_67, %get3A_68] : memref<128x128xf32, #tpu.memory_space<vmem>>, vector<128x128xf32>
    %dot_general3A_70 = arith.constant dense<0.000000e+00> : vector<128x128xf32>
    %dot_general3A_71 = tpu.matmul %sub3A_63, %get3A_69, %dot_general3A_70 {dimension_numbers = #tpu.dot_dimension_numbers<[1], [0], [0], [1], [0, 0, 1, 1], [], []>, transpose_lhs_hint = false} : vector<128x128xf32>, vector<128x128xf32>, vector<128x128xf32> -> vector<128x128xf32>
    %get3A_72 = arith.constant 0 : index
    %get3A_73 = arith.constant 0 : index
    %get3A_74 = vector.load %arg9[%get3A_72, %get3A_73] : memref<1x128xf32, #tpu.memory_space<vmem>>, vector<1x128xf32>
    %add3A_75 = vector.broadcast %get3A_74 : vector<1x128xf32> to vector<128x128xf32>
    %add3A_76 = arith.addf %dot_general3A_71, %add3A_75 : vector<128x128xf32>
    %mul3A_77 = vector.broadcast %get3A_66 : vector<1x128xf32> to vector<128x128xf32>
    %mul3A_78 = arith.mulf %mul3A_77, %add3A_76 : vector<128x128xf32>
    %get3A_79 = arith.constant 0 : index
    %get3A_80 = arith.constant 0 : index
    %get3A_81 = vector.load %arg11[%get3A_79, %get3A_80] : memref<1x128xf32, #tpu.memory_space<vmem>>, vector<1x128xf32>
    %add3A_82 = vector.broadcast %get3A_81 : vector<1x128xf32> to vector<128x128xf32>
    %add3A_83 = arith.addf %mul3A_78, %add3A_82 : vector<128x128xf32>
    %max3A_84 = arith.constant 0.000000e+00 : f32
    %max3A_85 = vector.broadcast %max3A_84 : f32 to vector<128x128xf32>
    %max3A_86 = arith.maximumf %add3A_83, %max3A_85 : vector<128x128xf32>
    %get3A_87 = arith.constant 0 : index
    %get3A_88 = arith.constant 0 : index
    %get3A_89 = vector.load %arg14[%get3A_87, %get3A_88] : memref<1x128xf32, #tpu.memory_space<vmem>>, vector<1x128xf32>
    %get3A_90 = arith.constant 0 : index
    %get3A_91 = arith.constant 0 : index
    %get3A_92 = vector.load %arg12[%get3A_90, %get3A_91] : memref<128x128xf32, #tpu.memory_space<vmem>>, vector<128x128xf32>
    %dot_general3A_93 = arith.constant dense<0.000000e+00> : vector<128x128xf32>
    %dot_general3A_94 = tpu.matmul %max3A_86, %get3A_92, %dot_general3A_93 {dimension_numbers = #tpu.dot_dimension_numbers<[1], [0], [0], [1], [0, 0, 1, 1], [], []>, transpose_lhs_hint = false} : vector<128x128xf32>, vector<128x128xf32>, vector<128x128xf32> -> vector<128x128xf32>
    %get3A_95 = arith.constant 0 : index
    %get3A_96 = arith.constant 0 : index
    %get3A_97 = vector.load %arg13[%get3A_95, %get3A_96] : memref<1x128xf32, #tpu.memory_space<vmem>>, vector<1x128xf32>
    %add3A_98 = vector.broadcast %get3A_97 : vector<1x128xf32> to vector<128x128xf32>
    %add3A_99 = arith.addf %dot_general3A_94, %add3A_98 : vector<128x128xf32>
    %mul3A_100 = vector.broadcast %get3A_89 : vector<1x128xf32> to vector<128x128xf32>
    %mul3A_101 = arith.mulf %mul3A_100, %add3A_99 : vector<128x128xf32>
    %get3A_102 = arith.constant 0 : index
    %get3A_103 = arith.constant 0 : index
    %get3A_104 = vector.load %arg15[%get3A_102, %get3A_103] : memref<1x128xf32, #tpu.memory_space<vmem>>, vector<1x128xf32>
    %add3A_105 = vector.broadcast %get3A_104 : vector<1x128xf32> to vector<128x128xf32>
    %add3A_106 = arith.addf %mul3A_101, %add3A_105 : vector<128x128xf32>
    %swap3A = arith.constant 0 : index
    %swap3A_107 = arith.constant 0 : index
    %swap3A_108 = arith.constant 0 : index
    %swap3A_109 = vector.load %arg16[%swap3A, %swap3A_107, %swap3A_108] : memref<1x128x128xf32, #tpu.memory_space<vmem>>, vector<1x128x128xf32>
    %swap3A_110 = vector.shape_cast %swap3A_109 : vector<1x128x128xf32> to vector<128x128xf32>
    %swap3A_111 = vector.shape_cast %add3A_106 : vector<128x128xf32> to vector<1x128x128xf32>
    tpu.vector_store %arg16[%swap3A, %swap3A_107, %swap3A_108], %swap3A_111 {strides = array<i32>} : memref<1x128x128xf32, #tpu.memory_space<vmem>>, vector<1x128x128xf32>,
    return
  }
  func.func @transform_0(%arg0: i32, %arg1: i32) -> (i32, i32, i32) {
    %c0_i32 = arith.constant 0 : i32
    %c0_i32_0 = arith.constant 0 : i32
    return %arg0, %arg1, %c0_i32 : i32, i32, i32
  }
  func.func @transform_1(%arg0: i32, %arg1: i32) -> (i32, i32, i32) {
    %c0_i32 = arith.constant 0 : i32
    %c0_i32_0 = arith.constant 0 : i32
    return %arg0, %arg1, %c0_i32 : i32, i32, i32
  }
  func.func @transform_2(%arg0: i32, %arg1: i32) -> (i32, i32) {
    %c0_i32 = arith.constant 0 : i32
    %c0_i32_0 = arith.constant 0 : i32
    %c0_i32_1 = arith.constant 0 : i32
    return %c0_i32, %c0_i32_0 : i32, i32
  }
  func.func @transform_3(%arg0: i32, %arg1: i32) -> (i32, i32) {
    %c0_i32 = arith.constant 0 : i32
    %c0_i32_0 = arith.constant 0 : i32
    %c0_i32_1 = arith.constant 0 : i32
    return %c0_i32, %c0_i32_0 : i32, i32
  }
  func.func @transform_4(%arg0: i32, %arg1: i32) -> (i32, i32) {
    %c0_i32 = arith.constant 0 : i32
    %c0_i32_0 = arith.constant 0 : i32
    %c0_i32_1 = arith.constant 0 : i32
    return %c0_i32, %c0_i32_0 : i32, i32
  }
  func.func @transform_5(%arg0: i32, %arg1: i32) -> (i32, i32) {
    %c0_i32 = arith.constant 0 : i32
    %c0_i32_0 = arith.constant 0 : i32
    %c0_i32_1 = arith.constant 0 : i32
    return %c0_i32, %c0_i32_0 : i32, i32
  }
  func.func @transform_6(%arg0: i32, %arg1: i32) -> (i32, i32) {
    %c0_i32 = arith.constant 0 : i32
    %c0_i32_0 = arith.constant 0 : i32
    %c0_i32_1 = arith.constant 0 : i32
    return %c0_i32, %c0_i32_0 : i32, i32
  }
  func.func @transform_7(%arg0: i32, %arg1: i32) -> (i32, i32) {
    %c0_i32 = arith.constant 0 : i32
    %c0_i32_0 = arith.constant 0 : i32
    %c0_i32_1 = arith.constant 0 : i32
    return %c0_i32, %c0_i32_0 : i32, i32
  }
  func.func @transform_8(%arg0: i32, %arg1: i32) -> (i32, i32) {
    %c0_i32 = arith.constant 0 : i32
    %c0_i32_0 = arith.constant 0 : i32
    %c0_i32_1 = arith.constant 0 : i32
    return %c0_i32, %c0_i32_0 : i32, i32
  }
  func.func @transform_9(%arg0: i32, %arg1: i32) -> (i32, i32) {
    %c0_i32 = arith.constant 0 : i32
    %c0_i32_0 = arith.constant 0 : i32
    %c0_i32_1 = arith.constant 0 : i32
    return %c0_i32, %c0_i32_0 : i32, i32
  }
  func.func @transform_10(%arg0: i32, %arg1: i32) -> (i32, i32) {
    %c0_i32 = arith.constant 0 : i32
    %c0_i32_0 = arith.constant 0 : i32
    %c0_i32_1 = arith.constant 0 : i32
    return %c0_i32, %c0_i32_0 : i32, i32
  }
  func.func @transform_11(%arg0: i32, %arg1: i32) -> (i32, i32) {
    %c0_i32 = arith.constant 0 : i32
    %c0_i32_0 = arith.constant 0 : i32
    %c0_i32_1 = arith.constant 0 : i32
    return %c0_i32, %c0_i32_0 : i32, i32
  }
  func.func @transform_12(%arg0: i32, %arg1: i32) -> (i32, i32) {
    %c0_i32 = arith.constant 0 : i32
    %c0_i32_0 = arith.constant 0 : i32
    %c0_i32_1 = arith.constant 0 : i32
    return %c0_i32, %c0_i32_0 : i32, i32
  }
  func.func @transform_13(%arg0: i32, %arg1: i32) -> (i32, i32) {
    %c0_i32 = arith.constant 0 : i32
    %c0_i32_0 = arith.constant 0 : i32
    %c0_i32_1 = arith.constant 0 : i32
    return %c0_i32, %c0_i32_0 : i32, i32
  }
  func.func @transform_14(%arg0: i32, %arg1: i32) -> (i32, i32, i32) {
    %c0_i32 = arith.constant 0 : i32
    %c0_i32_0 = arith.constant 0 : i32
    return %arg0, %arg1, %c0_i32 : i32, i32, i32
  }
}

</mosaic_0001>

<sc_bundles>
// kernel: kernel.11.cloned.1.call-start
scs
__scs_entry_jumppad:
0x0: {  	(pc) =	sbr.rel $0x88, $3  }
0x1: {  	(tag) =	ssettag $0x0;
	lr =	simm.s32 $0x1  }
0x2: {  	[smem:$0x3F93] =	sst lr;
	_ =	strace $0xD0000000  }
0x3: {  	_ = 	snop  }
0x4: {  	_ = 	snop  }
0x5: {  	_ = 	snop  }
0x6: {  	_ = 	snop  }
0x7: {  	_ = 	snop  }
__scs_overlays_trampoline_lowered:
0x8: {  	[smem:$0x3FA2] =	sst s0  }
0x9: {  	[smem:$0x3FA3] =	sst s1  }
0xa: {  	[smem:$0x3FA4] =	sst s2  }
0xb: {  	[smem:$0x3FA5] =	sst s3  }
0xc: {  	[smem:$0x3FA6] =	sst s4  }
0xd: {  	[smem:$0x3FA7] =	sst s5  }
0xe: {  	[smem:$0x3FA8] =	sst s6  }
0xf: {  	[smem:$0x3FA9] =	sst s7  }
0x10: {  	[smem:$0x3FAA] =	sst s8  }
0x11: {  	[smem:$0x3FAB] =	sst s9;
	s0 =	simm.s32 @!p0 $0x0  }
0x12: {  	s1 =	sld [smem:$0x3F91];
	s0 =	simm.s32 @p0 $0x1  }
0x13: {  	[smem:$0x3FAC] =	sst s0;
	s0 =	simm.s32 @!p1 $0x0  }
0x14: {  	s2 =	sld [smem:$0x3F90];
	s0 =	simm.s32 @p1 $0x1  }
0x15: {  	[smem:$0x3FAD] =	sst s0;
	s0 =	simm.s32 @!p2 $0x0  }
0x16: {  	s3 =	sld [smem:$0x3FDB];
	s0 =	simm.s32 @p2 $0x1  }
0x17: {  	s4 =	simm.s32 $0x1BF5;
	[smem:$0x3FAF] =	sst s0  }
0x18: {  	s0 =	sld [smem:$0x3F92];
	_ =	swait.ge [sflag:s4], $0x0  }
0x19: {  	s7 =	sld [smem:$0x3F93]  }
0x1a: {  	s8 =	sadd.s32 $0xFFFFE003, lr  }
0x1b: {  	s9 =	sadd.s32 $0xFFFFFEF7, lr;
	s5 =	simm.s32 $0xFFFFFFFF;
	p2 =	slt.u32 s8, $0xFFFFF086  }
0x1c: {  	p1 =	slt.u32 s9, $0xF7A;
	s5 =	simm.s32 @!p2 $0x0  }
0x1d: {  	s5 =	simm.s32 @p1 $0x1;
	p0 =	seq.s32 s7, s2  }
0x1e: {  	s7 =	smul.u32 @!p0 $0xF7A, s2;
	p2 =	seq.s32 @!p0 s5, $0x0  }
0x1f: {  	s9 =	smul.u32 $0xF7A, s1;
	s8 =	simm.s32 @!p0 $0x1BF5;
	p2 =	por !p2, p0  }
0x20: {  	[sflag:s8] =	ssyncset.s32 @!p0 $0xFFFFF086;
	s6 =	sadd.s32 @!p0 s3, s7;
	s7 =	simm.s32 @!p0 $0x108  }
0x21: {  	s3 =	sadd.s32 s3, s9;
	s6 =	sadd.s32 @!p0 $0x88, s6;
	s7 =	simm.s32 @p2 $0x1082  }
0x22: {  	[simem:s7], [sflag:s8] =	dma.local @!p0 [hbm:s6], $0xF7A  }
0x23: {  	s9 =	sor.u32 $0xD0000000, s2;
	s6 =	simm.s32 $0x108;
	_ =	swait.ge @!p0 [sflag:s8], $0x0  }
0x24: {  	s3 =	sadd.s32 $0x88, s3;
	s6 =	simm.s32 @!p1 $0x1082;
	[sflag:s4] =	ssyncset.s32 $0xFFFFF086  }
0x25: {  	[simem:s6], [sflag:s4] =	dma.local [hbm:s3], $0xF7A  }
0x26: {  	[smem:$0x3F93] =	sst s1;
	(tag) =	ssettag s2;
	_ =	strace s9  }
0x27: {  	s1 =	sld [smem:$0x3FA3]  }
0x28: {  	s2 =	sld [smem:$0x3FA4]  }
0x29: {  	s4 =	sld [smem:$0x3FA6]  }
0x2a: {  	p0 =	seq.s32 s5, $0x0;
	s5 =	sld [smem:$0x3FA7]  }
0x2b: {  	s6 =	sld [smem:$0x3FA8]  }
0x2c: {  	s7 =	sld [smem:$0x3FA9]  }
0x2d: {  	s3 =	simm.s32 $0x108;
	s8 =	sld [smem:$0x3FAA]  }
0x2e: {  	s3 =	simm.s32 @!p0 $0x1082;
	s9 =	sld [smem:$0x3FAB]  }
0x2f: {  	lr =	sadd.s32 s0, s3;
	s0 =	sld [smem:$0x3FA2]  }
0x30: {  	s3 =	sld [smem:$0x3FA5]  }
0x31: {  	[smem:$0x3FAE] =	sst s10  }
0x32: {  	s10 =	sld [smem:$0x3FAC];
	_ =	sdelay $0x3  }
0x33: {  	p0 =	seq.s32 s10, $0x1;
	s10 =	sld [smem:$0x3FAE];
	_ =	sdelay $0x3  }
0x34: {  	[smem:$0x3FAE] =	sst s10  }
0x35: {  	s10 =	sld [smem:$0x3FAD];
	_ =	sdelay $0x3  }
0x36: {  	p1 =	seq.s32 s10, $0x1;
	s10 =	sld [smem:$0x3FAE];
	_ =	sdelay $0x3  }
0x37: {  	[smem:$0x3FAE] =	sst s10  }
0x38: {  	s10 =	sld [smem:$0x3FAF]  }
0x39: {  	_ = 	snop;
	(pc) =	sbr.ind lr, $3  }
0x3a: {  	_ = 	snop  }
0x3b: {  	_ = 	snop  }
0x3c: {  	p2 =	seq.s32 s10, $0x1;
	s10 =	sld [smem:$0x3FAE]  }
0x3d: {  	_ =	shalt  }
0x3e: {  	_ =	shalt  }
0x3f: {  	_ =	shalt  }
0x40: {  	_ =	shalt  }
0x41: {  	_ =	shalt  }
0x42: {  	_ =	shalt  }
0x43: {  	_ =	shalt  }
0x44: {  	_ =	shalt  }
0x45: {  	_ =	shalt  }
0x46: {  	_ =	shalt  }
0x47: {  	_ =	shalt  }
0x48: {  	_ =	shalt  }
0x49: {  	_ =	shalt  }
0x4a: {  	_ =	shalt  }
0x4b: {  	_ =	shalt  }
0x4c: {  	_ =	shalt  }
0x4d: {  	_ =	shalt  }
0x4e: {  	_ =	shalt  }
0x4f: {  	_ =	shalt  }
0x50: {  	_ =	shalt  }
0x51: {  	_ =	shalt  }
0x52: {  	_ =	shalt  }
0x53: {  	_ =	shalt  }
0x54: {  	_ =	shalt  }
0x55: {  	_ =	shalt  }
0x56: {  	_ =	shalt  }
0x57: {  	_ =	shalt  }
0x58: {  	_ =	shalt  }
0x59: {  	_ =	shalt  }
0x5a: {  	_ =	shalt  }
0x5b: {  	_ =	shalt  }
0x5c: {  	_ =	shalt  }
0x5d: {  	_ =	shalt  }
0x5e: {  	_ =	shalt  }
0x5f: {  	_ =	shalt  }
0x60: {  	_ =	shalt  }
0x61: {  	_ =	shalt  }
0x62: {  	_ =	shalt  }
0x63: {  	_ =	shalt  }
0x64: {  	_ =	shalt  }
0x65: {  	_ =	shalt  }
0x66: {  	_ =	shalt  }
0x67: {  	_ =	shalt  }
0x68: {  	_ =	shalt  }
0x69: {  	_ =	shalt  }
0x6a: {  	_ =	shalt  }
0x6b: {  	_ =	shalt  }
0x6c: {  	_ =	shalt  }
0x6d: {  	_ =	shalt  }
0x6e: {  	_ =	shalt  }
0x6f: {  	_ =	shalt  }
0x70: {  	_ =	shalt  }
0x71: {  	_ =	shalt  }
0x72: {  	_ =	shalt  }
0x73: {  	_ =	shalt  }
0x74: {  	_ =	shalt  }
0x75: {  	_ =	shalt  }
0x76: {  	_ =	shalt  }
0x77: {  	_ =	shalt  }
0x78: {  	_ =	shalt  }
0x79: {  	_ =	shalt  }
0x7a: {  	_ =	shalt  }
0x7b: {  	_ =	shalt  }
0x7c: {  	_ =	shalt  }
0x7d: {  	_ =	shalt  }
0x7e: {  	_ =	shalt  }
0x7f: {  	_ =	shalt  }
0x80: {  	_ =	shalt  }
0x81: {  	_ =	shalt  }
0x82: {  	_ =	shalt  }
0x83: {  	_ =	shalt  }
0x84: {  	_ =	shalt  }
0x85: {  	_ =	shalt  }
0x86: {  	_ =	shalt  }
0x87: {  	_ =	shalt  }
.Lfunc_end0:
.L_simem_size_0:
called_computation.1_lowered:
.L_overlay_start_0:
0x88: {  	s2 =	sld [smem:$0x3FD9]  }
0x89: {  	s3 =	sld [smem:$0x3FFE];
	_ =	sdelay $0x1  }
0x8a: {  	s1 =	srdreg.scid  }
0x8b: {  	s0 =	sand.u32 $0x1, s1  }
0x8c: {  	s16 =	sshll.u32 s0, $0xA;
	s2 =	sadd.s32 s3, s2  }
0x8d: {  	s2 =	sadd.s32 s2, s16  }
0x8e: {  	[smem:$0x3FBA] =	sst s2  }
0x8f: {  	_ = 	snop  }
0x90: {  	(tm) =	ssettm $0x1  }
0x91: {  	s17 =	sld [smem:$0x3FFB];
	_ =	sdelay $0x3  }
0x92: {  	_ =	strace s17  }
0x93: {  	s2 =	sld [smem:$0x3FFC];
	_ =	sdelay $0x3  }
0x94: {  	_ =	strace s2  }
0x95: {  	s2 =	sld [smem:$0x3FFD];
	_ =	sdelay $0x3  }
0x96: {  	_ =	strace s2  }
0x97: {  	_ =	strace $0x8FFFFFFF  }
0x98: {  	s18 =	sld [smem:$0x3FDB];
	_ =	sdelay $0x1  }
0x99: {  	s19 =	simm.s32 $_scs_section_size  }
0x9a: {  	s4 =	simm.s32 $_size__tile_overlayer_lowered;
	s5 =	simm.s32 $_tile_overlayer_lowered  }
0x9b: {  	s22 =	simm.s32 $0x1BFF;
	s21 =	sshll.u32 s5, $0x1;
	s2 =	sadd.s32 s19, s18  }
0x9c: {  	s6 =	simm.s32 $0x0;
	s20 =	sshll.u32 s4, $0x1;
	s4 =	sadd.s32 s21, s2  }
0x9d: {  	[timem:s6], [sflag:s22] =	dma.local [hbm:s4], s20  }
0x9e: {  	_ =	swait.ge [sflag:s22], s20  }
0x9f: {  	s3 =	ssub.s32 $0x0, s20;
	[sflag:s22] =	ssyncset.done $0x0  }
0xa0: {  	[sflag:s22] =	ssyncadd.s32 s3;
	_ =	sdelay $0x1  }
0xa1: {  	s23 =	simm.s32 $0x1B8B  }
0xa2: {  	_ =	swait.ge [sflag:s23], $0x1  }
0xa3: {  	[sflag:s23] =	ssyncset.done $0x0  }
0xa4: {  	s25 =	simm.s32 $0x1B8E;
	s24 =	sld [smem:$0x3FFE];
	[sflag:s23] =	ssyncadd.s32 $0xFFFFFFFF  }
0xa5: {  	s26 =	simm.s32 $execute0_lowered;
	[smem:$0x3FD2] =	sst s25  }
0xa6: {  	s4 =	sshll.u32 s26, $0x1;
	_ =	strace $0x80000046;
	[dreg:$0x1] =	wrdreg $0xFFFFFFFF  }
0xa7: {  	s28 =	simm.s32 $_size_execute0_lowered;
	s2 =	sadd.s32 s2, s4;
	[dreg:$0x0] =	wrdreg $0x0  }
0xa8: {  	s4 =	sshll.u32 s28, $0x1;
	[dreg:$0x2] =	wrdreg s2  }
0xa9: {  	[dreg:$0x3] =	wrdreg s4  }
0xaa: {  	[dreg:$0x4] =	wrdreg $0xC0  }
0xab: {  	_ =	task [dreg:s6], $0x5FFFF  }
0xac: {  	[dreg:$0x1] =	wrdreg $0xFFFFFFFF  }
0xad: {  	[dreg:$0x0] =	wrdreg $0x60  }
0xae: {  	[dreg:$0x2] =	wrdreg s24  }
0xaf: {  	[dreg:$0x3] =	wrdreg $0xA  }
0xb0: {  	_ =	task.clear_ibuf [dreg:s6], $0x4FFFF;
	_ =	strace $0x90000046  }
0xb1: {  	s29 =	simm.s32 $0xA;
	_ =	strace $0x80000048  }
0xb2: {  	_ =	swait.ge [sflag:s29], $0x1  }
0xb3: {  	[sflag:s29] =	ssyncadd.s32 $0xFFFFFFFF  }
0xb4: {  	_ =	strace $0x90000048  }
0xb5: {  	_ =	sfence  }
0xb6: {  	s30 =	sld [smem:$0x0];
	_ =	sdelay $0x2  }
0xb7: {  	s31 =	sshll.u32 s1, $0xD;
	s1 =	sshrl.u32 s1, $0x2  }
0xb8: {  	s3 =	sand.u32 $0x4000, s31;
	s1 =	sadd.s32 s1, s30  }
0xb9: {  	s0 =	sor.u32 s3, s0;
	s1 =	sshll.u32 s1, $0x11  }
0xba: {  	s0 =	sor.u32 s1, s0  }
0xbb: {  	s0 =	sadd.s32 $0x8F2B, s0  }
0xbc: {  	[sflag:s0] =	ssyncadd.remote.s32 $0x1  }
0xbd: {  	_ =	sfence.sel $0xFFFF  }
0xbe: {  	[dreg:$0x0] =	wrdreg $0xFFFFFFFF;
	(pc) =	sbr.abs _section_cstart, $3  }
0xbf: {  	[dreg:$0x1] =	wrdreg $0xFFFFFFFF  }
0xc0: {  	_ =	task.clear_ibuf [dreg:s6], $0x2FFFF;
	_ =	strace $0x9FFFFFFF  }
0xc1: {  	(tm) =	ssettm $0x7FFFFFFF  }
tec
execute0_lowered:
.L_overlay_start_1:
0x0: {  	(tag) =	ssettag $0x1  }
0x1: {  	s1 =	srdreg.scid  }
0x2: {  	s0 =	stileid.u32;
	s1 =	sand.u32 $0x1, s1  }
0x3: {  	s2 =	sshll.u32 s0, $0xC;
	s3 =	sshll.u32 s1, $0xB  }
0x4: {  	s3 =	sor.u32 s3, s2  }
0x5: {  	s4 =	rddreg [dreg:$0x0];
	s5 =	sshrl.u32 s3, $0x3  }
0x6: {  	s2 =	simm.s32 $0x0;
	s3 =	sshll.u32 s3, $0x4;
	s5 =	sadd.s32 s5, s4  }
0x7: {  	[smem:$0x7FF] =	sst s2;
	s31 =	sadd.s32 s3, s4;
	s14 =	sadd.s32 $0x12C00, s5  }
0x8: {  	_ =	strace $0x80000047;
	s15 =	sadd.s32 $0x14C00, s31;
	[dreg:$0x2] =	wrdreg s14  }
0x9: {  	s16 =	sadd.s32 $0x15400, s31;
	[dreg:$0x3] =	wrdreg s15  }
0xa: {  	s17 =	sadd.s32 $0x15C00, s31;
	[dreg:$0x4] =	wrdreg s16  }
0xb: {  	s18 =	sadd.s32 $0x16400, s31;
	[dreg:$0x5] =	wrdreg s17  }
0xc: {  	s19 =	sadd.s32 $0x16C00, s31;
	[dreg:$0x6] =	wrdreg s18  }
0xd: {  	s20 =	sadd.s32 $0x17400, s31;
	[dreg:$0x7] =	wrdreg s19  }
0xe: {  	s21 =	sadd.s32 $0x17C00, s31;
	[dreg:$0x8] =	wrdreg s20  }
0xf: {  	s22 =	sadd.s32 $0x18400, s31;
	[dreg:$0x9] =	wrdreg s21  }
0x10: {  	s23 =	sadd.s32 $0x18C00, s31;
	[dreg:$0xa] =	wrdreg s22  }
0x11: {  	s24 =	sadd.s32 $0x19400, s31;
	[dreg:$0xb] =	wrdreg s23  }
0x12: {  	s26 =	sadd.s32 $0x19C00, s31;
	[dreg:$0xc] =	wrdreg s24  }
0x13: {  	[dreg:$0xd] =	wrdreg s26  }
0x14: {  	s3 =	simm.s32 $0x5;
	s25 =	rddreg [dreg:$0x2]  }
0x15: {  	[tilespmem:s2], [sflag:$0x5] =	stream.linear.gather [hbm4b:s25+s2], $0x800, $0x38;
	[tilespmem:$0x8800] =	vst v63  }
0x16: {  	_ =	swait.ge [sflag:s3], $0x800  }
0x17: {  	s6 =	simm.s32 $0x800;
	[sflag:s3] =	ssyncset.done $0x0  }
0x18: {  	s4 =	sadd.s32 $0x2C00, s4;
	s5 =	simm.s32 $0x80;
	[sflag:s3] =	ssyncadd.s32 $0xFFFFF800  }
0x19: {  	[tilespmem:s6], [sflag:$0x1] =	stream.indirect.gather [hbm4b:s4+s5], $0x80, s2, s5, $0xb8;
	[tilespmem:$0x8800] =	vst v63  }
0x1a: {  	s7 =	simm.s32 $0x4800;
	s8 =	simm.s32 $0x1  }
0x1b: {  	[tilespmem:s7], [sflag:$0x2] =	stream.indirect.gather [hbm4b:s4+s5], $0x80, s5, s5, $0xb8;
	[tilespmem:$0x8800] =	vst v63  }
0x1c: {  	_ =	swait.ge [sflag:s8], $0x4000  }
0x1d: {  	[sflag:s8] =	ssyncset.done $0x0  }
0x1e: {  	s9 =	simm.s32 $0x3;
	s10 =	rddreg [dreg:$0x3];
	[sflag:s8] =	ssyncadd.s32 $0xFFFFC000  }
0x1f: {  	[hbm4b:s10+s2] =	stream.linear.scatter [tilespmem:s6], [sflag:$0x3], $0x4000, $0x38;
	[tilespmem:$0x8800] =	vst v63  }
0x20: {  	_ =	swait.ge [sflag:s9], $0x4000  }
0x21: {  	[sflag:s9] =	ssyncset.done $0x0  }
0x22: {  	s11 =	simm.s32 $0x2;
	s10 =	simm.s32 $0x100;
	[sflag:s9] =	ssyncadd.s32 $0xFFFFC000  }
0x23: {  	[tilespmem:s6], [sflag:$0x1] =	stream.indirect.gather [hbm4b:s4+s5], $0x80, s10, s5, $0xb8;
	[tilespmem:$0x8800] =	vst v63  }
0x24: {  	_ =	swait.ge [sflag:s11], $0x4000  }
0x25: {  	[sflag:s11] =	ssyncset.done $0x0  }
0x26: {  	s12 =	simm.s32 $0x4;
	s13 =	rddreg [dreg:$0x4];
	[sflag:s11] =	ssyncadd.s32 $0xFFFFC000  }
0x27: {  	[hbm4b:s13+s2] =	stream.linear.scatter [tilespmem:s7], [sflag:$0x4], $0x4000, $0x38;
	[tilespmem:$0x8800] =	vst v63  }
0x28: {  	_ =	swait.ge [sflag:s12], $0x4000  }
0x29: {  	[sflag:s12] =	ssyncset.done $0x0  }
0x2a: {  	s13 =	simm.s32 $0x180;
	[sflag:s12] =	ssyncadd.s32 $0xFFFFC000  }
0x2b: {  	[tilespmem:s7], [sflag:$0x2] =	stream.indirect.gather [hbm4b:s4+s5], $0x80, s13, s5, $0xb8;
	[tilespmem:$0x8800] =	vst v63  }
0x2c: {  	_ =	swait.ge [sflag:s8], $0x4000  }
0x2d: {  	[sflag:s8] =	ssyncset.done $0x0  }
0x2e: {  	s14 =	rddreg [dreg:$0x5];
	[sflag:s8] =	ssyncadd.s32 $0xFFFFC000  }
0x2f: {  	[hbm4b:s14+s2] =	stream.linear.scatter [tilespmem:s6], [sflag:$0x3], $0x4000, $0x38;
	[tilespmem:$0x8800] =	vst v63  }
0x30: {  	_ =	swait.ge [sflag:s9], $0x4000  }
0x31: {  	[sflag:s9] =	ssyncset.done $0x0  }
0x32: {  	s14 =	simm.s32 $0x200;
	[sflag:s9] =	ssyncadd.s32 $0xFFFFC000  }
0x33: {  	[tilespmem:s6], [sflag:$0x1] =	stream.indirect.gather [hbm4b:s4+s5], $0x80, s14, s5, $0xb8;
	[tilespmem:$0x8800] =	vst v63  }
0x34: {  	_ =	swait.ge [sflag:s11], $0x4000  }
0x35: {  	[sflag:s11] =	ssyncset.done $0x0  }
0x36: {  	s15 =	rddreg [dreg:$0x6];
	[sflag:s11] =	ssyncadd.s32 $0xFFFFC000  }
0x37: {  	[hbm4b:s15+s2] =	stream.linear.scatter [tilespmem:s7], [sflag:$0x4], $0x4000, $0x38;
	[tilespmem:$0x8800] =	vst v63  }
0x38: {  	_ =	swait.ge [sflag:s12], $0x4000  }
0x39: {  	[sflag:s12] =	ssyncset.done $0x0  }
0x3a: {  	s15 =	simm.s32 $0x280;
	[sflag:s12] =	ssyncadd.s32 $0xFFFFC000  }
0x3b: {  	[tilespmem:s7], [sflag:$0x2] =	stream.indirect.gather [hbm4b:s4+s5], $0x80, s15, s5, $0xb8;
	[tilespmem:$0x8800] =	vst v63  }
0x3c: {  	_ =	swait.ge [sflag:s8], $0x4000  }
0x3d: {  	[sflag:s8] =	ssyncset.done $0x0  }
0x3e: {  	s16 =	rddreg [dreg:$0x7];
	[sflag:s8] =	ssyncadd.s32 $0xFFFFC000  }
0x3f: {  	[hbm4b:s16+s2] =	stream.linear.scatter [tilespmem:s6], [sflag:$0x3], $0x4000, $0x38;
	[tilespmem:$0x8800] =	vst v63  }
0x40: {  	_ =	swait.ge [sflag:s9], $0x4000  }
0x41: {  	[sflag:s9] =	ssyncset.done $0x0  }
0x42: {  	s16 =	simm.s32 $0x300;
	[sflag:s9] =	ssyncadd.s32 $0xFFFFC000  }
0x43: {  	[tilespmem:s6], [sflag:$0x1] =	stream.indirect.gather [hbm4b:s4+s5], $0x80, s16, s5, $0xb8;
	[tilespmem:$0x8800] =	vst v63  }
0x44: {  	_ =	swait.ge [sflag:s11], $0x4000  }
0x45: {  	[sflag:s11] =	ssyncset.done $0x0  }
0x46: {  	s17 =	rddreg [dreg:$0x8];
	[sflag:s11] =	ssyncadd.s32 $0xFFFFC000  }
0x47: {  	[hbm4b:s17+s2] =	stream.linear.scatter [tilespmem:s7], [sflag:$0x4], $0x4000, $0x38;
	[tilespmem:$0x8800] =	vst v63  }
0x48: {  	_ =	swait.ge [sflag:s12], $0x4000  }
0x49: {  	[sflag:s12] =	ssyncset.done $0x0  }
0x4a: {  	s17 =	simm.s32 $0x380;
	[sflag:s12] =	ssyncadd.s32 $0xFFFFC000  }
0x4b: {  	[tilespmem:s7], [sflag:$0x2] =	stream.indirect.gather [hbm4b:s4+s5], $0x80, s17, s5, $0xb8;
	[tilespmem:$0x8800] =	vst v63  }
0x4c: {  	_ =	swait.ge [sflag:s8], $0x4000  }
0x4d: {  	[sflag:s8] =	ssyncset.done $0x0  }
0x4e: {  	s18 =	rddreg [dreg:$0x9];
	[sflag:s8] =	ssyncadd.s32 $0xFFFFC000  }
0x4f: {  	[hbm4b:s18+s2] =	stream.linear.scatter [tilespmem:s6], [sflag:$0x3], $0x4000, $0x38;
	[tilespmem:$0x8800] =	vst v63  }
0x50: {  	_ =	swait.ge [sflag:s9], $0x4000  }
0x51: {  	[sflag:s9] =	ssyncset.done $0x0  }
0x52: {  	s18 =	simm.s32 $0x400;
	[sflag:s9] =	ssyncadd.s32 $0xFFFFC000  }
0x53: {  	[tilespmem:s6], [sflag:$0x1] =	stream.indirect.gather [hbm4b:s4+s5], $0x80, s18, s5, $0xb8;
	[tilespmem:$0x8800] =	vst v63  }
0x54: {  	_ =	swait.ge [sflag:s11], $0x4000  }
0x55: {  	[sflag:s11] =	ssyncset.done $0x0  }
0x56: {  	s19 =	rddreg [dreg:$0xa];
	[sflag:s11] =	ssyncadd.s32 $0xFFFFC000  }
0x57: {  	[hbm4b:s19+s2] =	stream.linear.scatter [tilespmem:s7], [sflag:$0x4], $0x4000, $0x38;
	[tilespmem:$0x8800] =	vst v63  }
0x58: {  	_ =	swait.ge [sflag:s12], $0x4000  }
0x59: {  	[sflag:s12] =	ssyncset.done $0x0  }
0x5a: {  	s19 =	simm.s32 $0x480;
	[sflag:s12] =	ssyncadd.s32 $0xFFFFC000  }
0x5b: {  	[tilespmem:s7], [sflag:$0x2] =	stream.indirect.gather [hbm4b:s4+s5], $0x80, s19, s5, $0xb8;
	[tilespmem:$0x8800] =	vst v63  }
0x5c: {  	_ =	swait.ge [sflag:s8], $0x4000  }
0x5d: {  	[sflag:s8] =	ssyncset.done $0x0  }
0x5e: {  	s20 =	rddreg [dreg:$0xb];
	[sflag:s8] =	ssyncadd.s32 $0xFFFFC000  }
0x5f: {  	[hbm4b:s20+s2] =	stream.linear.scatter [tilespmem:s6], [sflag:$0x3], $0x4000, $0x38;
	[tilespmem:$0x8800] =	vst v63  }
0x60: {  	_ =	swait.ge [sflag:s9], $0x4000  }
0x61: {  	[sflag:s9] =	ssyncset.done $0x0  }
0x62: {  	s20 =	simm.s32 $0x500;
	[sflag:s9] =	ssyncadd.s32 $0xFFFFC000  }
0x63: {  	[tilespmem:s6], [sflag:$0x1] =	stream.indirect.gather [hbm4b:s4+s5], $0x80, s20, s5, $0xb8;
	[tilespmem:$0x8800] =	vst v63  }
0x64: {  	_ =	swait.ge [sflag:s11], $0x4000  }
0x65: {  	[sflag:s11] =	ssyncset.done $0x0  }
0x66: {  	s21 =	rddreg [dreg:$0xc];
	[sflag:s11] =	ssyncadd.s32 $0xFFFFC000  }
0x67: {  	[hbm4b:s21+s2] =	stream.linear.scatter [tilespmem:s7], [sflag:$0x4], $0x4000, $0x38;
	[tilespmem:$0x8800] =	vst v63  }
0x68: {  	_ =	swait.ge [sflag:s12], $0x4000  }
0x69: {  	[sflag:s12] =	ssyncset.done $0x0  }
0x6a: {  	s21 =	simm.s32 $0x580;
	[sflag:s12] =	ssyncadd.s32 $0xFFFFC000  }
0x6b: {  	[tilespmem:s7], [sflag:$0x2] =	stream.indirect.gather [hbm4b:s4+s5], $0x80, s21, s5, $0xb8;
	[tilespmem:$0x8800] =	vst v63  }
0x6c: {  	_ =	swait.ge [sflag:s8], $0x4000  }
0x6d: {  	[sflag:s8] =	ssyncset.done $0x0  }
0x6e: {  	s22 =	rddreg [dreg:$0xd];
	[sflag:s8] =	ssyncadd.s32 $0xFFFFC000  }
0x6f: {  	[hbm4b:s22+s2] =	stream.linear.scatter [tilespmem:s6], [sflag:$0x3], $0x4000, $0x38;
	[tilespmem:$0x8800] =	vst v63  }
0x70: {  	_ =	swait.ge [sflag:s9], $0x4000  }
0x71: {  	[sflag:s9] =	ssyncset.done $0x0  }
0x72: {  	s22 =	simm.s32 $0x600;
	[sflag:s9] =	ssyncadd.s32 $0xFFFFC000  }
0x73: {  	[tilespmem:s6], [sflag:$0x1] =	stream.indirect.gather [hbm4b:s4+s5], $0x80, s22, s5, $0xb8;
	[tilespmem:$0x8800] =	vst v63  }
0x74: {  	_ =	swait.ge [sflag:s11], $0x4000  }
0x75: {  	[sflag:s11] =	ssyncset.done $0x0  }
0x76: {  	s23 =	sadd.s32 $0x1A400, s31;
	[sflag:s11] =	ssyncadd.s32 $0xFFFFC000  }
0x77: {  	[hbm4b:s23+s2] =	stream.linear.scatter [tilespmem:s7], [sflag:$0x4], $0x4000, $0x38;
	[tilespmem:$0x8800] =	vst v63  }
0x78: {  	_ =	swait.ge [sflag:s12], $0x4000  }
0x79: {  	[sflag:s12] =	ssyncset.done $0x0  }
0x7a: {  	s24 =	simm.s32 $0x680;
	[sflag:s12] =	ssyncadd.s32 $0xFFFFC000  }
0x7b: {  	[tilespmem:s7], [sflag:$0x2] =	stream.indirect.gather [hbm4b:s4+s5], $0x80, s24, s5, $0xb8;
	[tilespmem:$0x8800] =	vst v63  }
0x7c: {  	_ =	swait.ge [sflag:s8], $0x4000  }
0x7d: {  	[sflag:s8] =	ssyncset.done $0x0  }
0x7e: {  	s25 =	sadd.s32 $0x1AC00, s31;
	[sflag:s8] =	ssyncadd.s32 $0xFFFFC000  }
0x7f: {  	[hbm4b:s25+s2] =	stream.linear.scatter [tilespmem:s6], [sflag:$0x3], $0x4000, $0x38;
	[tilespmem:$0x8800] =	vst v63  }
0x80: {  	_ =	swait.ge [sflag:s9], $0x4000  }
0x81: {  	[sflag:s9] =	ssyncset.done $0x0  }
0x82: {  	s26 =	simm.s32 $0x700;
	[sflag:s9] =	ssyncadd.s32 $0xFFFFC000  }
0x83: {  	[tilespmem:s6], [sflag:$0x1] =	stream.indirect.gather [hbm4b:s4+s5], $0x80, s26, s5, $0xb8;
	[tilespmem:$0x8800] =	vst v63  }
0x84: {  	_ =	swait.ge [sflag:s11], $0x4000  }
0x85: {  	[sflag:s11] =	ssyncset.done $0x0  }
0x86: {  	s28 =	sadd.s32 $0x1B400, s31;
	[sflag:s11] =	ssyncadd.s32 $0xFFFFC000  }
0x87: {  	[hbm4b:s28+s2] =	stream.linear.scatter [tilespmem:s7], [sflag:$0x4], $0x4000, $0x38;
	[tilespmem:$0x8800] =	vst v63  }
0x88: {  	_ =	swait.ge [sflag:s12], $0x4000  }
0x89: {  	[sflag:s12] =	ssyncset.done $0x0  }
0x8a: {  	s29 =	simm.s32 $0x780;
	[sflag:s12] =	ssyncadd.s32 $0xFFFFC000  }
0x8b: {  	[tilespmem:s7], [sflag:$0x2] =	stream.indirect.gather [hbm4b:s4+s5], $0x80, s29, s5, $0xb8;
	[tilespmem:$0x8800] =	vst v63  }
0x8c: {  	_ =	swait.ge [sflag:s8], $0x4000  }
0x8d: {  	s1 =	ssub.s32 $0x2, s1;
	[sflag:s8] =	ssyncset.done $0x0  }
0x8e: {  	s0 =	sshrl.u32 s1, $0x1;
	s30 =	sadd.s32 $0x1BC00, s31;
	[sflag:s8] =	ssyncadd.s32 $0xFFFFC000  }
0x8f: {  	[hbm4b:s30+s2] =	stream.linear.scatter [tilespmem:s6], [sflag:$0x3], $0x4000, $0x38;
	[tilespmem:$0x8800] =	vst v63  }
0x90: {  	s0 =	ssub.s32 s1, s0;
	_ =	swait.ge [sflag:s11], $0x4000  }
0x91: {  	s0 =	smax.u32 s0, $0x1;
	[sflag:s11] =	ssyncset.done $0x0  }
0x92: {  	p0 =	sne.s32 s0, $0x1;
	s31 =	sadd.s32 $0x1C400, s31;
	[sflag:s11] =	ssyncadd.s32 $0xFFFFC000  }
0x93: {  	[hbm4b:s31+s2] =	stream.linear.scatter [tilespmem:s7], [sflag:$0x4], $0x4000, $0x38;
	[tilespmem:$0x8800] =	vst v63  }
.Ltmp0:
0x94: {  	_ =	swait.ge [sflag:s9], $0x4000;
	(pc) =	sbr.rel @!p0 .LBB2_2-.Ltmp0, $4  }
0x95: {  	[sflag:s9] =	ssyncset.done $0x0  }
0x96: {  	[sflag:s9] =	ssyncadd.s32 $0xFFFFC000  }
0x97: {  	_ =	swait.ge [sflag:s12], $0x4000  }
0x98: {  	s1 =	sadd.s32 $0xFFFFFFFF, s0;
	[sflag:s12] =	ssyncset.done $0x0  }
.LBB2_1:
0x99: {  	s0 =	rddreg [dreg:$0x2];
	[sflag:s12] =	ssyncadd.s32 $0xFFFFC000  }
0x9a: {  	[tilespmem:s2], [sflag:$0x5] =	stream.linear.gather [hbm4b:s0+s2], $0x800, $0x38;
	[tilespmem:$0x8800] =	vst v63  }
0x9b: {  	_ =	swait.ge [sflag:s3], $0x800  }
0x9c: {  	[sflag:s3] =	ssyncset.done $0x0  }
0x9d: {  	[sflag:s3] =	ssyncadd.s32 $0xFFFFF800  }
0x9e: {  	[tilespmem:s6], [sflag:$0x1] =	stream.indirect.gather [hbm4b:s4+s5], $0x80, s2, s5, $0xb8;
	[tilespmem:$0x8800] =	vst v63  }
0x9f: {  	_ = 	snop  }
0xa0: {  	[tilespmem:s7], [sflag:$0x2] =	stream.indirect.gather [hbm4b:s4+s5], $0x80, s5, s5, $0xb8;
	[tilespmem:$0x8800] =	vst v63  }
0xa1: {  	_ =	swait.ge [sflag:s8], $0x4000  }
0xa2: {  	[sflag:s8] =	ssyncset.done $0x0  }
0xa3: {  	s0 =	rddreg [dreg:$0x3];
	[sflag:s8] =	ssyncadd.s32 $0xFFFFC000  }
0xa4: {  	[hbm4b:s0+s2] =	stream.linear.scatter [tilespmem:s6], [sflag:$0x3], $0x4000, $0x38;
	[tilespmem:$0x8800] =	vst v63  }
0xa5: {  	_ =	swait.ge [sflag:s9], $0x4000  }
0xa6: {  	[sflag:s9] =	ssyncset.done $0x0  }
0xa7: {  	[sflag:s9] =	ssyncadd.s32 $0xFFFFC000  }
0xa8: {  	[tilespmem:s6], [sflag:$0x1] =	stream.indirect.gather [hbm4b:s4+s5], $0x80, s10, s5, $0xb8;
	[tilespmem:$0x8800] =	vst v63  }
0xa9: {  	_ =	swait.ge [sflag:s11], $0x4000  }
0xaa: {  	[sflag:s11] =	ssyncset.done $0x0  }
0xab: {  	s0 =	rddreg [dreg:$0x4];
	[sflag:s11] =	ssyncadd.s32 $0xFFFFC000  }
0xac: {  	[hbm4b:s0+s2] =	stream.linear.scatter [tilespmem:s7], [sflag:$0x4], $0x4000, $0x38;
	[tilespmem:$0x8800] =	vst v63  }
0xad: {  	_ =	swait.ge [sflag:s12], $0x4000  }
0xae: {  	[sflag:s12] =	ssyncset.done $0x0  }
0xaf: {  	[sflag:s12] =	ssyncadd.s32 $0xFFFFC000  }
0xb0: {  	[tilespmem:s7], [sflag:$0x2] =	stream.indirect.gather [hbm4b:s4+s5], $0x80, s13, s5, $0xb8;
	[tilespmem:$0x8800] =	vst v63  }
0xb1: {  	_ =	swait.ge [sflag:s8], $0x4000  }
0xb2: {  	[sflag:s8] =	ssyncset.done $0x0  }
0xb3: {  	s0 =	rddreg [dreg:$0x5];
	[sflag:s8] =	ssyncadd.s32 $0xFFFFC000  }
0xb4: {  	[hbm4b:s0+s2] =	stream.linear.scatter [tilespmem:s6], [sflag:$0x3], $0x4000, $0x38;
	[tilespmem:$0x8800] =	vst v63  }
0xb5: {  	_ =	swait.ge [sflag:s9], $0x4000  }
0xb6: {  	[sflag:s9] =	ssyncset.done $0x0  }
0xb7: {  	[sflag:s9] =	ssyncadd.s32 $0xFFFFC000  }
0xb8: {  	[tilespmem:s6], [sflag:$0x1] =	stream.indirect.gather [hbm4b:s4+s5], $0x80, s14, s5, $0xb8;
	[tilespmem:$0x8800] =	vst v63  }
0xb9: {  	_ =	swait.ge [sflag:s11], $0x4000  }
0xba: {  	[sflag:s11] =	ssyncset.done $0x0  }
0xbb: {  	s0 =	rddreg [dreg:$0x6];
	[sflag:s11] =	ssyncadd.s32 $0xFFFFC000  }
0xbc: {  	[hbm4b:s0+s2] =	stream.linear.scatter [tilespmem:s7], [sflag:$0x4], $0x4000, $0x38;
	[tilespmem:$0x8800] =	vst v63  }
0xbd: {  	_ =	swait.ge [sflag:s12], $0x4000  }
0xbe: {  	[sflag:s12] =	ssyncset.done $0x0  }
0xbf: {  	[sflag:s12] =	ssyncadd.s32 $0xFFFFC000  }
0xc0: {  	[tilespmem:s7], [sflag:$0x2] =	stream.indirect.gather [hbm4b:s4+s5], $0x80, s15, s5, $0xb8;
	[tilespmem:$0x8800] =	vst v63  }
0xc1: {  	_ =	swait.ge [sflag:s8], $0x4000  }
0xc2: {  	[sflag:s8] =	ssyncset.done $0x0  }
0xc3: {  	s0 =	rddreg [dreg:$0x7];
	[sflag:s8] =	ssyncadd.s32 $0xFFFFC000  }
0xc4: {  	[hbm4b:s0+s2] =	stream.linear.scatter [tilespmem:s6], [sflag:$0x3], $0x4000, $0x38;
	[tilespmem:$0x8800] =	vst v63  }
0xc5: {  	_ =	swait.ge [sflag:s9], $0x4000  }
0xc6: {  	[sflag:s9] =	ssyncset.done $0x0  }
0xc7: {  	[sflag:s9] =	ssyncadd.s32 $0xFFFFC000  }
0xc8: {  	[tilespmem:s6], [sflag:$0x1] =	stream.indirect.gather [hbm4b:s4+s5], $0x80, s16, s5, $0xb8;
	[tilespmem:$0x8800] =	vst v63  }
0xc9: {  	_ =	swait.ge [sflag:s11], $0x4000  }
0xca: {  	[sflag:s11] =	ssyncset.done $0x0  }
0xcb: {  	s0 =	rddreg [dreg:$0x8];
	[sflag:s11] =	ssyncadd.s32 $0xFFFFC000  }
0xcc: {  	[hbm4b:s0+s2] =	stream.linear.scatter [tilespmem:s7], [sflag:$0x4], $0x4000, $0x38;
	[tilespmem:$0x8800] =	vst v63  }
0xcd: {  	_ =	swait.ge [sflag:s12], $0x4000  }
0xce: {  	[sflag:s12] =	ssyncset.done $0x0  }
0xcf: {  	[sflag:s12] =	ssyncadd.s32 $0xFFFFC000  }
0xd0: {  	[tilespmem:s7], [sflag:$0x2] =	stream.indirect.gather [hbm4b:s4+s5], $0x80, s17, s5, $0xb8;
	[tilespmem:$0x8800] =	vst v63  }
0xd1: {  	_ =	swait.ge [sflag:s8], $0x4000  }
0xd2: {  	[sflag:s8] =	ssyncset.done $0x0  }
0xd3: {  	s0 =	rddreg [dreg:$0x9];
	[sflag:s8] =	ssyncadd.s32 $0xFFFFC000  }
0xd4: {  	[hbm4b:s0+s2] =	stream.linear.scatter [tilespmem:s6], [sflag:$0x3], $0x4000, $0x38;
	[tilespmem:$0x8800] =	vst v63  }
0xd5: {  	_ =	swait.ge [sflag:s9], $0x4000  }
0xd6: {  	[sflag:s9] =	ssyncset.done $0x0  }
0xd7: {  	[sflag:s9] =	ssyncadd.s32 $0xFFFFC000  }
0xd8: {  	[tilespmem:s6], [sflag:$0x1] =	stream.indirect.gather [hbm4b:s4+s5], $0x80, s18, s5, $0xb8;
	[tilespmem:$0x8800] =	vst v63  }
0xd9: {  	_ =	swait.ge [sflag:s11], $0x4000  }
0xda: {  	[sflag:s11] =	ssyncset.done $0x0  }
0xdb: {  	s0 =	rddreg [dreg:$0xa];
	[sflag:s11] =	ssyncadd.s32 $0xFFFFC000  }
0xdc: {  	[hbm4b:s0+s2] =	stream.linear.scatter [tilespmem:s7], [sflag:$0x4], $0x4000, $0x38;
	[tilespmem:$0x8800] =	vst v63  }
0xdd: {  	_ =	swait.ge [sflag:s12], $0x4000  }
0xde: {  	[sflag:s12] =	ssyncset.done $0x0  }
0xdf: {  	[sflag:s12] =	ssyncadd.s32 $0xFFFFC000  }
0xe0: {  	[tilespmem:s7], [sflag:$0x2] =	stream.indirect.gather [hbm4b:s4+s5], $0x80, s19, s5, $0xb8;
	[tilespmem:$0x8800] =	vst v63  }
0xe1: {  	_ =	swait.ge [sflag:s8], $0x4000  }
0xe2: {  	[sflag:s8] =	ssyncset.done $0x0  }
0xe3: {  	s0 =	rddreg [dreg:$0xb];
	[sflag:s8] =	ssyncadd.s32 $0xFFFFC000  }
0xe4: {  	[hbm4b:s0+s2] =	stream.linear.scatter [tilespmem:s6], [sflag:$0x3], $0x4000, $0x38;
	[tilespmem:$0x8800] =	vst v63  }
0xe5: {  	_ =	swait.ge [sflag:s9], $0x4000  }
0xe6: {  	[sflag:s9] =	ssyncset.done $0x0  }
0xe7: {  	[sflag:s9] =	ssyncadd.s32 $0xFFFFC000  }
0xe8: {  	[tilespmem:s6], [sflag:$0x1] =	stream.indirect.gather [hbm4b:s4+s5], $0x80, s20, s5, $0xb8;
	[tilespmem:$0x8800] =	vst v63  }
0xe9: {  	_ =	swait.ge [sflag:s11], $0x4000  }
0xea: {  	[sflag:s11] =	ssyncset.done $0x0  }
0xeb: {  	s0 =	rddreg [dreg:$0xc];
	[sflag:s11] =	ssyncadd.s32 $0xFFFFC000  }
0xec: {  	[hbm4b:s0+s2] =	stream.linear.scatter [tilespmem:s7], [sflag:$0x4], $0x4000, $0x38;
	[tilespmem:$0x8800] =	vst v63  }
0xed: {  	_ =	swait.ge [sflag:s12], $0x4000  }
0xee: {  	[sflag:s12] =	ssyncset.done $0x0  }
0xef: {  	[sflag:s12] =	ssyncadd.s32 $0xFFFFC000  }
0xf0: {  	[tilespmem:s7], [sflag:$0x2] =	stream.indirect.gather [hbm4b:s4+s5], $0x80, s21, s5, $0xb8;
	[tilespmem:$0x8800] =	vst v63  }
0xf1: {  	_ =	swait.ge [sflag:s8], $0x4000  }
0xf2: {  	[sflag:s8] =	ssyncset.done $0x0  }
0xf3: {  	s0 =	rddreg [dreg:$0xd];
	[sflag:s8] =	ssyncadd.s32 $0xFFFFC000  }
0xf4: {  	[hbm4b:s0+s2] =	stream.linear.scatter [tilespmem:s6], [sflag:$0x3], $0x4000, $0x38;
	[tilespmem:$0x8800] =	vst v63  }
0xf5: {  	_ =	swait.ge [sflag:s9], $0x4000  }
0xf6: {  	[sflag:s9] =	ssyncset.done $0x0  }
0xf7: {  	[sflag:s9] =	ssyncadd.s32 $0xFFFFC000  }
0xf8: {  	[tilespmem:s6], [sflag:$0x1] =	stream.indirect.gather [hbm4b:s4+s5], $0x80, s22, s5, $0xb8;
	[tilespmem:$0x8800] =	vst v63  }
0xf9: {  	_ =	swait.ge [sflag:s11], $0x4000  }
0xfa: {  	[sflag:s11] =	ssyncset.done $0x0  }
0xfb: {  	[sflag:s11] =	ssyncadd.s32 $0xFFFFC000  }
0xfc: {  	[hbm4b:s23+s2] =	stream.linear.scatter [tilespmem:s7], [sflag:$0x4], $0x4000, $0x38;
	[tilespmem:$0x8800] =	vst v63  }
0xfd: {  	_ =	swait.ge [sflag:s12], $0x4000  }
0xfe: {  	[sflag:s12] =	ssyncset.done $0x0  }
0xff: {  	[sflag:s12] =	ssyncadd.s32 $0xFFFFC000  }
0x100: {  	[tilespmem:s7], [sflag:$0x2] =	stream.indirect.gather [hbm4b:s4+s5], $0x80, s24, s5, $0xb8;
	[tilespmem:$0x8800] =	vst v63  }
0x101: {  	_ =	swait.ge [sflag:s8], $0x4000  }
0x102: {  	[sflag:s8] =	ssyncset.done $0x0  }
0x103: {  	[sflag:s8] =	ssyncadd.s32 $0xFFFFC000  }
0x104: {  	[hbm4b:s25+s2] =	stream.linear.scatter [tilespmem:s6], [sflag:$0x3], $0x4000, $0x38;
	[tilespmem:$0x8800] =	vst v63  }
0x105: {  	_ =	swait.ge [sflag:s9], $0x4000  }
0x106: {  	[sflag:s9] =	ssyncset.done $0x0  }
0x107: {  	[sflag:s9] =	ssyncadd.s32 $0xFFFFC000  }
0x108: {  	[tilespmem:s6], [sflag:$0x1] =	stream.indirect.gather [hbm4b:s4+s5], $0x80, s26, s5, $0xb8;
	[tilespmem:$0x8800] =	vst v63  }
0x109: {  	_ =	swait.ge [sflag:s11], $0x4000  }
0x10a: {  	[sflag:s11] =	ssyncset.done $0x0  }
0x10b: {  	[sflag:s11] =	ssyncadd.s32 $0xFFFFC000  }
0x10c: {  	[hbm4b:s28+s2] =	stream.linear.scatter [tilespmem:s7], [sflag:$0x4], $0x4000, $0x38;
	[tilespmem:$0x8800] =	vst v63  }
0x10d: {  	_ =	swait.ge [sflag:s12], $0x4000  }
0x10e: {  	[sflag:s12] =	ssyncset.done $0x0  }
0x10f: {  	[sflag:s12] =	ssyncadd.s32 $0xFFFFC000  }
0x110: {  	[tilespmem:s7], [sflag:$0x2] =	stream.indirect.gather [hbm4b:s4+s5], $0x80, s29, s5, $0xb8;
	[tilespmem:$0x8800] =	vst v63  }
0x111: {  	_ =	swait.ge [sflag:s8], $0x4000  }
0x112: {  	[sflag:s8] =	ssyncset.done $0x0  }
0x113: {  	[sflag:s8] =	ssyncadd.s32 $0xFFFFC000  }
0x114: {  	[hbm4b:s30+s2] =	stream.linear.scatter [tilespmem:s6], [sflag:$0x3], $0x4000, $0x38;
	[tilespmem:$0x8800] =	vst v63  }
0x115: {  	_ =	swait.ge [sflag:s11], $0x4000  }
0x116: {  	[sflag:s11] =	ssyncset.done $0x0  }
0x117: {  	p0 =	sne.s32 s1, $0x1;
	[sflag:s11] =	ssyncadd.s32 $0xFFFFC000  }
0x118: {  	[hbm4b:s31+s2] =	stream.linear.scatter [tilespmem:s7], [sflag:$0x4], $0x4000, $0x38;
	[tilespmem:$0x8800] =	vst v63  }
.Ltmp1:
0x119: {  	_ =	swait.ge [sflag:s9], $0x4000;
	(pc) =	sbr.rel @p0 .LBB2_1-.Ltmp1, $4  }
0x11a: {  	[sflag:s9] =	ssyncset.done $0x0  }
0x11b: {  	[sflag:s9] =	ssyncadd.s32 $0xFFFFC000  }
0x11c: {  	_ =	swait.ge [sflag:s12], $0x4000  }
0x11d: {  	s1 =	sadd.s32 $0xFFFFFFFF, s1;
	[sflag:s12] =	ssyncset.done $0x0  }
.LBB2_2:
0x11e: {  	[sflag:s12] =	ssyncadd.s32 $0xFFFFC000  }
0x11f: {  	_ =	sfence.sel $0x180000  }
0x120: {  	[bflag:$0x0] =	sbarrier.arrive $0xFFFF  }
0x121: {  	_ =	strace $0x90000047  }
0x122: {  	s0 =	stileid.u32;
	[bflag:$0x2] =	sbarrier.arrive $0xFFFF  }
0x123: {  	p0 =	sne.s32 s0, $0x0;
	s0 =	rddreg [dreg:$0x1]  }
0x124: {  	s0 =	sadd.s32 @!p0 $0x100000, s0  }
0x125: {  	[sflag:s0] =	ssyncadd.tile.s32 @!p0 $0x1;
	_ =	shalt  }
.Lfunc_end2:
_tile_overlayer_lowered:
.L_overlay_start_2:
0x126: {  	(tag) =	ssettag $0x2  }
0x127: {  	s0 =	rddreg [dreg:$0x0];
	s2 =	stileid.u32  }
0x128: {  	s1 =	rddreg [dreg:$0x1];
	p0 =	sne.s32 s2, $0x0  }
0x129: {  	s3 =	rddreg [dreg:$0x2];
	[bflag:$0x3] =	sbarrier.arrive $0xFFFF;
	s2 =	simm.s32 @!p0 $0x1C05  }
0x12a: {  	[timem:s3], [sflag:s2] =	dma.local @!p0 [hbm:s0], s1  }
0x12b: {  	s0 =	simm.s32 @!p0 $0x5  }
0x12c: {  	_ =	swait.ge @!p0 [sflag:s0], s1  }
0x12d: {  	s1 =	ssub.s32 @!p0 $0x0, s1;
	[sflag:s0] =	ssyncset.done @!p0 $0x0  }
0x12e: {  	[sflag:s0] =	ssyncadd.s32 @!p0 s1  }
0x12f: {  	[bflag:$0x3] =	sbarrier.arrive $0xFFFF  }
0x130: {  	_ =	shalt  }

// kernel: kernel.8.cloned.1.call-start
scs
__scs_entry_jumppad:
0x0: {  	(pc) =	sbr.rel $0x88, $3  }
0x1: {  	(tag) =	ssettag $0x0;
	lr =	simm.s32 $0x1  }
0x2: {  	[smem:$0x3F93] =	sst lr;
	_ =	strace $0xD0000000  }
0x3: {  	_ = 	snop  }
0x4: {  	_ = 	snop  }
0x5: {  	_ = 	snop  }
0x6: {  	_ = 	snop  }
0x7: {  	_ = 	snop  }
__scs_overlays_trampoline_lowered:
0x8: {  	[smem:$0x3FA2] =	sst s0  }
0x9: {  	[smem:$0x3FA3] =	sst s1  }
0xa: {  	[smem:$0x3FA4] =	sst s2  }
0xb: {  	[smem:$0x3FA5] =	sst s3  }
0xc: {  	[smem:$0x3FA6] =	sst s4  }
0xd: {  	[smem:$0x3FA7] =	sst s5  }
0xe: {  	[smem:$0x3FA8] =	sst s6  }
0xf: {  	[smem:$0x3FA9] =	sst s7  }
0x10: {  	[smem:$0x3FAA] =	sst s8  }
0x11: {  	[smem:$0x3FAB] =	sst s9;
	s0 =	simm.s32 @!p0 $0x0  }
0x12: {  	s1 =	sld [smem:$0x3F91];
	s0 =	simm.s32 @p0 $0x1  }
0x13: {  	[smem:$0x3FAC] =	sst s0;
	s0 =	simm.s32 @!p1 $0x0  }
0x14: {  	s2 =	sld [smem:$0x3F90];
	s0 =	simm.s32 @p1 $0x1  }
0x15: {  	[smem:$0x3FAD] =	sst s0;
	s0 =	simm.s32 @!p2 $0x0  }
0x16: {  	s3 =	sld [smem:$0x3FDB];
	s0 =	simm.s32 @p2 $0x1  }
0x17: {  	s4 =	simm.s32 $0x1BF5;
	[smem:$0x3FAF] =	sst s0  }
0x18: {  	s0 =	sld [smem:$0x3F92];
	_ =	swait.ge [sflag:s4], $0x0  }
0x19: {  	s7 =	sld [smem:$0x3F93]  }
0x1a: {  	s8 =	sadd.s32 $0xFFFFE003, lr  }
0x1b: {  	s9 =	sadd.s32 $0xFFFFFEF7, lr;
	s5 =	simm.s32 $0xFFFFFFFF;
	p2 =	slt.u32 s8, $0xFFFFF086  }
0x1c: {  	p1 =	slt.u32 s9, $0xF7A;
	s5 =	simm.s32 @!p2 $0x0  }
0x1d: {  	s5 =	simm.s32 @p1 $0x1;
	p0 =	seq.s32 s7, s2  }
0x1e: {  	s7 =	smul.u32 @!p0 $0xF7A, s2;
	p2 =	seq.s32 @!p0 s5, $0x0  }
0x1f: {  	s9 =	smul.u32 $0xF7A, s1;
	s8 =	simm.s32 @!p0 $0x1BF5;
	p2 =	por !p2, p0  }
0x20: {  	[sflag:s8] =	ssyncset.s32 @!p0 $0xFFFFF086;
	s6 =	sadd.s32 @!p0 s3, s7;
	s7 =	simm.s32 @!p0 $0x108  }
0x21: {  	s3 =	sadd.s32 s3, s9;
	s6 =	sadd.s32 @!p0 $0x88, s6;
	s7 =	simm.s32 @p2 $0x1082  }
0x22: {  	[simem:s7], [sflag:s8] =	dma.local @!p0 [hbm:s6], $0xF7A  }
0x23: {  	s9 =	sor.u32 $0xD0000000, s2;
	s6 =	simm.s32 $0x108;
	_ =	swait.ge @!p0 [sflag:s8], $0x0  }
0x24: {  	s3 =	sadd.s32 $0x88, s3;
	s6 =	simm.s32 @!p1 $0x1082;
	[sflag:s4] =	ssyncset.s32 $0xFFFFF086  }
0x25: {  	[simem:s6], [sflag:s4] =	dma.local [hbm:s3], $0xF7A  }
0x26: {  	[smem:$0x3F93] =	sst s1;
	(tag) =	ssettag s2;
	_ =	strace s9  }
0x27: {  	s1 =	sld [smem:$0x3FA3]  }
0x28: {  	s2 =	sld [smem:$0x3FA4]  }
0x29: {  	s4 =	sld [smem:$0x3FA6]  }
0x2a: {  	p0 =	seq.s32 s5, $0x0;
	s5 =	sld [smem:$0x3FA7]  }
0x2b: {  	s6 =	sld [smem:$0x3FA8]  }
0x2c: {  	s7 =	sld [smem:$0x3FA9]  }
0x2d: {  	s3 =	simm.s32 $0x108;
	s8 =	sld [smem:$0x3FAA]  }
0x2e: {  	s3 =	simm.s32 @!p0 $0x1082;
	s9 =	sld [smem:$0x3FAB]  }
0x2f: {  	lr =	sadd.s32 s0, s3;
	s0 =	sld [smem:$0x3FA2]  }
0x30: {  	s3 =	sld [smem:$0x3FA5]  }
0x31: {  	[smem:$0x3FAE] =	sst s10  }
0x32: {  	s10 =	sld [smem:$0x3FAC];
	_ =	sdelay $0x3  }
0x33: {  	p0 =	seq.s32 s10, $0x1;
	s10 =	sld [smem:$0x3FAE];
	_ =	sdelay $0x3  }
0x34: {  	[smem:$0x3FAE] =	sst s10  }
0x35: {  	s10 =	sld [smem:$0x3FAD];
	_ =	sdelay $0x3  }
0x36: {  	p1 =	seq.s32 s10, $0x1;
	s10 =	sld [smem:$0x3FAE];
	_ =	sdelay $0x3  }
0x37: {  	[smem:$0x3FAE] =	sst s10  }
0x38: {  	s10 =	sld [smem:$0x3FAF]  }
0x39: {  	_ = 	snop;
	(pc) =	sbr.ind lr, $3  }
0x3a: {  	_ = 	snop  }
0x3b: {  	_ = 	snop  }
0x3c: {  	p2 =	seq.s32 s10, $0x1;
	s10 =	sld [smem:$0x3FAE]  }
0x3d: {  	_ =	shalt  }
0x3e: {  	_ =	shalt  }
0x3f: {  	_ =	shalt  }
0x40: {  	_ =	shalt  }
0x41: {  	_ =	shalt  }
0x42: {  	_ =	shalt  }
0x43: {  	_ =	shalt  }
0x44: {  	_ =	shalt  }
0x45: {  	_ =	shalt  }
0x46: {  	_ =	shalt  }
0x47: {  	_ =	shalt  }
0x48: {  	_ =	shalt  }
0x49: {  	_ =	shalt  }
0x4a: {  	_ =	shalt  }
0x4b: {  	_ =	shalt  }
0x4c: {  	_ =	shalt  }
0x4d: {  	_ =	shalt  }
0x4e: {  	_ =	shalt  }
0x4f: {  	_ =	shalt  }
0x50: {  	_ =	shalt  }
0x51: {  	_ =	shalt  }
0x52: {  	_ =	shalt  }
0x53: {  	_ =	shalt  }
0x54: {  	_ =	shalt  }
0x55: {  	_ =	shalt  }
0x56: {  	_ =	shalt  }
0x57: {  	_ =	shalt  }
0x58: {  	_ =	shalt  }
0x59: {  	_ =	shalt  }
0x5a: {  	_ =	shalt  }
0x5b: {  	_ =	shalt  }
0x5c: {  	_ =	shalt  }
0x5d: {  	_ =	shalt  }
0x5e: {  	_ =	shalt  }
0x5f: {  	_ =	shalt  }
0x60: {  	_ =	shalt  }
0x61: {  	_ =	shalt  }
0x62: {  	_ =	shalt  }
0x63: {  	_ =	shalt  }
0x64: {  	_ =	shalt  }
0x65: {  	_ =	shalt  }
0x66: {  	_ =	shalt  }
0x67: {  	_ =	shalt  }
0x68: {  	_ =	shalt  }
0x69: {  	_ =	shalt  }
0x6a: {  	_ =	shalt  }
0x6b: {  	_ =	shalt  }
0x6c: {  	_ =	shalt  }
0x6d: {  	_ =	shalt  }
0x6e: {  	_ =	shalt  }
0x6f: {  	_ =	shalt  }
0x70: {  	_ =	shalt  }
0x71: {  	_ =	shalt  }
0x72: {  	_ =	shalt  }
0x73: {  	_ =	shalt  }
0x74: {  	_ =	shalt  }
0x75: {  	_ =	shalt  }
0x76: {  	_ =	shalt  }
0x77: {  	_ =	shalt  }
0x78: {  	_ =	shalt  }
0x79: {  	_ =	shalt  }
0x7a: {  	_ =	shalt  }
0x7b: {  	_ =	shalt  }
0x7c: {  	_ =	shalt  }
0x7d: {  	_ =	shalt  }
0x7e: {  	_ =	shalt  }
0x7f: {  	_ =	shalt  }
0x80: {  	_ =	shalt  }
0x81: {  	_ =	shalt  }
0x82: {  	_ =	shalt  }
0x83: {  	_ =	shalt  }
0x84: {  	_ =	shalt  }
0x85: {  	_ =	shalt  }
0x86: {  	_ =	shalt  }
0x87: {  	_ =	shalt  }
.Lfunc_end0:
.L_simem_size_0:
called_computation_lowered:
.L_overlay_start_0:
0x88: {  	s2 =	sld [smem:$0x3FD9]  }
0x89: {  	s3 =	sld [smem:$0x3FFE];
	_ =	sdelay $0x1  }
0x8a: {  	s1 =	srdreg.scid  }
0x8b: {  	s0 =	sand.u32 $0x1, s1  }
0x8c: {  	s17 =	sshll.u32 s0, $0xA;
	s2 =	sadd.s32 s3, s2  }
0x8d: {  	s2 =	sadd.s32 s2, s17  }
0x8e: {  	[smem:$0x3FBA] =	sst s2  }
0x8f: {  	_ = 	snop  }
0x90: {  	s18 =	sld [smem:$0x3FD0];
	(tm) =	ssettm $0x1  }
0x91: {  	s19 =	sld [smem:$0x3FFB];
	_ =	sdelay $0x3  }
0x92: {  	_ =	strace s19  }
0x93: {  	s2 =	sld [smem:$0x3FFC];
	_ =	sdelay $0x3  }
0x94: {  	_ =	strace s2  }
0x95: {  	s2 =	sld [smem:$0x3FFD];
	_ =	sdelay $0x3  }
0x96: {  	_ =	strace s2  }
0x97: {  	_ =	strace $0x8FFFFFFF  }
0x98: {  	s20 =	sld [smem:$0x3FDB];
	_ =	sdelay $0x1  }
0x99: {  	s4 =	simm.s32 $_scs_section_size  }
0x9a: {  	s5 =	simm.s32 $_size__tile_overlayer_lowered;
	s6 =	simm.s32 $_tile_overlayer_lowered  }
0x9b: {  	s7 =	simm.s32 $0x1BFF;
	s21 =	sshll.u32 s6, $0x1;
	s4 =	sadd.s32 s4, s20  }
0x9c: {  	s22 =	simm.s32 $0x0;
	s5 =	sshll.u32 s5, $0x1;
	s6 =	sadd.s32 s21, s4  }
0x9d: {  	[timem:s22], [sflag:s7] =	dma.local [hbm:s6], s5  }
0x9e: {  	_ =	swait.ge [sflag:s7], s5  }
0x9f: {  	s5 =	ssub.s32 $0x0, s5;
	[sflag:s7] =	ssyncset.done $0x0  }
0xa0: {  	[sflag:s7] =	ssyncadd.s32 s5;
	_ =	sdelay $0x1  }
0xa1: {  	s23 =	simm.s32 $0x1B8B  }
0xa2: {  	_ =	swait.ge [sflag:s23], $0x1  }
0xa3: {  	[sflag:s23] =	ssyncset.done $0x0  }
0xa4: {  	[sflag:s23] =	ssyncadd.s32 $0xFFFFFFFF  }
0xa5: {  	s5 =	sld [smem:$0x0]  }
0xa6: {  	s6 =	sand.u32 $0xFFFFFFFE, s1  }
0xa7: {  	p0 =	sne.s32 s1, s6  }
0xa8: {  	s6 =	sshll.u32 @p0 s6, $0xE  }
0xa9: {  	s6 =	sadd.s32 @p0 $0x11B8D, s6;
	s7 =	sshll.u32 @p0 s5, $0x11  }
0xaa: {  	s6 =	sor.u32 @p0 s7, s6  }
0xab: {  	[sflag:s6] =	ssyncadd.remote.s32 @p0 $0x1;
	_ =	sdelay $0x1  }
0xac: {  	s6 =	simm.s32 @p0 $0x1B8D  }
0xad: {  	_ =	swait.eq @p0 [sflag:s6], $0x1  }
0xae: {  	[sflag:s6] =	ssyncadd.s32 @p0 $0xFFFFFFFF  }
0xaf: {  	s7 =	sshll.u32 @!p0 s1, $0xE  }
0xb0: {  	s7 =	sor.u32 @!p0 $0x4000, s7;
	s6 =	simm.s32 @!p0 $0x1B8D  }
0xb1: {  	s5 =	sshll.u32 @!p0 s5, $0x11;
	s7 =	sadd.s32 @!p0 $0x11B8D, s7;
	_ =	swait.eq @!p0 [sflag:s6], $0x1  }
0xb2: {  	s5 =	sor.u32 @!p0 s5, s7;
	[sflag:s6] =	ssyncadd.s32 @!p0 $0xFFFFFFFF  }
0xb3: {  	s25 =	simm.s32 $0x1B8E;
	s24 =	sld [smem:$0x3FFE];
	[sflag:s5] =	ssyncadd.remote.s32 @!p0 $0x1  }
0xb4: {  	s26 =	simm.s32 $execute0_lowered;
	[smem:$0x3FD2] =	sst s25  }
0xb5: {  	s6 =	sshll.u32 s26, $0x1;
	_ =	strace $0x80000049;
	[dreg:$0x1] =	wrdreg $0xFFFFFFFF  }
0xb6: {  	s28 =	simm.s32 $_size_execute0_lowered;
	s4 =	sadd.s32 s4, s6;
	[dreg:$0x0] =	wrdreg $0x0  }
0xb7: {  	s6 =	sshll.u32 s28, $0x1;
	[dreg:$0x2] =	wrdreg s4  }
0xb8: {  	[dreg:$0x3] =	wrdreg s6  }
0xb9: {  	[dreg:$0x4] =	wrdreg $0xC0  }
0xba: {  	_ =	task [dreg:s22], $0x5FFFF  }
0xbb: {  	[dreg:$0x1] =	wrdreg $0xFFFFFFFF  }
0xbc: {  	[dreg:$0x0] =	wrdreg $0x60  }
0xbd: {  	[dreg:$0x2] =	wrdreg s18  }
0xbe: {  	[dreg:$0x3] =	wrdreg s24  }
0xbf: {  	[dreg:$0x4] =	wrdreg $0x9  }
0xc0: {  	_ =	task.clear_ibuf [dreg:s22], $0x5FFFF;
	_ =	strace $0x90000049  }
0xc1: {  	s29 =	simm.s32 $0x9;
	_ =	strace $0x8000004B  }
0xc2: {  	_ =	swait.ge [sflag:s29], $0x1  }
0xc3: {  	[sflag:s29] =	ssyncadd.s32 $0xFFFFFFFF  }
0xc4: {  	_ =	strace $0x9000004B  }
0xc5: {  	_ =	sfence  }
0xc6: {  	s30 =	sld [smem:$0x0];
	_ =	sdelay $0x2  }
0xc7: {  	s31 =	sshll.u32 s1, $0xD;
	s1 =	sshrl.u32 s1, $0x2  }
0xc8: {  	s4 =	sand.u32 $0x4000, s31;
	s1 =	sadd.s32 s1, s30  }
0xc9: {  	s0 =	sor.u32 s4, s0;
	s1 =	sshll.u32 s1, $0x11  }
0xca: {  	s0 =	sor.u32 s1, s0  }
0xcb: {  	s0 =	sadd.s32 $0x8F2B, s0  }
0xcc: {  	[sflag:s0] =	ssyncadd.remote.s32 $0x1  }
0xcd: {  	_ =	sfence.sel $0xFFFF  }
0xce: {  	[dreg:$0x0] =	wrdreg $0xFFFFFFFF;
	(pc) =	sbr.abs _section_cstart, $3  }
0xcf: {  	[dreg:$0x1] =	wrdreg $0xFFFFFFFF  }
0xd0: {  	_ =	task.clear_ibuf [dreg:s22], $0x2FFFF;
	_ =	strace $0x9FFFFFFF  }
0xd1: {  	(tm) =	ssettm $0x7FFFFFFF  }
tec
execute0_lowered:
.L_overlay_start_1:
0x0: {  	(tag) =	ssettag $0x1  }
0x1: {  	s1 =	srdreg.scid  }
0x2: {  	s0 =	stileid.u32;
	s1 =	sand.u32 $0x1, s1  }
0x3: {  	s3 =	sshll.u32 s0, $0xC;
	s4 =	sshll.u32 s1, $0xB  }
0x4: {  	s2 =	rddreg [dreg:$0x0];
	s4 =	sor.u32 s4, s3  }
0x5: {  	s5 =	rddreg [dreg:$0x1];
	s6 =	sshrl.u32 s4, $0x3  }
0x6: {  	s3 =	simm.s32 $0x0;
	s4 =	sshll.u32 s4, $0x4;
	s6 =	sadd.s32 s6, s5  }
0x7: {  	[smem:$0x7FF] =	sst s3;
	s31 =	sadd.s32 s4, s5;
	s14 =	sadd.s32 $0x114C00, s6  }
0x8: {  	_ =	strace $0x8000004A;
	s15 =	sadd.s32 $0x116C00, s31;
	[dreg:$0x3] =	wrdreg s14  }
0x9: {  	s16 =	sadd.s32 $0x117400, s31;
	[dreg:$0x4] =	wrdreg s15  }
0xa: {  	s17 =	sadd.s32 $0x117C00, s31;
	[dreg:$0x5] =	wrdreg s16  }
0xb: {  	s18 =	sadd.s32 $0x118400, s31;
	[dreg:$0x6] =	wrdreg s17  }
0xc: {  	s19 =	sadd.s32 $0x118C00, s31;
	[dreg:$0x7] =	wrdreg s18  }
0xd: {  	s20 =	sadd.s32 $0x119400, s31;
	[dreg:$0x8] =	wrdreg s19  }
0xe: {  	s21 =	sadd.s32 $0x119C00, s31;
	[dreg:$0x9] =	wrdreg s20  }
0xf: {  	s22 =	sadd.s32 $0x11A400, s31;
	[dreg:$0xa] =	wrdreg s21  }
0x10: {  	s23 =	sadd.s32 $0x11AC00, s31;
	[dreg:$0xb] =	wrdreg s22  }
0x11: {  	s24 =	sadd.s32 $0x11B400, s31;
	[dreg:$0xc] =	wrdreg s23  }
0x12: {  	s26 =	sadd.s32 $0x11BC00, s31;
	[dreg:$0xd] =	wrdreg s24  }
0x13: {  	[dreg:$0xe] =	wrdreg s26  }
0x14: {  	s4 =	simm.s32 $0x5;
	s25 =	rddreg [dreg:$0x3]  }
0x15: {  	[tilespmem:s3], [sflag:$0x5] =	stream.linear.gather [hbm4b:s25+s3], $0x800, $0x38;
	[tilespmem:$0x8800] =	vst v63  }
0x16: {  	_ =	swait.ge [sflag:s4], $0x800  }
0x17: {  	[sflag:s4] =	ssyncset.done $0x0  }
0x18: {  	s5 =	simm.s32 $0x80;
	s6 =	simm.s32 $0x800;
	[sflag:s4] =	ssyncadd.s32 $0xFFFFF800  }
0x19: {  	[tilespmem:s6], [sflag:$0x1] =	stream.indirect.gather [hbm4b:s2+s5], $0x80, s3, s5, $0xb8;
	[tilespmem:$0x8800] =	vst v63  }
0x1a: {  	s7 =	simm.s32 $0x4800;
	s8 =	simm.s32 $0x1  }
0x1b: {  	[tilespmem:s7], [sflag:$0x2] =	stream.indirect.gather [hbm4b:s2+s5], $0x80, s5, s5, $0xb8;
	[tilespmem:$0x8800] =	vst v63  }
0x1c: {  	_ =	swait.ge [sflag:s8], $0x4000  }
0x1d: {  	[sflag:s8] =	ssyncset.done $0x0  }
0x1e: {  	s9 =	simm.s32 $0x3;
	s10 =	rddreg [dreg:$0x4];
	[sflag:s8] =	ssyncadd.s32 $0xFFFFC000  }
0x1f: {  	[hbm4b:s10+s3] =	stream.linear.scatter [tilespmem:s6], [sflag:$0x3], $0x4000, $0x38;
	[tilespmem:$0x8800] =	vst v63  }
0x20: {  	_ =	swait.ge [sflag:s9], $0x4000  }
0x21: {  	[sflag:s9] =	ssyncset.done $0x0  }
0x22: {  	s11 =	simm.s32 $0x2;
	s10 =	simm.s32 $0x100;
	[sflag:s9] =	ssyncadd.s32 $0xFFFFC000  }
0x23: {  	[tilespmem:s6], [sflag:$0x1] =	stream.indirect.gather [hbm4b:s2+s5], $0x80, s10, s5, $0xb8;
	[tilespmem:$0x8800] =	vst v63  }
0x24: {  	_ =	swait.ge [sflag:s11], $0x4000  }
0x25: {  	[sflag:s11] =	ssyncset.done $0x0  }
0x26: {  	s12 =	simm.s32 $0x4;
	s13 =	rddreg [dreg:$0x5];
	[sflag:s11] =	ssyncadd.s32 $0xFFFFC000  }
0x27: {  	[hbm4b:s13+s3] =	stream.linear.scatter [tilespmem:s7], [sflag:$0x4], $0x4000, $0x38;
	[tilespmem:$0x8800] =	vst v63  }
0x28: {  	_ =	swait.ge [sflag:s12], $0x4000  }
0x29: {  	[sflag:s12] =	ssyncset.done $0x0  }
0x2a: {  	s13 =	simm.s32 $0x180;
	[sflag:s12] =	ssyncadd.s32 $0xFFFFC000  }
0x2b: {  	[tilespmem:s7], [sflag:$0x2] =	stream.indirect.gather [hbm4b:s2+s5], $0x80, s13, s5, $0xb8;
	[tilespmem:$0x8800] =	vst v63  }
0x2c: {  	_ =	swait.ge [sflag:s8], $0x4000  }
0x2d: {  	[sflag:s8] =	ssyncset.done $0x0  }
0x2e: {  	s14 =	rddreg [dreg:$0x6];
	[sflag:s8] =	ssyncadd.s32 $0xFFFFC000  }
0x2f: {  	[hbm4b:s14+s3] =	stream.linear.scatter [tilespmem:s6], [sflag:$0x3], $0x4000, $0x38;
	[tilespmem:$0x8800] =	vst v63  }
0x30: {  	_ =	swait.ge [sflag:s9], $0x4000  }
0x31: {  	[sflag:s9] =	ssyncset.done $0x0  }
0x32: {  	s14 =	simm.s32 $0x200;
	[sflag:s9] =	ssyncadd.s32 $0xFFFFC000  }
0x33: {  	[tilespmem:s6], [sflag:$0x1] =	stream.indirect.gather [hbm4b:s2+s5], $0x80, s14, s5, $0xb8;
	[tilespmem:$0x8800] =	vst v63  }
0x34: {  	_ =	swait.ge [sflag:s11], $0x4000  }
0x35: {  	[sflag:s11] =	ssyncset.done $0x0  }
0x36: {  	s15 =	rddreg [dreg:$0x7];
	[sflag:s11] =	ssyncadd.s32 $0xFFFFC000  }
0x37: {  	[hbm4b:s15+s3] =	stream.linear.scatter [tilespmem:s7], [sflag:$0x4], $0x4000, $0x38;
	[tilespmem:$0x8800] =	vst v63  }
0x38: {  	_ =	swait.ge [sflag:s12], $0x4000  }
0x39: {  	[sflag:s12] =	ssyncset.done $0x0  }
0x3a: {  	s15 =	simm.s32 $0x280;
	[sflag:s12] =	ssyncadd.s32 $0xFFFFC000  }
0x3b: {  	[tilespmem:s7], [sflag:$0x2] =	stream.indirect.gather [hbm4b:s2+s5], $0x80, s15, s5, $0xb8;
	[tilespmem:$0x8800] =	vst v63  }
0x3c: {  	_ =	swait.ge [sflag:s8], $0x4000  }
0x3d: {  	[sflag:s8] =	ssyncset.done $0x0  }
0x3e: {  	s16 =	rddreg [dreg:$0x8];
	[sflag:s8] =	ssyncadd.s32 $0xFFFFC000  }
0x3f: {  	[hbm4b:s16+s3] =	stream.linear.scatter [tilespmem:s6], [sflag:$0x3], $0x4000, $0x38;
	[tilespmem:$0x8800] =	vst v63  }
0x40: {  	_ =	swait.ge [sflag:s9], $0x4000  }
0x41: {  	[sflag:s9] =	ssyncset.done $0x0  }
0x42: {  	s16 =	simm.s32 $0x300;
	[sflag:s9] =	ssyncadd.s32 $0xFFFFC000  }
0x43: {  	[tilespmem:s6], [sflag:$0x1] =	stream.indirect.gather [hbm4b:s2+s5], $0x80, s16, s5, $0xb8;
	[tilespmem:$0x8800] =	vst v63  }
0x44: {  	_ =	swait.ge [sflag:s11], $0x4000  }
0x45: {  	[sflag:s11] =	ssyncset.done $0x0  }
0x46: {  	s17 =	rddreg [dreg:$0x9];
	[sflag:s11] =	ssyncadd.s32 $0xFFFFC000  }
0x47: {  	[hbm4b:s17+s3] =	stream.linear.scatter [tilespmem:s7], [sflag:$0x4], $0x4000, $0x38;
	[tilespmem:$0x8800] =	vst v63  }
0x48: {  	_ =	swait.ge [sflag:s12], $0x4000  }
0x49: {  	[sflag:s12] =	ssyncset.done $0x0  }
0x4a: {  	s17 =	simm.s32 $0x380;
	[sflag:s12] =	ssyncadd.s32 $0xFFFFC000  }
0x4b: {  	[tilespmem:s7], [sflag:$0x2] =	stream.indirect.gather [hbm4b:s2+s5], $0x80, s17, s5, $0xb8;
	[tilespmem:$0x8800] =	vst v63  }
0x4c: {  	_ =	swait.ge [sflag:s8], $0x4000  }
0x4d: {  	[sflag:s8] =	ssyncset.done $0x0  }
0x4e: {  	s18 =	rddreg [dreg:$0xa];
	[sflag:s8] =	ssyncadd.s32 $0xFFFFC000  }
0x4f: {  	[hbm4b:s18+s3] =	stream.linear.scatter [tilespmem:s6], [sflag:$0x3], $0x4000, $0x38;
	[tilespmem:$0x8800] =	vst v63  }
0x50: {  	_ =	swait.ge [sflag:s9], $0x4000  }
0x51: {  	[sflag:s9] =	ssyncset.done $0x0  }
0x52: {  	s18 =	simm.s32 $0x400;
	[sflag:s9] =	ssyncadd.s32 $0xFFFFC000  }
0x53: {  	[tilespmem:s6], [sflag:$0x1] =	stream.indirect.gather [hbm4b:s2+s5], $0x80, s18, s5, $0xb8;
	[tilespmem:$0x8800] =	vst v63  }
0x54: {  	_ =	swait.ge [sflag:s11], $0x4000  }
0x55: {  	[sflag:s11] =	ssyncset.done $0x0  }
0x56: {  	s19 =	rddreg [dreg:$0xb];
	[sflag:s11] =	ssyncadd.s32 $0xFFFFC000  }
0x57: {  	[hbm4b:s19+s3] =	stream.linear.scatter [tilespmem:s7], [sflag:$0x4], $0x4000, $0x38;
	[tilespmem:$0x8800] =	vst v63  }
0x58: {  	_ =	swait.ge [sflag:s12], $0x4000  }
0x59: {  	[sflag:s12] =	ssyncset.done $0x0  }
0x5a: {  	s19 =	simm.s32 $0x480;
	[sflag:s12] =	ssyncadd.s32 $0xFFFFC000  }
0x5b: {  	[tilespmem:s7], [sflag:$0x2] =	stream.indirect.gather [hbm4b:s2+s5], $0x80, s19, s5, $0xb8;
	[tilespmem:$0x8800] =	vst v63  }
0x5c: {  	_ =	swait.ge [sflag:s8], $0x4000  }
0x5d: {  	[sflag:s8] =	ssyncset.done $0x0  }
0x5e: {  	s20 =	rddreg [dreg:$0xc];
	[sflag:s8] =	ssyncadd.s32 $0xFFFFC000  }
0x5f: {  	[hbm4b:s20+s3] =	stream.linear.scatter [tilespmem:s6], [sflag:$0x3], $0x4000, $0x38;
	[tilespmem:$0x8800] =	vst v63  }
0x60: {  	_ =	swait.ge [sflag:s9], $0x4000  }
0x61: {  	[sflag:s9] =	ssyncset.done $0x0  }
0x62: {  	s20 =	simm.s32 $0x500;
	[sflag:s9] =	ssyncadd.s32 $0xFFFFC000  }
0x63: {  	[tilespmem:s6], [sflag:$0x1] =	stream.indirect.gather [hbm4b:s2+s5], $0x80, s20, s5, $0xb8;
	[tilespmem:$0x8800] =	vst v63  }
0x64: {  	_ =	swait.ge [sflag:s11], $0x4000  }
0x65: {  	[sflag:s11] =	ssyncset.done $0x0  }
0x66: {  	s21 =	rddreg [dreg:$0xd];
	[sflag:s11] =	ssyncadd.s32 $0xFFFFC000  }
0x67: {  	[hbm4b:s21+s3] =	stream.linear.scatter [tilespmem:s7], [sflag:$0x4], $0x4000, $0x38;
	[tilespmem:$0x8800] =	vst v63  }
0x68: {  	_ =	swait.ge [sflag:s12], $0x4000  }
0x69: {  	[sflag:s12] =	ssyncset.done $0x0  }
0x6a: {  	s21 =	simm.s32 $0x580;
	[sflag:s12] =	ssyncadd.s32 $0xFFFFC000  }
0x6b: {  	[tilespmem:s7], [sflag:$0x2] =	stream.indirect.gather [hbm4b:s2+s5], $0x80, s21, s5, $0xb8;
	[tilespmem:$0x8800] =	vst v63  }
0x6c: {  	_ =	swait.ge [sflag:s8], $0x4000  }
0x6d: {  	[sflag:s8] =	ssyncset.done $0x0  }
0x6e: {  	s22 =	rddreg [dreg:$0xe];
	[sflag:s8] =	ssyncadd.s32 $0xFFFFC000  }
0x6f: {  	[hbm4b:s22+s3] =	stream.linear.scatter [tilespmem:s6], [sflag:$0x3], $0x4000, $0x38;
	[tilespmem:$0x8800] =	vst v63  }
0x70: {  	_ =	swait.ge [sflag:s9], $0x4000  }
0x71: {  	[sflag:s9] =	ssyncset.done $0x0  }
0x72: {  	s22 =	simm.s32 $0x600;
	[sflag:s9] =	ssyncadd.s32 $0xFFFFC000  }
0x73: {  	[tilespmem:s6], [sflag:$0x1] =	stream.indirect.gather [hbm4b:s2+s5], $0x80, s22, s5, $0xb8;
	[tilespmem:$0x8800] =	vst v63  }
0x74: {  	_ =	swait.ge [sflag:s11], $0x4000  }
0x75: {  	[sflag:s11] =	ssyncset.done $0x0  }
0x76: {  	s23 =	sadd.s32 $0x11C400, s31;
	[sflag:s11] =	ssyncadd.s32 $0xFFFFC000  }
0x77: {  	[hbm4b:s23+s3] =	stream.linear.scatter [tilespmem:s7], [sflag:$0x4], $0x4000, $0x38;
	[tilespmem:$0x8800] =	vst v63  }
0x78: {  	_ =	swait.ge [sflag:s12], $0x4000  }
0x79: {  	[sflag:s12] =	ssyncset.done $0x0  }
0x7a: {  	s24 =	simm.s32 $0x680;
	[sflag:s12] =	ssyncadd.s32 $0xFFFFC000  }
0x7b: {  	[tilespmem:s7], [sflag:$0x2] =	stream.indirect.gather [hbm4b:s2+s5], $0x80, s24, s5, $0xb8;
	[tilespmem:$0x8800] =	vst v63  }
0x7c: {  	_ =	swait.ge [sflag:s8], $0x4000  }
0x7d: {  	[sflag:s8] =	ssyncset.done $0x0  }
0x7e: {  	s25 =	sadd.s32 $0x11CC00, s31;
	[sflag:s8] =	ssyncadd.s32 $0xFFFFC000  }
0x7f: {  	[hbm4b:s25+s3] =	stream.linear.scatter [tilespmem:s6], [sflag:$0x3], $0x4000, $0x38;
	[tilespmem:$0x8800] =	vst v63  }
0x80: {  	_ =	swait.ge [sflag:s9], $0x4000  }
0x81: {  	[sflag:s9] =	ssyncset.done $0x0  }
0x82: {  	s26 =	simm.s32 $0x700;
	[sflag:s9] =	ssyncadd.s32 $0xFFFFC000  }
0x83: {  	[tilespmem:s6], [sflag:$0x1] =	stream.indirect.gather [hbm4b:s2+s5], $0x80, s26, s5, $0xb8;
	[tilespmem:$0x8800] =	vst v63  }
0x84: {  	_ =	swait.ge [sflag:s11], $0x4000  }
0x85: {  	[sflag:s11] =	ssyncset.done $0x0  }
0x86: {  	s28 =	sadd.s32 $0x11D400, s31;
	[sflag:s11] =	ssyncadd.s32 $0xFFFFC000  }
0x87: {  	[hbm4b:s28+s3] =	stream.linear.scatter [tilespmem:s7], [sflag:$0x4], $0x4000, $0x38;
	[tilespmem:$0x8800] =	vst v63  }
0x88: {  	_ =	swait.ge [sflag:s12], $0x4000  }
0x89: {  	[sflag:s12] =	ssyncset.done $0x0  }
0x8a: {  	s29 =	simm.s32 $0x780;
	[sflag:s12] =	ssyncadd.s32 $0xFFFFC000  }
0x8b: {  	[tilespmem:s7], [sflag:$0x2] =	stream.indirect.gather [hbm4b:s2+s5], $0x80, s29, s5, $0xb8;
	[tilespmem:$0x8800] =	vst v63  }
0x8c: {  	_ =	swait.ge [sflag:s8], $0x4000  }
0x8d: {  	s1 =	ssub.s32 $0x2, s1;
	[sflag:s8] =	ssyncset.done $0x0  }
0x8e: {  	s0 =	sshrl.u32 s1, $0x1;
	s30 =	sadd.s32 $0x11DC00, s31;
	[sflag:s8] =	ssyncadd.s32 $0xFFFFC000  }
0x8f: {  	[hbm4b:s30+s3] =	stream.linear.scatter [tilespmem:s6], [sflag:$0x3], $0x4000, $0x38;
	[tilespmem:$0x8800] =	vst v63  }
0x90: {  	s0 =	ssub.s32 s1, s0;
	_ =	swait.ge [sflag:s11], $0x4000  }
0x91: {  	s0 =	smax.u32 s0, $0x1;
	[sflag:s11] =	ssyncset.done $0x0  }
0x92: {  	p0 =	sne.s32 s0, $0x1;
	s31 =	sadd.s32 $0x11E400, s31;
	[sflag:s11] =	ssyncadd.s32 $0xFFFFC000  }
0x93: {  	[hbm4b:s31+s3] =	stream.linear.scatter [tilespmem:s7], [sflag:$0x4], $0x4000, $0x38;
	[tilespmem:$0x8800] =	vst v63  }
.Ltmp0:
0x94: {  	_ =	swait.ge [sflag:s9], $0x4000;
	(pc) =	sbr.rel @!p0 .LBB2_2-.Ltmp0, $4  }
0x95: {  	[sflag:s9] =	ssyncset.done $0x0  }
0x96: {  	[sflag:s9] =	ssyncadd.s32 $0xFFFFC000  }
0x97: {  	_ =	swait.ge [sflag:s12], $0x4000  }
0x98: {  	s1 =	sadd.s32 $0xFFFFFFFF, s0;
	[sflag:s12] =	ssyncset.done $0x0  }
.LBB2_1:
0x99: {  	s0 =	rddreg [dreg:$0x3];
	[sflag:s12] =	ssyncadd.s32 $0xFFFFC000  }
0x9a: {  	[tilespmem:s3], [sflag:$0x5] =	stream.linear.gather [hbm4b:s0+s3], $0x800, $0x38;
	[tilespmem:$0x8800] =	vst v63  }
0x9b: {  	_ =	swait.ge [sflag:s4], $0x800  }
0x9c: {  	[sflag:s4] =	ssyncset.done $0x0  }
0x9d: {  	[sflag:s4] =	ssyncadd.s32 $0xFFFFF800  }
0x9e: {  	[tilespmem:s6], [sflag:$0x1] =	stream.indirect.gather [hbm4b:s2+s5], $0x80, s3, s5, $0xb8;
	[tilespmem:$0x8800] =	vst v63  }
0x9f: {  	_ = 	snop  }
0xa0: {  	[tilespmem:s7], [sflag:$0x2] =	stream.indirect.gather [hbm4b:s2+s5], $0x80, s5, s5, $0xb8;
	[tilespmem:$0x8800] =	vst v63  }
0xa1: {  	_ =	swait.ge [sflag:s8], $0x4000  }
0xa2: {  	[sflag:s8] =	ssyncset.done $0x0  }
0xa3: {  	s0 =	rddreg [dreg:$0x4];
	[sflag:s8] =	ssyncadd.s32 $0xFFFFC000  }
0xa4: {  	[hbm4b:s0+s3] =	stream.linear.scatter [tilespmem:s6], [sflag:$0x3], $0x4000, $0x38;
	[tilespmem:$0x8800] =	vst v63  }
0xa5: {  	_ =	swait.ge [sflag:s9], $0x4000  }
0xa6: {  	[sflag:s9] =	ssyncset.done $0x0  }
0xa7: {  	[sflag:s9] =	ssyncadd.s32 $0xFFFFC000  }
0xa8: {  	[tilespmem:s6], [sflag:$0x1] =	stream.indirect.gather [hbm4b:s2+s5], $0x80, s10, s5, $0xb8;
	[tilespmem:$0x8800] =	vst v63  }
0xa9: {  	_ =	swait.ge [sflag:s11], $0x4000  }
0xaa: {  	[sflag:s11] =	ssyncset.done $0x0  }
0xab: {  	s0 =	rddreg [dreg:$0x5];
	[sflag:s11] =	ssyncadd.s32 $0xFFFFC000  }
0xac: {  	[hbm4b:s0+s3] =	stream.linear.scatter [tilespmem:s7], [sflag:$0x4], $0x4000, $0x38;
	[tilespmem:$0x8800] =	vst v63  }
0xad: {  	_ =	swait.ge [sflag:s12], $0x4000  }
0xae: {  	[sflag:s12] =	ssyncset.done $0x0  }
0xaf: {  	[sflag:s12] =	ssyncadd.s32 $0xFFFFC000  }
0xb0: {  	[tilespmem:s7], [sflag:$0x2] =	stream.indirect.gather [hbm4b:s2+s5], $0x80, s13, s5, $0xb8;
	[tilespmem:$0x8800] =	vst v63  }
0xb1: {  	_ =	swait.ge [sflag:s8], $0x4000  }
0xb2: {  	[sflag:s8] =	ssyncset.done $0x0  }
0xb3: {  	s0 =	rddreg [dreg:$0x6];
	[sflag:s8] =	ssyncadd.s32 $0xFFFFC000  }
0xb4: {  	[hbm4b:s0+s3] =	stream.linear.scatter [tilespmem:s6], [sflag:$0x3], $0x4000, $0x38;
	[tilespmem:$0x8800] =	vst v63  }
0xb5: {  	_ =	swait.ge [sflag:s9], $0x4000  }
0xb6: {  	[sflag:s9] =	ssyncset.done $0x0  }
0xb7: {  	[sflag:s9] =	ssyncadd.s32 $0xFFFFC000  }
0xb8: {  	[tilespmem:s6], [sflag:$0x1] =	stream.indirect.gather [hbm4b:s2+s5], $0x80, s14, s5, $0xb8;
	[tilespmem:$0x8800] =	vst v63  }
0xb9: {  	_ =	swait.ge [sflag:s11], $0x4000  }
0xba: {  	[sflag:s11] =	ssyncset.done $0x0  }
0xbb: {  	s0 =	rddreg [dreg:$0x7];
	[sflag:s11] =	ssyncadd.s32 $0xFFFFC000  }
0xbc: {  	[hbm4b:s0+s3] =	stream.linear.scatter [tilespmem:s7], [sflag:$0x4], $0x4000, $0x38;
	[tilespmem:$0x8800] =	vst v63  }
0xbd: {  	_ =	swait.ge [sflag:s12], $0x4000  }
0xbe: {  	[sflag:s12] =	ssyncset.done $0x0  }
0xbf: {  	[sflag:s12] =	ssyncadd.s32 $0xFFFFC000  }
0xc0: {  	[tilespmem:s7], [sflag:$0x2] =	stream.indirect.gather [hbm4b:s2+s5], $0x80, s15, s5, $0xb8;
	[tilespmem:$0x8800] =	vst v63  }
0xc1: {  	_ =	swait.ge [sflag:s8], $0x4000  }
0xc2: {  	[sflag:s8] =	ssyncset.done $0x0  }
0xc3: {  	s0 =	rddreg [dreg:$0x8];
	[sflag:s8] =	ssyncadd.s32 $0xFFFFC000  }
0xc4: {  	[hbm4b:s0+s3] =	stream.linear.scatter [tilespmem:s6], [sflag:$0x3], $0x4000, $0x38;
	[tilespmem:$0x8800] =	vst v63  }
0xc5: {  	_ =	swait.ge [sflag:s9], $0x4000  }
0xc6: {  	[sflag:s9] =	ssyncset.done $0x0  }
0xc7: {  	[sflag:s9] =	ssyncadd.s32 $0xFFFFC000  }
0xc8: {  	[tilespmem:s6], [sflag:$0x1] =	stream.indirect.gather [hbm4b:s2+s5], $0x80, s16, s5, $0xb8;
	[tilespmem:$0x8800] =	vst v63  }
0xc9: {  	_ =	swait.ge [sflag:s11], $0x4000  }
0xca: {  	[sflag:s11] =	ssyncset.done $0x0  }
0xcb: {  	s0 =	rddreg [dreg:$0x9];
	[sflag:s11] =	ssyncadd.s32 $0xFFFFC000  }
0xcc: {  	[hbm4b:s0+s3] =	stream.linear.scatter [tilespmem:s7], [sflag:$0x4], $0x4000, $0x38;
	[tilespmem:$0x8800] =	vst v63  }
0xcd: {  	_ =	swait.ge [sflag:s12], $0x4000  }
0xce: {  	[sflag:s12] =	ssyncset.done $0x0  }
0xcf: {  	[sflag:s12] =	ssyncadd.s32 $0xFFFFC000  }
0xd0: {  	[tilespmem:s7], [sflag:$0x2] =	stream.indirect.gather [hbm4b:s2+s5], $0x80, s17, s5, $0xb8;
	[tilespmem:$0x8800] =	vst v63  }
0xd1: {  	_ =	swait.ge [sflag:s8], $0x4000  }
0xd2: {  	[sflag:s8] =	ssyncset.done $0x0  }
0xd3: {  	s0 =	rddreg [dreg:$0xa];
	[sflag:s8] =	ssyncadd.s32 $0xFFFFC000  }
0xd4: {  	[hbm4b:s0+s3] =	stream.linear.scatter [tilespmem:s6], [sflag:$0x3], $0x4000, $0x38;
	[tilespmem:$0x8800] =	vst v63  }
0xd5: {  	_ =	swait.ge [sflag:s9], $0x4000  }
0xd6: {  	[sflag:s9] =	ssyncset.done $0x0  }
0xd7: {  	[sflag:s9] =	ssyncadd.s32 $0xFFFFC000  }
0xd8: {  	[tilespmem:s6], [sflag:$0x1] =	stream.indirect.gather [hbm4b:s2+s5], $0x80, s18, s5, $0xb8;
	[tilespmem:$0x8800] =	vst v63  }
0xd9: {  	_ =	swait.ge [sflag:s11], $0x4000  }
0xda: {  	[sflag:s11] =	ssyncset.done $0x0  }
0xdb: {  	s0 =	rddreg [dreg:$0xb];
	[sflag:s11] =	ssyncadd.s32 $0xFFFFC000  }
0xdc: {  	[hbm4b:s0+s3] =	stream.linear.scatter [tilespmem:s7], [sflag:$0x4], $0x4000, $0x38;
	[tilespmem:$0x8800] =	vst v63  }
0xdd: {  	_ =	swait.ge [sflag:s12], $0x4000  }
0xde: {  	[sflag:s12] =	ssyncset.done $0x0  }
0xdf: {  	[sflag:s12] =	ssyncadd.s32 $0xFFFFC000  }
0xe0: {  	[tilespmem:s7], [sflag:$0x2] =	stream.indirect.gather [hbm4b:s2+s5], $0x80, s19, s5, $0xb8;
	[tilespmem:$0x8800] =	vst v63  }
0xe1: {  	_ =	swait.ge [sflag:s8], $0x4000  }
0xe2: {  	[sflag:s8] =	ssyncset.done $0x0  }
0xe3: {  	s0 =	rddreg [dreg:$0xc];
	[sflag:s8] =	ssyncadd.s32 $0xFFFFC000  }
0xe4: {  	[hbm4b:s0+s3] =	stream.linear.scatter [tilespmem:s6], [sflag:$0x3], $0x4000, $0x38;
	[tilespmem:$0x8800] =	vst v63  }
0xe5: {  	_ =	swait.ge [sflag:s9], $0x4000  }
0xe6: {  	[sflag:s9] =	ssyncset.done $0x0  }
0xe7: {  	[sflag:s9] =	ssyncadd.s32 $0xFFFFC000  }
0xe8: {  	[tilespmem:s6], [sflag:$0x1] =	stream.indirect.gather [hbm4b:s2+s5], $0x80, s20, s5, $0xb8;
	[tilespmem:$0x8800] =	vst v63  }
0xe9: {  	_ =	swait.ge [sflag:s11], $0x4000  }
0xea: {  	[sflag:s11] =	ssyncset.done $0x0  }
0xeb: {  	s0 =	rddreg [dreg:$0xd];
	[sflag:s11] =	ssyncadd.s32 $0xFFFFC000  }
0xec: {  	[hbm4b:s0+s3] =	stream.linear.scatter [tilespmem:s7], [sflag:$0x4], $0x4000, $0x38;
	[tilespmem:$0x8800] =	vst v63  }
0xed: {  	_ =	swait.ge [sflag:s12], $0x4000  }
0xee: {  	[sflag:s12] =	ssyncset.done $0x0  }
0xef: {  	[sflag:s12] =	ssyncadd.s32 $0xFFFFC000  }
0xf0: {  	[tilespmem:s7], [sflag:$0x2] =	stream.indirect.gather [hbm4b:s2+s5], $0x80, s21, s5, $0xb8;
	[tilespmem:$0x8800] =	vst v63  }
0xf1: {  	_ =	swait.ge [sflag:s8], $0x4000  }
0xf2: {  	[sflag:s8] =	ssyncset.done $0x0  }
0xf3: {  	s0 =	rddreg [dreg:$0xe];
	[sflag:s8] =	ssyncadd.s32 $0xFFFFC000  }
0xf4: {  	[hbm4b:s0+s3] =	stream.linear.scatter [tilespmem:s6], [sflag:$0x3], $0x4000, $0x38;
	[tilespmem:$0x8800] =	vst v63  }
0xf5: {  	_ =	swait.ge [sflag:s9], $0x4000  }
0xf6: {  	[sflag:s9] =	ssyncset.done $0x0  }
0xf7: {  	[sflag:s9] =	ssyncadd.s32 $0xFFFFC000  }
0xf8: {  	[tilespmem:s6], [sflag:$0x1] =	stream.indirect.gather [hbm4b:s2+s5], $0x80, s22, s5, $0xb8;
	[tilespmem:$0x8800] =	vst v63  }
0xf9: {  	_ =	swait.ge [sflag:s11], $0x4000  }
0xfa: {  	[sflag:s11] =	ssyncset.done $0x0  }
0xfb: {  	[sflag:s11] =	ssyncadd.s32 $0xFFFFC000  }
0xfc: {  	[hbm4b:s23+s3] =	stream.linear.scatter [tilespmem:s7], [sflag:$0x4], $0x4000, $0x38;
	[tilespmem:$0x8800] =	vst v63  }
0xfd: {  	_ =	swait.ge [sflag:s12], $0x4000  }
0xfe: {  	[sflag:s12] =	ssyncset.done $0x0  }
0xff: {  	[sflag:s12] =	ssyncadd.s32 $0xFFFFC000  }
0x100: {  	[tilespmem:s7], [sflag:$0x2] =	stream.indirect.gather [hbm4b:s2+s5], $0x80, s24, s5, $0xb8;
	[tilespmem:$0x8800] =	vst v63  }
0x101: {  	_ =	swait.ge [sflag:s8], $0x4000  }
0x102: {  	[sflag:s8] =	ssyncset.done $0x0  }
0x103: {  	[sflag:s8] =	ssyncadd.s32 $0xFFFFC000  }
0x104: {  	[hbm4b:s25+s3] =	stream.linear.scatter [tilespmem:s6], [sflag:$0x3], $0x4000, $0x38;
	[tilespmem:$0x8800] =	vst v63  }
0x105: {  	_ =	swait.ge [sflag:s9], $0x4000  }
0x106: {  	[sflag:s9] =	ssyncset.done $0x0  }
0x107: {  	[sflag:s9] =	ssyncadd.s32 $0xFFFFC000  }
0x108: {  	[tilespmem:s6], [sflag:$0x1] =	stream.indirect.gather [hbm4b:s2+s5], $0x80, s26, s5, $0xb8;
	[tilespmem:$0x8800] =	vst v63  }
0x109: {  	_ =	swait.ge [sflag:s11], $0x4000  }
0x10a: {  	[sflag:s11] =	ssyncset.done $0x0  }
0x10b: {  	[sflag:s11] =	ssyncadd.s32 $0xFFFFC000  }
0x10c: {  	[hbm4b:s28+s3] =	stream.linear.scatter [tilespmem:s7], [sflag:$0x4], $0x4000, $0x38;
	[tilespmem:$0x8800] =	vst v63  }
0x10d: {  	_ =	swait.ge [sflag:s12], $0x4000  }
0x10e: {  	[sflag:s12] =	ssyncset.done $0x0  }
0x10f: {  	[sflag:s12] =	ssyncadd.s32 $0xFFFFC000  }
0x110: {  	[tilespmem:s7], [sflag:$0x2] =	stream.indirect.gather [hbm4b:s2+s5], $0x80, s29, s5, $0xb8;
	[tilespmem:$0x8800] =	vst v63  }
0x111: {  	_ =	swait.ge [sflag:s8], $0x4000  }
0x112: {  	[sflag:s8] =	ssyncset.done $0x0  }
0x113: {  	[sflag:s8] =	ssyncadd.s32 $0xFFFFC000  }
0x114: {  	[hbm4b:s30+s3] =	stream.linear.scatter [tilespmem:s6], [sflag:$0x3], $0x4000, $0x38;
	[tilespmem:$0x8800] =	vst v63  }
0x115: {  	_ =	swait.ge [sflag:s11], $0x4000  }
0x116: {  	[sflag:s11] =	ssyncset.done $0x0  }
0x117: {  	p0 =	sne.s32 s1, $0x1;
	[sflag:s11] =	ssyncadd.s32 $0xFFFFC000  }
0x118: {  	[hbm4b:s31+s3] =	stream.linear.scatter [tilespmem:s7], [sflag:$0x4], $0x4000, $0x38;
	[tilespmem:$0x8800] =	vst v63  }
.Ltmp1:
0x119: {  	_ =	swait.ge [sflag:s9], $0x4000;
	(pc) =	sbr.rel @p0 .LBB2_1-.Ltmp1, $4  }
0x11a: {  	[sflag:s9] =	ssyncset.done $0x0  }
0x11b: {  	[sflag:s9] =	ssyncadd.s32 $0xFFFFC000  }
0x11c: {  	_ =	swait.ge [sflag:s12], $0x4000  }
0x11d: {  	s1 =	sadd.s32 $0xFFFFFFFF, s1;
	[sflag:s12] =	ssyncset.done $0x0  }
.LBB2_2:
0x11e: {  	[sflag:s12] =	ssyncadd.s32 $0xFFFFC000  }
0x11f: {  	_ =	sfence.sel $0x180000  }
0x120: {  	[bflag:$0x0] =	sbarrier.arrive $0xFFFF  }
0x121: {  	_ =	strace $0x9000004A  }
0x122: {  	s0 =	stileid.u32;
	[bflag:$0x2] =	sbarrier.arrive $0xFFFF  }
0x123: {  	p0 =	sne.s32 s0, $0x0;
	s0 =	rddreg [dreg:$0x2]  }
0x124: {  	s0 =	sadd.s32 @!p0 $0x100000, s0  }
0x125: {  	[sflag:s0] =	ssyncadd.tile.s32 @!p0 $0x1;
	_ =	shalt  }
.Lfunc_end2:
_tile_overlayer_lowered:
.L_overlay_start_2:
0x126: {  	(tag) =	ssettag $0x2  }
0x127: {  	s0 =	rddreg [dreg:$0x0];
	s2 =	stileid.u32  }
0x128: {  	s1 =	rddreg [dreg:$0x1];
	p0 =	sne.s32 s2, $0x0  }
0x129: {  	s3 =	rddreg [dreg:$0x2];
	[bflag:$0x3] =	sbarrier.arrive $0xFFFF;
	s2 =	simm.s32 @!p0 $0x1C05  }
0x12a: {  	[timem:s3], [sflag:s2] =	dma.local @!p0 [hbm:s0], s1  }
0x12b: {  	s0 =	simm.s32 @!p0 $0x5  }
0x12c: {  	_ =	swait.ge @!p0 [sflag:s0], s1  }
0x12d: {  	s1 =	ssub.s32 @!p0 $0x0, s1;
	[sflag:s0] =	ssyncset.done @!p0 $0x0  }
0x12e: {  	[sflag:s0] =	ssyncadd.s32 @!p0 s1  }
0x12f: {  	[bflag:$0x3] =	sbarrier.arrive $0xFFFF  }
0x130: {  	_ =	shalt  }

</sc_bundles>
